<compile_context>
chip_gen: v7x
topology: tpu7x:2x2x1
jax: 0.10.2.dev20260603
libtpu: 0.0.44.dev20260713+nightly
codegen_flags: <defaults>
</compile_context>

<pallas_src>
import functools

import jax
import jax.numpy as jnp
from jax import lax
from jax.experimental import pallas as pl
from jax.experimental.pallas import tpu as pltpu
from jax.experimental.pallas import tpu_sc as plsc

N = 10000
E = 320000
D = 128
H = 128
G = 256
NCLS = 10

NSC = 2
NTILE = 16
NW = NSC * NTILE
NPAD = 10240
RPT = NPAD // NTILE

EPW = E // NW

CHD = 80
NCHD = EPW // CHD

CH = 80
NCHUNK = EPW // CH


def _deg_body(dst_hbm, out_hbm, idx0, idx1, ones_v, stage_v, i0, i1, table):
    idx = (idx0, idx1)
    isem = (i0, i1)
    c = lax.axis_index("c")
    s = lax.axis_index("s")
    w = c * NTILE + s

    def _ones(i, _):
        ones_v[pl.ds(i * 16, 16)] = jnp.ones((16,), jnp.float32)
        return 0

    lax.fori_loop(0, CHD // 16, _ones, 0)

    def _zero(i, _):
        stage_v[pl.ds(i * 16, 16)] = jnp.zeros((16,), jnp.float32)
        return 0

    lax.fori_loop(0, RPT // 16, _zero, 0)
    pltpu.sync_copy(stage_v, table.at[pl.ds(s * RPT, RPT)])
    plsc.subcore_barrier()

    def _chunk(j, b, early, pref):
        if not early:
            pltpu.make_async_copy(dst_hbm.at[pl.ds(0, CHD)], idx[b],
                                  isem[b]).wait()
        pltpu.sync_copy(ones_v, table.at[idx[b]], add=True)
        if pref:
            pltpu.async_copy(dst_hbm.at[pl.ds(w * EPW + (j + 2) * CHD,
                                              CHD)], idx[b], isem[b])

    for j in range(2):
        pltpu.sync_copy(dst_hbm.at[pl.ds(w * EPW + j * CHD, CHD)], idx[j])
    _chunk(0, 0, True, True)
    _chunk(1, 1, True, True)

    def _body(g, _):
        j0 = 2 * g + 2
        _chunk(j0, 0, False, True)
        _chunk(j0 + 1, 1, False, True)
        return 0

    lax.fori_loop(0, (NCHD - 5) // 2, _body, 0)
    _chunk(NCHD - 3, 0, False, True)
    _chunk(NCHD - 2, 1, False, False)
    _chunk(NCHD - 1, 0, False, False)
    plsc.subcore_barrier()
    pltpu.sync_copy(table.at[pl.ds(s * RPT, RPT)],
                    out_hbm.at[c, pl.ds(s * RPT, RPT)])


def _agg_body(u_hbm, src_hbm, dst_hbm, out_hbm, sidx0, sidx1, didx0, didx1,
              rows0, rows1, gs0, gs1, iss0, iss1, isd0, isd1, ss0, ss1,
              table):
    rows = (rows0, rows1)
    sidx = (sidx0, sidx1)
    didx = (didx0, didx1)
    gsem = (gs0, gs1)
    isem_s = (iss0, iss1)
    isem_d = (isd0, isd1)
    ssem = (ss0, ss1)
    c = lax.axis_index("c")
    s = lax.axis_index("s")
    w = c * NTILE + s

    def _zero(i, _):
        rows0[i // 8, pl.ds((i % 8) * 16, 16)] = jnp.zeros((16,),
                                                           jnp.float32)
        return 0

    lax.fori_loop(0, CH * (H // 16), _zero, 0)

    def _ztab(k, _):
        pltpu.sync_copy(rows0, table.at[pl.ds(s * RPT + k * CH, CH)])
        return 0

    lax.fori_loop(0, RPT // CH, _ztab, 0)
    plsc.subcore_barrier()

    def _wait_g(b):
        pltpu.make_async_copy(u_hbm.at[sidx[b]], rows[b], gsem[b]).wait()

    def _wait_is(p):
        pltpu.make_async_copy(src_hbm.at[pl.ds(0, CH)], sidx[p],
                              isem_s[p]).wait()

    def _wait_id(p):
        pltpu.make_async_copy(dst_hbm.at[pl.ds(0, CH)], didx[p],
                              isem_d[p]).wait()

    def _chunk(j, b, fi, sec, last, pref):
        _wait_g(b)
        if not last:
            if not fi:
                _wait_is(1 - b)
                pltpu.async_copy(
                    dst_hbm.at[pl.ds(w * EPW + (j + 1) * CH, CH)],
                    didx[1 - b], isem_d[1 - b])
            pltpu.async_copy(u_hbm.at[sidx[1 - b]], rows[1 - b],
                             gsem[1 - b])
        if not (fi or sec):
            _wait_id(b)
        pltpu.sync_copy(rows[b], table.at[didx[b]], add=True)
        if pref:
            pltpu.async_copy(
                src_hbm.at[pl.ds(w * EPW + (j + 2) * CH, CH)],
                sidx[b], isem_s[b])

    for j in range(2):
        pltpu.sync_copy(src_hbm.at[pl.ds(w * EPW + j * CH, CH)], sidx[j])
        pltpu.sync_copy(dst_hbm.at[pl.ds(w * EPW + j * CH, CH)], didx[j])
    pltpu.async_copy(u_hbm.at[sidx0], rows0, gsem[0])
    _chunk(0, 0, True, False, False, True)
    _chunk(1, 1, False, True, False, True)

    def _body(g, _):
        j0 = 2 * g + 2
        _chunk(j0, 0, False, False, False, True)
        _chunk(j0 + 1, 1, False, False, False, True)
        return 0

    lax.fori_loop(0, (NCHUNK - 5) // 2, _body, 0)
    _chunk(NCHUNK - 3, 0, False, False, False, True)
    _chunk(NCHUNK - 2, 1, False, False, False, False)
    _chunk(NCHUNK - 1, 0, False, False, True, False)
    plsc.subcore_barrier()
    pltpu.sync_copy(table.at[pl.ds(s * RPT, RPT)],
                    out_hbm.at[c, pl.ds(s * RPT, RPT)])


@functools.cache
def _sc_kernels():
    mesh = plsc.VectorSubcoreMesh(core_axis_name="c", subcore_axis_name="s")
    deg = pl.kernel(
        _deg_body,
        out_type=jax.ShapeDtypeStruct((NSC, NPAD), jnp.float32),
        mesh=mesh,
        scratch_types=[
            pltpu.VMEM((CHD,), jnp.int32),
            pltpu.VMEM((CHD,), jnp.int32),
            pltpu.VMEM((CHD,), jnp.float32),
            pltpu.VMEM((RPT,), jnp.float32),
            pltpu.SemaphoreType.DMA,
            pltpu.SemaphoreType.DMA,
            pltpu.VMEM_SHARED((NPAD,), jnp.float32),
        ],
    )
    agg = pl.kernel(
        _agg_body,
        out_type=jax.ShapeDtypeStruct((NSC, NPAD, H), jnp.float32),
        mesh=mesh,
        scratch_types=[
            pltpu.VMEM((CH,), jnp.int32),
            pltpu.VMEM((CH,), jnp.int32),
            pltpu.VMEM((CH,), jnp.int32),
            pltpu.VMEM((CH,), jnp.int32),
            pltpu.VMEM((CH, H), jnp.float32),
            pltpu.VMEM((CH, H), jnp.float32),
            pltpu.SemaphoreType.DMA,
            pltpu.SemaphoreType.DMA,
            pltpu.SemaphoreType.DMA,
            pltpu.SemaphoreType.DMA,
            pltpu.SemaphoreType.DMA,
            pltpu.SemaphoreType.DMA,
            pltpu.SemaphoreType.DMA,
            pltpu.SemaphoreType.DMA,
            pltpu.VMEM_SHARED((NPAD, H), jnp.float32),
        ],
    )
    return deg, agg


_BLK = 2000
_NBLK = N // _BLK


def _tc1_body(x_ref, w1_ref, deg_ref, u_ref, dinv_ref):
    deg = deg_ref[0] + deg_ref[1] + 1.0
    dinv = lax.rsqrt(deg)
    dinv_ref[...] = dinv
    u_ref[...] = jnp.dot(x_ref[...], w1_ref[...],
                         preferred_element_type=jnp.float32) * dinv


def _tc2_body(s_ref, u1_ref, dinv_ref, b1_ref, w2_ref, u2_ref):
    dinv = dinv_ref[...]
    h = jax.nn.relu(dinv * (s_ref[0] + s_ref[1] + u1_ref[...]) + b1_ref[...])
    u2_ref[...] = jnp.dot(h, w2_ref[...],
                          preferred_element_type=jnp.float32) * dinv


def _tc3_body(s_ref, u2_ref, dinv_ref, b2_ref, batch_ref,
              t0a_ref, t0b_ref, c0b1_ref, c0b2_ref,
              t1a_ref, t1b_ref, c1b1_ref, c1b2_ref,
              linw_ref, linb_ref, out_ref, sums, cnt):
    i = pl.program_id(0)

    @pl.when(i == 0)
    def _():
        sums[...] = jnp.zeros_like(sums)
        cnt[...] = jnp.zeros_like(cnt)

    h = jax.nn.relu(dinv_ref[...] * (s_ref[0] + s_ref[1] + u2_ref[...])
                    + b2_ref[...])
    gids = lax.broadcasted_iota(jnp.int32, (_BLK, G), 1)
    onehot = (batch_ref[...] == gids).astype(jnp.float32)
    dn = (((0,), (0,)), ((), ()))
    sums[...] += lax.dot_general(onehot, h, dn,
                                 preferred_element_type=jnp.float32)
    cnt[...] += lax.dot_general(onehot, jnp.ones((_BLK, 1), jnp.float32), dn,
                                preferred_element_type=jnp.float32)

    @pl.when(i == _NBLK - 1)
    def _():
        pooled = sums[...] / jnp.maximum(cnt[...], 1.0)
        a = jax.nn.relu(jnp.dot(pooled, t0a_ref[...],
                                preferred_element_type=jnp.float32)
                        + c0b1_ref[...])
        a = jax.nn.relu(jnp.dot(a, t0b_ref[...],
                                preferred_element_type=jnp.float32)
                        + c0b2_ref[...])
        t = jax.nn.relu(a + pooled)
        b = jax.nn.relu(jnp.dot(t, t1a_ref[...],
                                preferred_element_type=jnp.float32)
                        + c1b1_ref[...])
        b = jax.nn.relu(jnp.dot(b, t1b_ref[...],
                                preferred_element_type=jnp.float32)
                        + c1b2_ref[...])
        t2 = jax.nn.relu(b + t)
        out_ref[...] = (jnp.dot(t2, linw_ref[...],
                                preferred_element_type=jnp.float32)
                        + linb_ref[...])


def _row_spec(last):
    return pl.BlockSpec((_BLK, last), lambda i: (i, 0))


def _full_spec(shape):
    nd = len(shape)
    return pl.BlockSpec(shape, lambda i: (0,) * nd)


def _sc_spec(last):
    return pl.BlockSpec((NSC, _BLK, last), lambda i: (0, i, 0))


def kernel(x, edge_index, batch, W1, b1, W2, b2,
           c0w1, c0b1, c0w2, c0b2, c1w1, c1b1, c1w2, c1b2, lin_w, lin_b):
    src = edge_index[0]
    dst = edge_index[1]
    _deg_kernel, _agg_kernel = _sc_kernels()

    degp = _deg_kernel(dst).reshape(NSC, NPAD, 1)

    u1, dinv = pl.pallas_call(
        _tc1_body,
        grid=(_NBLK,),
        in_specs=[_row_spec(D), _full_spec((D, H)), _sc_spec(1)],
        out_specs=[_row_spec(H), _row_spec(1)],
        out_shape=[jax.ShapeDtypeStruct((N, H), jnp.float32),
                   jax.ShapeDtypeStruct((N, 1), jnp.float32)],
    )(x, W1, degp)

    s1 = _agg_kernel(u1, src, dst)

    u2 = pl.pallas_call(
        _tc2_body,
        grid=(_NBLK,),
        in_specs=[_sc_spec(H), _row_spec(H), _row_spec(1),
                  _full_spec((1, H)), _full_spec((H, H))],
        out_specs=_row_spec(H),
        out_shape=jax.ShapeDtypeStruct((N, H), jnp.float32),
    )(s1, u1, dinv, b1.reshape(1, H), W2)

    s2 = _agg_kernel(u2, src, dst)

    out = pl.pallas_call(
        _tc3_body,
        grid=(_NBLK,),
        in_specs=[_sc_spec(H), _row_spec(H), _row_spec(1),
                  _full_spec((1, H)), _row_spec(1),
                  _full_spec((H, H)), _full_spec((H, H)),
                  _full_spec((1, H)), _full_spec((1, H)),
                  _full_spec((H, H)), _full_spec((H, H)),
                  _full_spec((1, H)), _full_spec((1, H)),
                  _full_spec((H, NCLS)), _full_spec((1, NCLS))],
        out_specs=_full_spec((G, NCLS)),
        out_shape=jax.ShapeDtypeStruct((G, NCLS), jnp.float32),
        scratch_shapes=[pltpu.VMEM((G, H), jnp.float32),
                        pltpu.VMEM((G, 1), jnp.float32)],
    )(s2, u2, dinv, b2.reshape(1, H), batch.reshape(N, 1),
      c0w1[:, :, -1].T, c0w2[:, :, -1].T,
      c0b1.reshape(1, H), c0b2.reshape(1, H),
      c1w1[:, :, -1].T, c1w2[:, :, -1].T,
      c1b1.reshape(1, H), c1b2.reshape(1, H),
      lin_w, lin_b.reshape(1, NCLS))

    return out

# --- scband reference (transcript-rebuilt; emitter-appended) ---
"""Pipeline reference for scband-gcn-tcn-11510512353642 (READ-ONLY COPY).

The authoritative reference and input builder live on the scoring server;
editing this copy changes nothing except your own understanding.
"""

import jax, jax.numpy as jnp
import numpy as np
from jax import lax

N = 10000
E = 320000
D = 128
H = 128
G = 256
NC = 10
K = 2

def _gcn_conv(x, src, dst, W, b, num_nodes):
    loop = jnp.arange(num_nodes, dtype=src.dtype)
    s = jnp.concatenate([src, loop])
    d = jnp.concatenate([dst, loop])
    deg = jnp.zeros((num_nodes,), dtype=x.dtype).at[d].add(1.0)
    dinv = jnp.where(deg > 0, 1.0 / jnp.sqrt(deg), 0.0)
    norm = dinv[s] * dinv[d]
    h = x @ W
    msg = h[s] * norm[:, None]
    out = jnp.zeros((num_nodes, W.shape[1]), dtype=x.dtype).at[d].add(msg)
    return out + b

def _causal_conv(x, w, b, dilation):
    pad = (w.shape[2] - 1) * dilation
    y = lax.conv_general_dilated(x, w, window_strides=(1,), padding=[(pad, pad)], rhs_dilation=(dilation,), dimension_numbers=("NCH", "OIH", "NCH"))
    y = y + b[None, :, None]
    if pad > 0:
        y = y[:, :, :-pad]
    return y

def _temporal_block(x, w1, b1, w2, b2, dilation):
    o = jax.nn.relu(_causal_conv(x, w1, b1, dilation))
    o = jax.nn.relu(_causal_conv(o, w2, b2, dilation))
    return jax.nn.relu(o + x)

def setup_inputs(seed: int = 0):
    key = jax.random.key(seed)
    ks = jax.random.split(key, 20)
    inp = {}
    inp["x"] = jax.random.normal(ks[0], (N, D), dtype=jnp.float32)
    inp["edge_index"] = jax.random.randint(ks[1], (2, E), 0, N, dtype=jnp.int32)
    inp["batch"] = jnp.sort(jax.random.randint(ks[2], (N,), 0, G, dtype=jnp.int32))
    inp["W1"] = jax.random.normal(ks[3], (D, H), dtype=jnp.float32) * 0.05
    inp["b1"] = jnp.zeros((H,), dtype=jnp.float32)
    inp["W2"] = jax.random.normal(ks[4], (H, H), dtype=jnp.float32) * 0.05
    inp["b2"] = jnp.zeros((H,), dtype=jnp.float32)
    inp["c0w1"] = jax.random.normal(ks[5], (H, H, K), dtype=jnp.float32) * 0.05
    inp["c0b1"] = jnp.zeros((H,), dtype=jnp.float32)
    inp["c0w2"] = jax.random.normal(ks[6], (H, H, K), dtype=jnp.float32) * 0.05
    inp["c0b2"] = jnp.zeros((H,), dtype=jnp.float32)
    inp["c1w1"] = jax.random.normal(ks[7], (H, H, K), dtype=jnp.float32) * 0.05
    inp["c1b1"] = jnp.zeros((H,), dtype=jnp.float32)
    inp["c1w2"] = jax.random.normal(ks[8], (H, H, K), dtype=jnp.float32) * 0.05
    inp["c1b2"] = jnp.zeros((H,), dtype=jnp.float32)
    inp["lin_w"] = jax.random.normal(ks[9], (H, NC), dtype=jnp.float32) * 0.05
    inp["lin_b"] = jnp.zeros((NC,), dtype=jnp.float32)
    return inp

def reference(x, edge_index, batch, W1, b1, W2, b2, c0w1, c0b1, c0w2, c0b2, c1w1, c1b1, c1w2, c1b2, lin_w, lin_b):
    src, dst = edge_index[0], edge_index[1]
    h = jax.nn.relu(_gcn_conv(x, src, dst, W1, b1, N))
    h = jax.nn.relu(_gcn_conv(h, src, dst, W2, b2, N))
    sums = jnp.zeros((G, H), dtype=h.dtype).at[batch].add(h)
    cnt = jnp.zeros((G,), dtype=h.dtype).at[batch].add(1.0)
    pooled = sums / jnp.clip(cnt, 1.0)[:, None]
    t = pooled[:, :, None]
    t = _temporal_block(t, c0w1, c0b1, c0w2, c0b2, 1)
    t = _temporal_block(t, c1w1, c1b1, c1w2, c1b2, 2)
    last = t[:, :, -1]
    return last @ lin_w + lin_b

if __name__ == "__main__":
    import jax
    _d = setup_inputs()
    print(jax.jit(kernel)(*tuple(_d.values())))

</pallas_src>

<mosaic_0001>
#map = affine_map<(d0, d1) -> (0)>
#map1 = affine_map<(d0, d1) -> (0, 0)>
module attributes {stable_mosaic.version = 14 : i64} {
  func.func @_deg_body(%arg0: i32, %arg1: i32, %arg2: memref<320000xi32, #tpu.memory_space<hbm>>, %arg3: memref<2x10240xf32, #tpu.memory_space<hbm>>, %arg4: memref<80xi32, #tpu.memory_space<vmem>>, %arg5: memref<80xi32, #tpu.memory_space<vmem>>, %arg6: memref<80xf32, #tpu.memory_space<vmem>>, %arg7: memref<640xf32, #tpu.memory_space<vmem>>, %arg8: memref<!tpu.dma_semaphore, #tpu.memory_space<semaphore_mem>>, %arg9: memref<!tpu.dma_semaphore, #tpu.memory_space<semaphore_mem>>, %arg10: memref<10240xf32, #tpu.memory_space<vmem_shared>>) attributes {dimension_semantics = [#tpu.dimension_semantics<core_parallel>, #tpu.dimension_semantics<subcore_parallel>], iteration_bounds = array<i64: 2, 16>, scalar_prefetch = 0 : i64, scratch_operands = 7 : i64, tpu.core_type = #tpu.core_type<sc_vector_subcore>, window_params = [{transform_indices = #map}, {transform_indices = #map1}]} {
    %mul3A = arith.constant 16 : i32
    %mul3A_0 = arith.muli %arg0, %mul3A : i32
    %add3A = arith.addi %mul3A_0, %arg1 : i32
    %scan3A = arith.constant 0 : i32
    %scan3A_1 = arith.constant 0 : i32
    %scan3A_2 = arith.constant 5 : i32
    %scan3A_3 = arith.addi %scan3A_1, %scan3A_2 : i32
    %scan3A_4 = arith.constant 1 : i32
    %scan3A_5 = scf.for %scan3A_64 = %scan3A_1 to %scan3A_3 step %scan3A_4 iter_args(%scan3A_65 = %scan3A) -> (i32)  : i32 {
      %broadcast_in_dim3A = arith.constant 1.000000e+00 : f32
      %broadcast_in_dim3A_66 = vector.broadcast %broadcast_in_dim3A : f32 to vector<16xf32>
      %mul3A_67 = arith.constant 16 : i32
      %mul3A_68 = arith.muli %scan3A_64, %mul3A_67 : i32
      %swap3A = arith.index_cast %mul3A_68 : i32 to index
      %swap3A_69 = tpu.vector_load %arg6[%swap3A] {strides = array<i32>} : memref<80xf32, #tpu.memory_space<vmem>>, vector<16xf32>,
      %swap3A_70 = vector.shape_cast %swap3A_69 : vector<16xf32> to vector<16xf32>
      %swap3A_71 = vector.shape_cast %broadcast_in_dim3A_66 : vector<16xf32> to vector<16xf32>
      tpu.vector_store %arg6[%swap3A], %swap3A_71 {strides = array<i32>} : memref<80xf32, #tpu.memory_space<vmem>>, vector<16xf32>,
      %scan3A_72 = arith.constant 0 : i32
      scf.yield %scan3A_72 : i32
    }
    %scan3A_6 = arith.constant 5 : i32
    %scan3A_7 = arith.constant 0 : i32
    %scan3A_8 = arith.constant 0 : i32
    %scan3A_9 = arith.constant 40 : i32
    %scan3A_10 = arith.addi %scan3A_8, %scan3A_9 : i32
    %scan3A_11 = arith.constant 1 : i32
    %scan3A_12 = scf.for %scan3A_64 = %scan3A_8 to %scan3A_10 step %scan3A_11 iter_args(%scan3A_65 = %scan3A_7) -> (i32)  : i32 {
      %broadcast_in_dim3A = arith.constant 0.000000e+00 : f32
      %broadcast_in_dim3A_66 = vector.broadcast %broadcast_in_dim3A : f32 to vector<16xf32>
      %mul3A_67 = arith.constant 16 : i32
      %mul3A_68 = arith.muli %scan3A_64, %mul3A_67 : i32
      %swap3A = arith.index_cast %mul3A_68 : i32 to index
      %swap3A_69 = tpu.vector_load %arg7[%swap3A] {strides = array<i32>} : memref<640xf32, #tpu.memory_space<vmem>>, vector<16xf32>,
      %swap3A_70 = vector.shape_cast %swap3A_69 : vector<16xf32> to vector<16xf32>
      %swap3A_71 = vector.shape_cast %broadcast_in_dim3A_66 : vector<16xf32> to vector<16xf32>
      tpu.vector_store %arg7[%swap3A], %swap3A_71 {strides = array<i32>} : memref<640xf32, #tpu.memory_space<vmem>>, vector<16xf32>,
      %scan3A_72 = arith.constant 0 : i32
      scf.yield %scan3A_72 : i32
    }
    %scan3A_13 = arith.constant 40 : i32
    %mul3A_14 = arith.constant 640 : i32
    %mul3A_15 = arith.muli %arg1, %mul3A_14 : i32
    "tpu.region"() ({
      %run_scoped3A = tpu.sem_alloc : memref<!tpu.dma_semaphore, #tpu.memory_space<semaphore_mem>>
      %dma_start3A_64 = tpu.memref_slice %arg10[%mul3A_15] : memref<10240xf32, #tpu.memory_space<vmem_shared>> -> memref<640xf32, #tpu.memory_space<vmem_shared>>
      %dma_start3A_65 = tpu.memref_slice %arg10[%mul3A_15] : memref<10240xf32, #tpu.memory_space<vmem_shared>> -> memref<640xf32, #tpu.memory_space<vmem_shared>>
      tpu.enqueue_dma source(%arg7 : memref<640xf32, #tpu.memory_space<vmem>>) target(%dma_start3A_65 : memref<640xf32, #tpu.memory_space<vmem_shared>>) target_semaphore(%run_scoped3A : memref<!tpu.dma_semaphore, #tpu.memory_space<semaphore_mem>>)
      %dma_wait3A_66 = tpu.memref_slice %arg10[%mul3A_15] : memref<10240xf32, #tpu.memory_space<vmem_shared>> -> memref<640xf32, #tpu.memory_space<vmem_shared>>
      %dma_wait3A_67 = tpu.memref_slice %arg10[%mul3A_15] : memref<10240xf32, #tpu.memory_space<vmem_shared>> -> memref<640xf32, #tpu.memory_space<vmem_shared>>
      tpu.wait_dma2 semaphore(%run_scoped3A : memref<!tpu.dma_semaphore, #tpu.memory_space<semaphore_mem>>) src(%arg7 : memref<640xf32, #tpu.memory_space<vmem>>) dst(%dma_wait3A_67 : memref<640xf32, #tpu.memory_space<vmem_shared>>)
      tpu.yield
    }) : () -> ()
    %barrier3A = arith.constant 0 : index
    tpu.barrier barrier_id(%barrier3A)
    %mul3A_16 = arith.constant 10000 : i32
    %mul3A_17 = arith.muli %add3A, %mul3A_16 : i32
    %add3A_18 = arith.constant 0 : i32
    %add3A_19 = arith.addi %mul3A_17, %add3A_18 : i32
    "tpu.region"() ({
      %run_scoped3A = tpu.sem_alloc : memref<!tpu.dma_semaphore, #tpu.memory_space<semaphore_mem>>
      %dma_start3A_64 = tpu.memref_slice %arg2[%add3A_19] : memref<320000xi32, #tpu.memory_space<hbm>> -> memref<80xi32, #tpu.memory_space<hbm>>
      %dma_start3A_65 = tpu.memref_slice %arg2[%add3A_19] : memref<320000xi32, #tpu.memory_space<hbm>> -> memref<80xi32, #tpu.memory_space<hbm>>
      tpu.enqueue_dma source(%dma_start3A_65 : memref<80xi32, #tpu.memory_space<hbm>>) target(%arg4 : memref<80xi32, #tpu.memory_space<vmem>>) target_semaphore(%run_scoped3A : memref<!tpu.dma_semaphore, #tpu.memory_space<semaphore_mem>>)
      %dma_wait3A_66 = tpu.memref_slice %arg2[%add3A_19] : memref<320000xi32, #tpu.memory_space<hbm>> -> memref<80xi32, #tpu.memory_space<hbm>>
      %dma_wait3A_67 = tpu.memref_slice %arg2[%add3A_19] : memref<320000xi32, #tpu.memory_space<hbm>> -> memref<80xi32, #tpu.memory_space<hbm>>
      tpu.wait_dma2 semaphore(%run_scoped3A : memref<!tpu.dma_semaphore, #tpu.memory_space<semaphore_mem>>) src(%dma_wait3A_67 : memref<80xi32, #tpu.memory_space<hbm>>) dst(%arg4 : memref<80xi32, #tpu.memory_space<vmem>>)
      tpu.yield
    }) : () -> ()
    %mul3A_20 = arith.constant 10000 : i32
    %mul3A_21 = arith.muli %add3A, %mul3A_20 : i32
    %add3A_22 = arith.constant 80 : i32
    %add3A_23 = arith.addi %mul3A_21, %add3A_22 : i32
    "tpu.region"() ({
      %run_scoped3A = tpu.sem_alloc : memref<!tpu.dma_semaphore, #tpu.memory_space<semaphore_mem>>
      %dma_start3A_64 = tpu.memref_slice %arg2[%add3A_23] : memref<320000xi32, #tpu.memory_space<hbm>> -> memref<80xi32, #tpu.memory_space<hbm>>
      %dma_start3A_65 = tpu.memref_slice %arg2[%add3A_23] : memref<320000xi32, #tpu.memory_space<hbm>> -> memref<80xi32, #tpu.memory_space<hbm>>
      tpu.enqueue_dma source(%dma_start3A_65 : memref<80xi32, #tpu.memory_space<hbm>>) target(%arg5 : memref<80xi32, #tpu.memory_space<vmem>>) target_semaphore(%run_scoped3A : memref<!tpu.dma_semaphore, #tpu.memory_space<semaphore_mem>>)
      %dma_wait3A_66 = tpu.memref_slice %arg2[%add3A_23] : memref<320000xi32, #tpu.memory_space<hbm>> -> memref<80xi32, #tpu.memory_space<hbm>>
      %dma_wait3A_67 = tpu.memref_slice %arg2[%add3A_23] : memref<320000xi32, #tpu.memory_space<hbm>> -> memref<80xi32, #tpu.memory_space<hbm>>
      tpu.wait_dma2 semaphore(%run_scoped3A : memref<!tpu.dma_semaphore, #tpu.memory_space<semaphore_mem>>) src(%dma_wait3A_67 : memref<80xi32, #tpu.memory_space<hbm>>) dst(%arg5 : memref<80xi32, #tpu.memory_space<vmem>>)
      tpu.yield
    }) : () -> ()
    "tpu.region"() ({
      %run_scoped3A = tpu.sem_alloc : memref<!tpu.dma_semaphore, #tpu.memory_space<semaphore_mem>>
      %dma_start3A_64 = arith.constant 0 : i32
      %dma_start3A_65 = tpu.memref_slice %arg10[%dma_start3A_64] : memref<10240xf32, #tpu.memory_space<vmem_shared>> -> memref<10240xf32, #tpu.memory_space<vmem_shared>>
      tpu.enqueue_indirect_dma source(%arg6 : memref<80xf32, #tpu.memory_space<vmem>>) target(%dma_start3A_65 : memref<10240xf32, #tpu.memory_space<vmem_shared>>) offsets(%arg4 : memref<80xi32, #tpu.memory_space<vmem>>) semaphore(%run_scoped3A : memref<!tpu.dma_semaphore, #tpu.memory_space<semaphore_mem>>) {add = true}
      %dma_wait3A_66 = arith.constant 0 : i32
      %dma_wait3A_67 = tpu.memref_slice %arg10[%dma_wait3A_66] : memref<10240xf32, #tpu.memory_space<vmem_shared>> -> memref<10240xf32, #tpu.memory_space<vmem_shared>>
      tpu.wait_indirect_dma semaphore(%run_scoped3A : memref<!tpu.dma_semaphore, #tpu.memory_space<semaphore_mem>>) src(%arg6 : memref<80xf32, #tpu.memory_space<vmem>>) dst(%dma_wait3A_67 : memref<10240xf32, #tpu.memory_space<vmem_shared>>)
      tpu.yield
    }) : () -> ()
    %mul3A_24 = arith.constant 10000 : i32
    %mul3A_25 = arith.muli %add3A, %mul3A_24 : i32
    %add3A_26 = arith.constant 160 : i32
    %add3A_27 = arith.addi %mul3A_25, %add3A_26 : i32
    %dma_start3A = tpu.memref_slice %arg2[%add3A_27] : memref<320000xi32, #tpu.memory_space<hbm>> -> memref<80xi32, #tpu.memory_space<hbm>>
    %dma_start3A_28 = tpu.memref_slice %arg2[%add3A_27] : memref<320000xi32, #tpu.memory_space<hbm>> -> memref<80xi32, #tpu.memory_space<hbm>>
    tpu.enqueue_dma source(%dma_start3A_28 : memref<80xi32, #tpu.memory_space<hbm>>) target(%arg4 : memref<80xi32, #tpu.memory_space<vmem>>) target_semaphore(%arg8 : memref<!tpu.dma_semaphore, #tpu.memory_space<semaphore_mem>>)
    "tpu.region"() ({
      %run_scoped3A = tpu.sem_alloc : memref<!tpu.dma_semaphore, #tpu.memory_space<semaphore_mem>>
      %dma_start3A_64 = arith.constant 0 : i32
      %dma_start3A_65 = tpu.memref_slice %arg10[%dma_start3A_64] : memref<10240xf32, #tpu.memory_space<vmem_shared>> -> memref<10240xf32, #tpu.memory_space<vmem_shared>>
      tpu.enqueue_indirect_dma source(%arg6 : memref<80xf32, #tpu.memory_space<vmem>>) target(%dma_start3A_65 : memref<10240xf32, #tpu.memory_space<vmem_shared>>) offsets(%arg5 : memref<80xi32, #tpu.memory_space<vmem>>) semaphore(%run_scoped3A : memref<!tpu.dma_semaphore, #tpu.memory_space<semaphore_mem>>) {add = true}
      %dma_wait3A_66 = arith.constant 0 : i32
      %dma_wait3A_67 = tpu.memref_slice %arg10[%dma_wait3A_66] : memref<10240xf32, #tpu.memory_space<vmem_shared>> -> memref<10240xf32, #tpu.memory_space<vmem_shared>>
      tpu.wait_indirect_dma semaphore(%run_scoped3A : memref<!tpu.dma_semaphore, #tpu.memory_space<semaphore_mem>>) src(%arg6 : memref<80xf32, #tpu.memory_space<vmem>>) dst(%dma_wait3A_67 : memref<10240xf32, #tpu.memory_space<vmem_shared>>)
      tpu.yield
    }) : () -> ()
    %mul3A_29 = arith.constant 10000 : i32
    %mul3A_30 = arith.muli %add3A, %mul3A_29 : i32
    %add3A_31 = arith.constant 240 : i32
    %add3A_32 = arith.addi %mul3A_30, %add3A_31 : i32
    %dma_start3A_33 = tpu.memref_slice %arg2[%add3A_32] : memref<320000xi32, #tpu.memory_space<hbm>> -> memref<80xi32, #tpu.memory_space<hbm>>
    %dma_start3A_34 = tpu.memref_slice %arg2[%add3A_32] : memref<320000xi32, #tpu.memory_space<hbm>> -> memref<80xi32, #tpu.memory_space<hbm>>
    tpu.enqueue_dma source(%dma_start3A_34 : memref<80xi32, #tpu.memory_space<hbm>>) target(%arg5 : memref<80xi32, #tpu.memory_space<vmem>>) target_semaphore(%arg9 : memref<!tpu.dma_semaphore, #tpu.memory_space<semaphore_mem>>)
    %scan3A_35 = arith.constant 0 : i32
    %scan3A_36 = arith.constant 0 : i32
    %scan3A_37 = arith.constant 60 : i32
    %scan3A_38 = arith.addi %scan3A_36, %scan3A_37 : i32
    %scan3A_39 = arith.constant 1 : i32
    %scan3A_40 = scf.for %scan3A_64 = %scan3A_36 to %scan3A_38 step %scan3A_39 iter_args(%scan3A_65 = %scan3A_35) -> (i32)  : i32 {
      %mul3A_66 = arith.constant 2 : i32
      %mul3A_67 = arith.muli %mul3A_66, %scan3A_64 : i32
      %add3A_68 = arith.constant 2 : i32
      %add3A_69 = arith.addi %mul3A_67, %add3A_68 : i32
      %dma_wait3A_70 = arith.constant 0 : i32
      %dma_wait3A_71 = tpu.memref_slice %arg2[%dma_wait3A_70] : memref<320000xi32, #tpu.memory_space<hbm>> -> memref<80xi32, #tpu.memory_space<hbm>>
      %dma_wait3A_72 = arith.constant 0 : i32
      %dma_wait3A_73 = tpu.memref_slice %arg2[%dma_wait3A_72] : memref<320000xi32, #tpu.memory_space<hbm>> -> memref<80xi32, #tpu.memory_space<hbm>>
      tpu.wait_dma2 semaphore(%arg8 : memref<!tpu.dma_semaphore, #tpu.memory_space<semaphore_mem>>) src(%dma_wait3A_73 : memref<80xi32, #tpu.memory_space<hbm>>) dst(%arg4 : memref<80xi32, #tpu.memory_space<vmem>>)
      "tpu.region"() ({
        %run_scoped3A = tpu.sem_alloc : memref<!tpu.dma_semaphore, #tpu.memory_space<semaphore_mem>>
        %dma_start3A_99 = arith.constant 0 : i32
        %dma_start3A_100 = tpu.memref_slice %arg10[%dma_start3A_99] : memref<10240xf32, #tpu.memory_space<vmem_shared>> -> memref<10240xf32, #tpu.memory_space<vmem_shared>>
        tpu.enqueue_indirect_dma source(%arg6 : memref<80xf32, #tpu.memory_space<vmem>>) target(%dma_start3A_100 : memref<10240xf32, #tpu.memory_space<vmem_shared>>) offsets(%arg4 : memref<80xi32, #tpu.memory_space<vmem>>) semaphore(%run_scoped3A : memref<!tpu.dma_semaphore, #tpu.memory_space<semaphore_mem>>) {add = true}
        %dma_wait3A_101 = arith.constant 0 : i32
        %dma_wait3A_102 = tpu.memref_slice %arg10[%dma_wait3A_101] : memref<10240xf32, #tpu.memory_space<vmem_shared>> -> memref<10240xf32, #tpu.memory_space<vmem_shared>>
        tpu.wait_indirect_dma semaphore(%run_scoped3A : memref<!tpu.dma_semaphore, #tpu.memory_space<semaphore_mem>>) src(%arg6 : memref<80xf32, #tpu.memory_space<vmem>>) dst(%dma_wait3A_102 : memref<10240xf32, #tpu.memory_space<vmem_shared>>)
        tpu.yield
      }) : () -> ()
      %mul3A_74 = arith.constant 10000 : i32
      %mul3A_75 = arith.muli %add3A, %mul3A_74 : i32
      %add3A_76 = arith.constant 2 : i32
      %add3A_77 = arith.addi %add3A_69, %add3A_76 : i32
      %mul3A_78 = arith.constant 80 : i32
      %mul3A_79 = arith.muli %add3A_77, %mul3A_78 : i32
      %add3A_80 = arith.addi %mul3A_75, %mul3A_79 : i32
      %dma_start3A_81 = tpu.memref_slice %arg2[%add3A_80] : memref<320000xi32, #tpu.memory_space<hbm>> -> memref<80xi32, #tpu.memory_space<hbm>>
      %dma_start3A_82 = tpu.memref_slice %arg2[%add3A_80] : memref<320000xi32, #tpu.memory_space<hbm>> -> memref<80xi32, #tpu.memory_space<hbm>>
      tpu.enqueue_dma source(%dma_start3A_82 : memref<80xi32, #tpu.memory_space<hbm>>) target(%arg4 : memref<80xi32, #tpu.memory_space<vmem>>) target_semaphore(%arg8 : memref<!tpu.dma_semaphore, #tpu.memory_space<semaphore_mem>>)
      %add3A_83 = arith.constant 1 : i32
      %add3A_84 = arith.addi %add3A_69, %add3A_83 : i32
      %dma_wait3A_85 = arith.constant 0 : i32
      %dma_wait3A_86 = tpu.memref_slice %arg2[%dma_wait3A_85] : memref<320000xi32, #tpu.memory_space<hbm>> -> memref<80xi32, #tpu.memory_space<hbm>>
      %dma_wait3A_87 = arith.constant 0 : i32
      %dma_wait3A_88 = tpu.memref_slice %arg2[%dma_wait3A_87] : memref<320000xi32, #tpu.memory_space<hbm>> -> memref<80xi32, #tpu.memory_space<hbm>>
      tpu.wait_dma2 semaphore(%arg9 : memref<!tpu.dma_semaphore, #tpu.memory_space<semaphore_mem>>) src(%dma_wait3A_88 : memref<80xi32, #tpu.memory_space<hbm>>) dst(%arg5 : memref<80xi32, #tpu.memory_space<vmem>>)
      "tpu.region"() ({
        %run_scoped3A = tpu.sem_alloc : memref<!tpu.dma_semaphore, #tpu.memory_space<semaphore_mem>>
        %dma_start3A_99 = arith.constant 0 : i32
        %dma_start3A_100 = tpu.memref_slice %arg10[%dma_start3A_99] : memref<10240xf32, #tpu.memory_space<vmem_shared>> -> memref<10240xf32, #tpu.memory_space<vmem_shared>>
        tpu.enqueue_indirect_dma source(%arg6 : memref<80xf32, #tpu.memory_space<vmem>>) target(%dma_start3A_100 : memref<10240xf32, #tpu.memory_space<vmem_shared>>) offsets(%arg5 : memref<80xi32, #tpu.memory_space<vmem>>) semaphore(%run_scoped3A : memref<!tpu.dma_semaphore, #tpu.memory_space<semaphore_mem>>) {add = true}
        %dma_wait3A_101 = arith.constant 0 : i32
        %dma_wait3A_102 = tpu.memref_slice %arg10[%dma_wait3A_101] : memref<10240xf32, #tpu.memory_space<vmem_shared>> -> memref<10240xf32, #tpu.memory_space<vmem_shared>>
        tpu.wait_indirect_dma semaphore(%run_scoped3A : memref<!tpu.dma_semaphore, #tpu.memory_space<semaphore_mem>>) src(%arg6 : memref<80xf32, #tpu.memory_space<vmem>>) dst(%dma_wait3A_102 : memref<10240xf32, #tpu.memory_space<vmem_shared>>)
        tpu.yield
      }) : () -> ()
      %mul3A_89 = arith.constant 10000 : i32
      %mul3A_90 = arith.muli %add3A, %mul3A_89 : i32
      %add3A_91 = arith.constant 2 : i32
      %add3A_92 = arith.addi %add3A_84, %add3A_91 : i32
      %mul3A_93 = arith.constant 80 : i32
      %mul3A_94 = arith.muli %add3A_92, %mul3A_93 : i32
      %add3A_95 = arith.addi %mul3A_90, %mul3A_94 : i32
      %dma_start3A_96 = tpu.memref_slice %arg2[%add3A_95] : memref<320000xi32, #tpu.memory_space<hbm>> -> memref<80xi32, #tpu.memory_space<hbm>>
      %dma_start3A_97 = tpu.memref_slice %arg2[%add3A_95] : memref<320000xi32, #tpu.memory_space<hbm>> -> memref<80xi32, #tpu.memory_space<hbm>>
      tpu.enqueue_dma source(%dma_start3A_97 : memref<80xi32, #tpu.memory_space<hbm>>) target(%arg5 : memref<80xi32, #tpu.memory_space<vmem>>) target_semaphore(%arg9 : memref<!tpu.dma_semaphore, #tpu.memory_space<semaphore_mem>>)
      %scan3A_98 = arith.constant 0 : i32
      scf.yield %scan3A_98 : i32
    }
    %scan3A_41 = arith.constant 60 : i32
    %dma_wait3A = arith.constant 0 : i32
    %dma_wait3A_42 = tpu.memref_slice %arg2[%dma_wait3A] : memref<320000xi32, #tpu.memory_space<hbm>> -> memref<80xi32, #tpu.memory_space<hbm>>
    %dma_wait3A_43 = arith.constant 0 : i32
    %dma_wait3A_44 = tpu.memref_slice %arg2[%dma_wait3A_43] : memref<320000xi32, #tpu.memory_space<hbm>> -> memref<80xi32, #tpu.memory_space<hbm>>
    tpu.wait_dma2 semaphore(%arg8 : memref<!tpu.dma_semaphore, #tpu.memory_space<semaphore_mem>>) src(%dma_wait3A_44 : memref<80xi32, #tpu.memory_space<hbm>>) dst(%arg4 : memref<80xi32, #tpu.memory_space<vmem>>)
    "tpu.region"() ({
      %run_scoped3A = tpu.sem_alloc : memref<!tpu.dma_semaphore, #tpu.memory_space<semaphore_mem>>
      %dma_start3A_64 = arith.constant 0 : i32
      %dma_start3A_65 = tpu.memref_slice %arg10[%dma_start3A_64] : memref<10240xf32, #tpu.memory_space<vmem_shared>> -> memref<10240xf32, #tpu.memory_space<vmem_shared>>
      tpu.enqueue_indirect_dma source(%arg6 : memref<80xf32, #tpu.memory_space<vmem>>) target(%dma_start3A_65 : memref<10240xf32, #tpu.memory_space<vmem_shared>>) offsets(%arg4 : memref<80xi32, #tpu.memory_space<vmem>>) semaphore(%run_scoped3A : memref<!tpu.dma_semaphore, #tpu.memory_space<semaphore_mem>>) {add = true}
      %dma_wait3A_66 = arith.constant 0 : i32
      %dma_wait3A_67 = tpu.memref_slice %arg10[%dma_wait3A_66] : memref<10240xf32, #tpu.memory_space<vmem_shared>> -> memref<10240xf32, #tpu.memory_space<vmem_shared>>
      tpu.wait_indirect_dma semaphore(%run_scoped3A : memref<!tpu.dma_semaphore, #tpu.memory_space<semaphore_mem>>) src(%arg6 : memref<80xf32, #tpu.memory_space<vmem>>) dst(%dma_wait3A_67 : memref<10240xf32, #tpu.memory_space<vmem_shared>>)
      tpu.yield
    }) : () -> ()
    %mul3A_45 = arith.constant 10000 : i32
    %mul3A_46 = arith.muli %add3A, %mul3A_45 : i32
    %add3A_47 = arith.constant 9920 : i32
    %add3A_48 = arith.addi %mul3A_46, %add3A_47 : i32
    %dma_start3A_49 = tpu.memref_slice %arg2[%add3A_48] : memref<320000xi32, #tpu.memory_space<hbm>> -> memref<80xi32, #tpu.memory_space<hbm>>
    %dma_start3A_50 = tpu.memref_slice %arg2[%add3A_48] : memref<320000xi32, #tpu.memory_space<hbm>> -> memref<80xi32, #tpu.memory_space<hbm>>
    tpu.enqueue_dma source(%dma_start3A_50 : memref<80xi32, #tpu.memory_space<hbm>>) target(%arg4 : memref<80xi32, #tpu.memory_space<vmem>>) target_semaphore(%arg8 : memref<!tpu.dma_semaphore, #tpu.memory_space<semaphore_mem>>)
    %dma_wait3A_51 = arith.constant 0 : i32
    %dma_wait3A_52 = tpu.memref_slice %arg2[%dma_wait3A_51] : memref<320000xi32, #tpu.memory_space<hbm>> -> memref<80xi32, #tpu.memory_space<hbm>>
    %dma_wait3A_53 = arith.constant 0 : i32
    %dma_wait3A_54 = tpu.memref_slice %arg2[%dma_wait3A_53] : memref<320000xi32, #tpu.memory_space<hbm>> -> memref<80xi32, #tpu.memory_space<hbm>>
    tpu.wait_dma2 semaphore(%arg9 : memref<!tpu.dma_semaphore, #tpu.memory_space<semaphore_mem>>) src(%dma_wait3A_54 : memref<80xi32, #tpu.memory_space<hbm>>) dst(%arg5 : memref<80xi32, #tpu.memory_space<vmem>>)
    "tpu.region"() ({
      %run_scoped3A = tpu.sem_alloc : memref<!tpu.dma_semaphore, #tpu.memory_space<semaphore_mem>>
      %dma_start3A_64 = arith.constant 0 : i32
      %dma_start3A_65 = tpu.memref_slice %arg10[%dma_start3A_64] : memref<10240xf32, #tpu.memory_space<vmem_shared>> -> memref<10240xf32, #tpu.memory_space<vmem_shared>>
      tpu.enqueue_indirect_dma source(%arg6 : memref<80xf32, #tpu.memory_space<vmem>>) target(%dma_start3A_65 : memref<10240xf32, #tpu.memory_space<vmem_shared>>) offsets(%arg5 : memref<80xi32, #tpu.memory_space<vmem>>) semaphore(%run_scoped3A : memref<!tpu.dma_semaphore, #tpu.memory_space<semaphore_mem>>) {add = true}
      %dma_wait3A_66 = arith.constant 0 : i32
      %dma_wait3A_67 = tpu.memref_slice %arg10[%dma_wait3A_66] : memref<10240xf32, #tpu.memory_space<vmem_shared>> -> memref<10240xf32, #tpu.memory_space<vmem_shared>>
      tpu.wait_indirect_dma semaphore(%run_scoped3A : memref<!tpu.dma_semaphore, #tpu.memory_space<semaphore_mem>>) src(%arg6 : memref<80xf32, #tpu.memory_space<vmem>>) dst(%dma_wait3A_67 : memref<10240xf32, #tpu.memory_space<vmem_shared>>)
      tpu.yield
    }) : () -> ()
    %dma_wait3A_55 = arith.constant 0 : i32
    %dma_wait3A_56 = tpu.memref_slice %arg2[%dma_wait3A_55] : memref<320000xi32, #tpu.memory_space<hbm>> -> memref<80xi32, #tpu.memory_space<hbm>>
    %dma_wait3A_57 = arith.constant 0 : i32
    %dma_wait3A_58 = tpu.memref_slice %arg2[%dma_wait3A_57] : memref<320000xi32, #tpu.memory_space<hbm>> -> memref<80xi32, #tpu.memory_space<hbm>>
    tpu.wait_dma2 semaphore(%arg8 : memref<!tpu.dma_semaphore, #tpu.memory_space<semaphore_mem>>) src(%dma_wait3A_58 : memref<80xi32, #tpu.memory_space<hbm>>) dst(%arg4 : memref<80xi32, #tpu.memory_space<vmem>>)
    "tpu.region"() ({
      %run_scoped3A = tpu.sem_alloc : memref<!tpu.dma_semaphore, #tpu.memory_space<semaphore_mem>>
      %dma_start3A_64 = arith.constant 0 : i32
      %dma_start3A_65 = tpu.memref_slice %arg10[%dma_start3A_64] : memref<10240xf32, #tpu.memory_space<vmem_shared>> -> memref<10240xf32, #tpu.memory_space<vmem_shared>>
      tpu.enqueue_indirect_dma source(%arg6 : memref<80xf32, #tpu.memory_space<vmem>>) target(%dma_start3A_65 : memref<10240xf32, #tpu.memory_space<vmem_shared>>) offsets(%arg4 : memref<80xi32, #tpu.memory_space<vmem>>) semaphore(%run_scoped3A : memref<!tpu.dma_semaphore, #tpu.memory_space<semaphore_mem>>) {add = true}
      %dma_wait3A_66 = arith.constant 0 : i32
      %dma_wait3A_67 = tpu.memref_slice %arg10[%dma_wait3A_66] : memref<10240xf32, #tpu.memory_space<vmem_shared>> -> memref<10240xf32, #tpu.memory_space<vmem_shared>>
      tpu.wait_indirect_dma semaphore(%run_scoped3A : memref<!tpu.dma_semaphore, #tpu.memory_space<semaphore_mem>>) src(%arg6 : memref<80xf32, #tpu.memory_space<vmem>>) dst(%dma_wait3A_67 : memref<10240xf32, #tpu.memory_space<vmem_shared>>)
      tpu.yield
    }) : () -> ()
    %barrier3A_59 = arith.constant 0 : index
    tpu.barrier barrier_id(%barrier3A_59)
    %mul3A_60 = arith.constant 640 : i32
    %mul3A_61 = arith.muli %arg1, %mul3A_60 : i32
    %mul3A_62 = arith.constant 640 : i32
    %mul3A_63 = arith.muli %arg1, %mul3A_62 : i32
    "tpu.region"() ({
      %run_scoped3A = tpu.sem_alloc : memref<!tpu.dma_semaphore, #tpu.memory_space<semaphore_mem>>
      %dma_start3A_64 = tpu.memref_slice %arg3[%arg0, %mul3A_63] : memref<2x10240xf32, #tpu.memory_space<hbm>> -> memref<1x640xf32, #tpu.memory_space<hbm>>
      %dma_start3A_65 = tpu.memref_squeeze %dma_start3A_64 : memref<1x640xf32, #tpu.memory_space<hbm>> -> memref<640xf32, #tpu.memory_space<hbm>>
      %dma_start3A_66 = tpu.memref_slice %arg10[%mul3A_61] : memref<10240xf32, #tpu.memory_space<vmem_shared>> -> memref<640xf32, #tpu.memory_space<vmem_shared>>
      tpu.enqueue_dma source(%dma_start3A_66 : memref<640xf32, #tpu.memory_space<vmem_shared>>) target(%dma_start3A_65 : memref<640xf32, #tpu.memory_space<hbm>>) target_semaphore(%run_scoped3A : memref<!tpu.dma_semaphore, #tpu.memory_space<semaphore_mem>>)
      %dma_wait3A_67 = tpu.memref_slice %arg3[%arg0, %mul3A_63] : memref<2x10240xf32, #tpu.memory_space<hbm>> -> memref<1x640xf32, #tpu.memory_space<hbm>>
      %dma_wait3A_68 = tpu.memref_squeeze %dma_wait3A_67 : memref<1x640xf32, #tpu.memory_space<hbm>> -> memref<640xf32, #tpu.memory_space<hbm>>
      %dma_wait3A_69 = tpu.memref_slice %arg10[%mul3A_61] : memref<10240xf32, #tpu.memory_space<vmem_shared>> -> memref<640xf32, #tpu.memory_space<vmem_shared>>
      tpu.wait_dma2 semaphore(%run_scoped3A : memref<!tpu.dma_semaphore, #tpu.memory_space<semaphore_mem>>) src(%dma_wait3A_69 : memref<640xf32, #tpu.memory_space<vmem_shared>>) dst(%dma_wait3A_68 : memref<640xf32, #tpu.memory_space<hbm>>)
      tpu.yield
    }) : () -> ()
    return
  }
}

#map = affine_map<(d0, d1) -> (0, 0)>
#map1 = affine_map<(d0, d1) -> (0)>
#map2 = affine_map<(d0, d1) -> (0, 0, 0)>
module attributes {stable_mosaic.version = 14 : i64} {
  func.func @_agg_body(%arg0: i32, %arg1: i32, %arg2: memref<10000x128xf32, #tpu.memory_space<hbm>>, %arg3: memref<320000xi32, #tpu.memory_space<hbm>>, %arg4: memref<320000xi32, #tpu.memory_space<hbm>>, %arg5: memref<2x10240x128xf32, #tpu.memory_space<hbm>>, %arg6: memref<80xi32, #tpu.memory_space<vmem>>, %arg7: memref<80xi32, #tpu.memory_space<vmem>>, %arg8: memref<80xi32, #tpu.memory_space<vmem>>, %arg9: memref<80xi32, #tpu.memory_space<vmem>>, %arg10: memref<80x128xf32, #tpu.memory_space<vmem>>, %arg11: memref<80x128xf32, #tpu.memory_space<vmem>>, %arg12: memref<!tpu.dma_semaphore, #tpu.memory_space<semaphore_mem>>, %arg13: memref<!tpu.dma_semaphore, #tpu.memory_space<semaphore_mem>>, %arg14: memref<!tpu.dma_semaphore, #tpu.memory_space<semaphore_mem>>, %arg15: memref<!tpu.dma_semaphore, #tpu.memory_space<semaphore_mem>>, %arg16: memref<!tpu.dma_semaphore, #tpu.memory_space<semaphore_mem>>, %arg17: memref<!tpu.dma_semaphore, #tpu.memory_space<semaphore_mem>>, %arg18: memref<!tpu.dma_semaphore, #tpu.memory_space<semaphore_mem>>, %arg19: memref<!tpu.dma_semaphore, #tpu.memory_space<semaphore_mem>>, %arg20: memref<10240x128xf32, #tpu.memory_space<vmem_shared>>) attributes {dimension_semantics = [#tpu.dimension_semantics<core_parallel>, #tpu.dimension_semantics<subcore_parallel>], iteration_bounds = array<i64: 2, 16>, scalar_prefetch = 0 : i64, scratch_operands = 15 : i64, tpu.core_type = #tpu.core_type<sc_vector_subcore>, window_params = [{transform_indices = #map}, {transform_indices = #map1}, {transform_indices = #map1}, {transform_indices = #map2}]} {
    %mul3A = arith.constant 16 : i32
    %mul3A_0 = arith.muli %arg0, %mul3A : i32
    %add3A = arith.addi %mul3A_0, %arg1 : i32
    %scan3A = arith.constant 0 : i32
    %scan3A_1 = arith.constant 0 : i32
    %scan3A_2 = arith.constant 640 : i32
    %scan3A_3 = arith.addi %scan3A_1, %scan3A_2 : i32
    %scan3A_4 = arith.constant 1 : i32
    %scan3A_5 = scf.for %scan3A_130 = %scan3A_1 to %scan3A_3 step %scan3A_4 iter_args(%scan3A_131 = %scan3A) -> (i32)  : i32 {
      %broadcast_in_dim3A = arith.constant 0.000000e+00 : f32
      %broadcast_in_dim3A_132 = vector.broadcast %broadcast_in_dim3A : f32 to vector<16xf32>
      %jit3A = arith.constant 8 : i32
      %div3A = arith.divsi %scan3A_130, %jit3A : i32
      %sign3A = arith.constant 0 : i32
      %sign3A_133 = arith.cmpi sgt, %scan3A_130, %sign3A : i32
      %sign3A_134 = arith.extui %sign3A_133 : i1 to i32
      %sign3A_135 = arith.constant 0 : i32
      %sign3A_136 = arith.cmpi slt, %scan3A_130, %sign3A_135 : i32
      %sign3A_137 = arith.extui %sign3A_136 : i1 to i32
      %sign3A_138 = arith.subi %sign3A_134, %sign3A_137 : i32
      %sign3A_139 = arith.constant 0 : i32
      %sign3A_140 = arith.cmpi sgt, %jit3A, %sign3A_139 : i32
      %sign3A_141 = arith.extui %sign3A_140 : i1 to i32
      %sign3A_142 = arith.constant 0 : i32
      %sign3A_143 = arith.cmpi slt, %jit3A, %sign3A_142 : i32
      %sign3A_144 = arith.extui %sign3A_143 : i1 to i32
      %sign3A_145 = arith.subi %sign3A_141, %sign3A_144 : i32
      %ne3A = arith.cmpi ne, %sign3A_138, %sign3A_145 : i32
      %rem3A = arith.remsi %scan3A_130, %jit3A : i32
      %ne3A_146 = arith.constant 0 : i32
      %ne3A_147 = arith.cmpi ne, %rem3A, %ne3A_146 : i32
      %and3A = arith.andi %ne3A, %ne3A_147 : i1
      %sub3A = arith.constant 1 : i32
      %sub3A_148 = arith.subi %div3A, %sub3A : i32
      %select_n3A = arith.select %and3A, %sub3A_148, %div3A : i32
      %jit3A_149 = arith.constant 8 : i32
      %eq3A = arith.constant 0 : i32
      %eq3A_150 = arith.cmpi eq, %jit3A_149, %eq3A : i32
      %jit3A_151 = arith.constant 1 : i32
      %select_n3A_152 = arith.select %eq3A_150, %jit3A_151, %jit3A_149 : i32
      %rem3A_153 = arith.remsi %scan3A_130, %select_n3A_152 : i32
      %ne3A_154 = arith.constant 0 : i32
      %ne3A_155 = arith.cmpi ne, %rem3A_153, %ne3A_154 : i32
      %lt3A = arith.constant 0 : i32
      %lt3A_156 = arith.cmpi slt, %rem3A_153, %lt3A : i32
      %lt3A_157 = arith.constant 0 : i32
      %lt3A_158 = arith.cmpi slt, %select_n3A_152, %lt3A_157 : i32
      %ne3A_159 = arith.xori %lt3A_156, %lt3A_158 : i1
      %and3A_160 = arith.andi %ne3A_159, %ne3A_155 : i1
      %add3A_161 = arith.addi %rem3A_153, %select_n3A_152 : i32
      %select_n3A_162 = arith.select %and3A_160, %add3A_161, %rem3A_153 : i32
      %mul3A_163 = arith.constant 16 : i32
      %mul3A_164 = arith.muli %select_n3A_162, %mul3A_163 : i32
      %swap3A = arith.index_cast %select_n3A : i32 to index
      %swap3A_165 = arith.index_cast %mul3A_164 : i32 to index
      %swap3A_166 = tpu.vector_load %arg10[%swap3A, %swap3A_165] {strides = array<i32>} : memref<80x128xf32, #tpu.memory_space<vmem>>, vector<1x16xf32>,
      %swap3A_167 = vector.shape_cast %swap3A_166 : vector<1x16xf32> to vector<16xf32>
      %swap3A_168 = vector.shape_cast %broadcast_in_dim3A_132 : vector<16xf32> to vector<1x16xf32>
      tpu.vector_store %arg10[%swap3A, %swap3A_165], %swap3A_168 {strides = array<i32>} : memref<80x128xf32, #tpu.memory_space<vmem>>, vector<1x16xf32>,
      %scan3A_169 = arith.constant 0 : i32
      scf.yield %scan3A_169 : i32
    }
    %scan3A_6 = arith.constant 640 : i32
    %scan3A_7 = arith.constant 0 : i32
    %scan3A_8 = arith.constant 0 : i32
    %scan3A_9 = arith.constant 8 : i32
    %scan3A_10 = arith.addi %scan3A_8, %scan3A_9 : i32
    %scan3A_11 = arith.constant 1 : i32
    %scan3A_12 = scf.for %scan3A_130 = %scan3A_8 to %scan3A_10 step %scan3A_11 iter_args(%scan3A_131 = %scan3A_7) -> (i32)  : i32 {
      %mul3A_132 = arith.constant 640 : i32
      %mul3A_133 = arith.muli %arg1, %mul3A_132 : i32
      %mul3A_134 = arith.constant 80 : i32
      %mul3A_135 = arith.muli %scan3A_130, %mul3A_134 : i32
      %add3A_136 = arith.addi %mul3A_133, %mul3A_135 : i32
      "tpu.region"() ({
        %run_scoped3A = tpu.sem_alloc : memref<!tpu.dma_semaphore, #tpu.memory_space<semaphore_mem>>
        %dma_start3A_138 = arith.constant 0 : i32
        %dma_start3A_139 = tpu.memref_slice %arg20[%add3A_136, %dma_start3A_138] : memref<10240x128xf32, #tpu.memory_space<vmem_shared>> -> memref<80x128xf32, #tpu.memory_space<vmem_shared>>
        %dma_start3A_140 = arith.constant 0 : i32
        %dma_start3A_141 = tpu.memref_slice %arg20[%add3A_136, %dma_start3A_140] : memref<10240x128xf32, #tpu.memory_space<vmem_shared>> -> memref<80x128xf32, #tpu.memory_space<vmem_shared>>
        tpu.enqueue_dma source(%arg10 : memref<80x128xf32, #tpu.memory_space<vmem>>) target(%dma_start3A_141 : memref<80x128xf32, #tpu.memory_space<vmem_shared>>) target_semaphore(%run_scoped3A : memref<!tpu.dma_semaphore, #tpu.memory_space<semaphore_mem>>)
        %dma_wait3A_142 = arith.constant 0 : i32
        %dma_wait3A_143 = tpu.memref_slice %arg20[%add3A_136, %dma_wait3A_142] : memref<10240x128xf32, #tpu.memory_space<vmem_shared>> -> memref<80x128xf32, #tpu.memory_space<vmem_shared>>
        %dma_wait3A_144 = arith.constant 0 : i32
        %dma_wait3A_145 = tpu.memref_slice %arg20[%add3A_136, %dma_wait3A_144] : memref<10240x128xf32, #tpu.memory_space<vmem_shared>> -> memref<80x128xf32, #tpu.memory_space<vmem_shared>>
        tpu.wait_dma2 semaphore(%run_scoped3A : memref<!tpu.dma_semaphore, #tpu.memory_space<semaphore_mem>>) src(%arg10 : memref<80x128xf32, #tpu.memory_space<vmem>>) dst(%dma_wait3A_145 : memref<80x128xf32, #tpu.memory_space<vmem_shared>>)
        tpu.yield
      }) : () -> ()
      %scan3A_137 = arith.constant 0 : i32
      scf.yield %scan3A_137 : i32
    }
    %scan3A_13 = arith.constant 8 : i32
    %barrier3A = arith.constant 0 : index
    tpu.barrier barrier_id(%barrier3A)
    %mul3A_14 = arith.constant 10000 : i32
    %mul3A_15 = arith.muli %add3A, %mul3A_14 : i32
    %add3A_16 = arith.constant 0 : i32
    %add3A_17 = arith.addi %mul3A_15, %add3A_16 : i32
    "tpu.region"() ({
      %run_scoped3A = tpu.sem_alloc : memref<!tpu.dma_semaphore, #tpu.memory_space<semaphore_mem>>
      %dma_start3A_130 = tpu.memref_slice %arg3[%add3A_17] : memref<320000xi32, #tpu.memory_space<hbm>> -> memref<80xi32, #tpu.memory_space<hbm>>
      %dma_start3A_131 = tpu.memref_slice %arg3[%add3A_17] : memref<320000xi32, #tpu.memory_space<hbm>> -> memref<80xi32, #tpu.memory_space<hbm>>
      tpu.enqueue_dma source(%dma_start3A_131 : memref<80xi32, #tpu.memory_space<hbm>>) target(%arg6 : memref<80xi32, #tpu.memory_space<vmem>>) target_semaphore(%run_scoped3A : memref<!tpu.dma_semaphore, #tpu.memory_space<semaphore_mem>>)
      %dma_wait3A_132 = tpu.memref_slice %arg3[%add3A_17] : memref<320000xi32, #tpu.memory_space<hbm>> -> memref<80xi32, #tpu.memory_space<hbm>>
      %dma_wait3A_133 = tpu.memref_slice %arg3[%add3A_17] : memref<320000xi32, #tpu.memory_space<hbm>> -> memref<80xi32, #tpu.memory_space<hbm>>
      tpu.wait_dma2 semaphore(%run_scoped3A : memref<!tpu.dma_semaphore, #tpu.memory_space<semaphore_mem>>) src(%dma_wait3A_133 : memref<80xi32, #tpu.memory_space<hbm>>) dst(%arg6 : memref<80xi32, #tpu.memory_space<vmem>>)
      tpu.yield
    }) : () -> ()
    %mul3A_18 = arith.constant 10000 : i32
    %mul3A_19 = arith.muli %add3A, %mul3A_18 : i32
    %add3A_20 = arith.constant 0 : i32
    %add3A_21 = arith.addi %mul3A_19, %add3A_20 : i32
    "tpu.region"() ({
      %run_scoped3A = tpu.sem_alloc : memref<!tpu.dma_semaphore, #tpu.memory_space<semaphore_mem>>
      %dma_start3A_130 = tpu.memref_slice %arg4[%add3A_21] : memref<320000xi32, #tpu.memory_space<hbm>> -> memref<80xi32, #tpu.memory_space<hbm>>
      %dma_start3A_131 = tpu.memref_slice %arg4[%add3A_21] : memref<320000xi32, #tpu.memory_space<hbm>> -> memref<80xi32, #tpu.memory_space<hbm>>
      tpu.enqueue_dma source(%dma_start3A_131 : memref<80xi32, #tpu.memory_space<hbm>>) target(%arg8 : memref<80xi32, #tpu.memory_space<vmem>>) target_semaphore(%run_scoped3A : memref<!tpu.dma_semaphore, #tpu.memory_space<semaphore_mem>>)
      %dma_wait3A_132 = tpu.memref_slice %arg4[%add3A_21] : memref<320000xi32, #tpu.memory_space<hbm>> -> memref<80xi32, #tpu.memory_space<hbm>>
      %dma_wait3A_133 = tpu.memref_slice %arg4[%add3A_21] : memref<320000xi32, #tpu.memory_space<hbm>> -> memref<80xi32, #tpu.memory_space<hbm>>
      tpu.wait_dma2 semaphore(%run_scoped3A : memref<!tpu.dma_semaphore, #tpu.memory_space<semaphore_mem>>) src(%dma_wait3A_133 : memref<80xi32, #tpu.memory_space<hbm>>) dst(%arg8 : memref<80xi32, #tpu.memory_space<vmem>>)
      tpu.yield
    }) : () -> ()
    %mul3A_22 = arith.constant 10000 : i32
    %mul3A_23 = arith.muli %add3A, %mul3A_22 : i32
    %add3A_24 = arith.constant 80 : i32
    %add3A_25 = arith.addi %mul3A_23, %add3A_24 : i32
    "tpu.region"() ({
      %run_scoped3A = tpu.sem_alloc : memref<!tpu.dma_semaphore, #tpu.memory_space<semaphore_mem>>
      %dma_start3A_130 = tpu.memref_slice %arg3[%add3A_25] : memref<320000xi32, #tpu.memory_space<hbm>> -> memref<80xi32, #tpu.memory_space<hbm>>
      %dma_start3A_131 = tpu.memref_slice %arg3[%add3A_25] : memref<320000xi32, #tpu.memory_space<hbm>> -> memref<80xi32, #tpu.memory_space<hbm>>
      tpu.enqueue_dma source(%dma_start3A_131 : memref<80xi32, #tpu.memory_space<hbm>>) target(%arg7 : memref<80xi32, #tpu.memory_space<vmem>>) target_semaphore(%run_scoped3A : memref<!tpu.dma_semaphore, #tpu.memory_space<semaphore_mem>>)
      %dma_wait3A_132 = tpu.memref_slice %arg3[%add3A_25] : memref<320000xi32, #tpu.memory_space<hbm>> -> memref<80xi32, #tpu.memory_space<hbm>>
      %dma_wait3A_133 = tpu.memref_slice %arg3[%add3A_25] : memref<320000xi32, #tpu.memory_space<hbm>> -> memref<80xi32, #tpu.memory_space<hbm>>
      tpu.wait_dma2 semaphore(%run_scoped3A : memref<!tpu.dma_semaphore, #tpu.memory_space<semaphore_mem>>) src(%dma_wait3A_133 : memref<80xi32, #tpu.memory_space<hbm>>) dst(%arg7 : memref<80xi32, #tpu.memory_space<vmem>>)
      tpu.yield
    }) : () -> ()
    %mul3A_26 = arith.constant 10000 : i32
    %mul3A_27 = arith.muli %add3A, %mul3A_26 : i32
    %add3A_28 = arith.constant 80 : i32
    %add3A_29 = arith.addi %mul3A_27, %add3A_28 : i32
    "tpu.region"() ({
      %run_scoped3A = tpu.sem_alloc : memref<!tpu.dma_semaphore, #tpu.memory_space<semaphore_mem>>
      %dma_start3A_130 = tpu.memref_slice %arg4[%add3A_29] : memref<320000xi32, #tpu.memory_space<hbm>> -> memref<80xi32, #tpu.memory_space<hbm>>
      %dma_start3A_131 = tpu.memref_slice %arg4[%add3A_29] : memref<320000xi32, #tpu.memory_space<hbm>> -> memref<80xi32, #tpu.memory_space<hbm>>
      tpu.enqueue_dma source(%dma_start3A_131 : memref<80xi32, #tpu.memory_space<hbm>>) target(%arg9 : memref<80xi32, #tpu.memory_space<vmem>>) target_semaphore(%run_scoped3A : memref<!tpu.dma_semaphore, #tpu.memory_space<semaphore_mem>>)
      %dma_wait3A_132 = tpu.memref_slice %arg4[%add3A_29] : memref<320000xi32, #tpu.memory_space<hbm>> -> memref<80xi32, #tpu.memory_space<hbm>>
      %dma_wait3A_133 = tpu.memref_slice %arg4[%add3A_29] : memref<320000xi32, #tpu.memory_space<hbm>> -> memref<80xi32, #tpu.memory_space<hbm>>
      tpu.wait_dma2 semaphore(%run_scoped3A : memref<!tpu.dma_semaphore, #tpu.memory_space<semaphore_mem>>) src(%dma_wait3A_133 : memref<80xi32, #tpu.memory_space<hbm>>) dst(%arg9 : memref<80xi32, #tpu.memory_space<vmem>>)
      tpu.yield
    }) : () -> ()
    %dma_start3A = arith.constant 0 : i32
    %dma_start3A_30 = arith.constant 0 : i32
    %dma_start3A_31 = tpu.memref_slice %arg2[%dma_start3A, %dma_start3A_30] : memref<10000x128xf32, #tpu.memory_space<hbm>> -> memref<10000x128xf32, #tpu.memory_space<hbm>>
    tpu.enqueue_indirect_dma source(%dma_start3A_31 : memref<10000x128xf32, #tpu.memory_space<hbm>>) target(%arg10 : memref<80x128xf32, #tpu.memory_space<vmem>>) offsets(%arg6 : memref<80xi32, #tpu.memory_space<vmem>>) semaphore(%arg12 : memref<!tpu.dma_semaphore, #tpu.memory_space<semaphore_mem>>)
    %dma_wait3A = arith.constant 0 : i32
    %dma_wait3A_32 = arith.constant 0 : i32
    %dma_wait3A_33 = tpu.memref_slice %arg2[%dma_wait3A, %dma_wait3A_32] : memref<10000x128xf32, #tpu.memory_space<hbm>> -> memref<10000x128xf32, #tpu.memory_space<hbm>>
    tpu.wait_indirect_dma semaphore(%arg12 : memref<!tpu.dma_semaphore, #tpu.memory_space<semaphore_mem>>) src(%dma_wait3A_33 : memref<10000x128xf32, #tpu.memory_space<hbm>>) dst(%arg10 : memref<80x128xf32, #tpu.memory_space<vmem>>)
    %dma_start3A_34 = arith.constant 0 : i32
    %dma_start3A_35 = arith.constant 0 : i32
    %dma_start3A_36 = tpu.memref_slice %arg2[%dma_start3A_34, %dma_start3A_35] : memref<10000x128xf32, #tpu.memory_space<hbm>> -> memref<10000x128xf32, #tpu.memory_space<hbm>>
    tpu.enqueue_indirect_dma source(%dma_start3A_36 : memref<10000x128xf32, #tpu.memory_space<hbm>>) target(%arg11 : memref<80x128xf32, #tpu.memory_space<vmem>>) offsets(%arg7 : memref<80xi32, #tpu.memory_space<vmem>>) semaphore(%arg13 : memref<!tpu.dma_semaphore, #tpu.memory_space<semaphore_mem>>)
    "tpu.region"() ({
      %run_scoped3A = tpu.sem_alloc : memref<!tpu.dma_semaphore, #tpu.memory_space<semaphore_mem>>
      %dma_start3A_130 = arith.constant 0 : i32
      %dma_start3A_131 = arith.constant 0 : i32
      %dma_start3A_132 = tpu.memref_slice %arg20[%dma_start3A_130, %dma_start3A_131] : memref<10240x128xf32, #tpu.memory_space<vmem_shared>> -> memref<10240x128xf32, #tpu.memory_space<vmem_shared>>
      tpu.enqueue_indirect_dma source(%arg10 : memref<80x128xf32, #tpu.memory_space<vmem>>) target(%dma_start3A_132 : memref<10240x128xf32, #tpu.memory_space<vmem_shared>>) offsets(%arg8 : memref<80xi32, #tpu.memory_space<vmem>>) semaphore(%run_scoped3A : memref<!tpu.dma_semaphore, #tpu.memory_space<semaphore_mem>>) {add = true}
      %dma_wait3A_133 = arith.constant 0 : i32
      %dma_wait3A_134 = arith.constant 0 : i32
      %dma_wait3A_135 = tpu.memref_slice %arg20[%dma_wait3A_133, %dma_wait3A_134] : memref<10240x128xf32, #tpu.memory_space<vmem_shared>> -> memref<10240x128xf32, #tpu.memory_space<vmem_shared>>
      tpu.wait_indirect_dma semaphore(%run_scoped3A : memref<!tpu.dma_semaphore, #tpu.memory_space<semaphore_mem>>) src(%arg10 : memref<80x128xf32, #tpu.memory_space<vmem>>) dst(%dma_wait3A_135 : memref<10240x128xf32, #tpu.memory_space<vmem_shared>>)
      tpu.yield
    }) : () -> ()
    %mul3A_37 = arith.constant 10000 : i32
    %mul3A_38 = arith.muli %add3A, %mul3A_37 : i32
    %add3A_39 = arith.constant 160 : i32
    %add3A_40 = arith.addi %mul3A_38, %add3A_39 : i32
    %dma_start3A_41 = tpu.memref_slice %arg3[%add3A_40] : memref<320000xi32, #tpu.memory_space<hbm>> -> memref<80xi32, #tpu.memory_space<hbm>>
    %dma_start3A_42 = tpu.memref_slice %arg3[%add3A_40] : memref<320000xi32, #tpu.memory_space<hbm>> -> memref<80xi32, #tpu.memory_space<hbm>>
    tpu.enqueue_dma source(%dma_start3A_42 : memref<80xi32, #tpu.memory_space<hbm>>) target(%arg6 : memref<80xi32, #tpu.memory_space<vmem>>) target_semaphore(%arg14 : memref<!tpu.dma_semaphore, #tpu.memory_space<semaphore_mem>>)
    %dma_wait3A_43 = arith.constant 0 : i32
    %dma_wait3A_44 = arith.constant 0 : i32
    %dma_wait3A_45 = tpu.memref_slice %arg2[%dma_wait3A_43, %dma_wait3A_44] : memref<10000x128xf32, #tpu.memory_space<hbm>> -> memref<10000x128xf32, #tpu.memory_space<hbm>>
    tpu.wait_indirect_dma semaphore(%arg13 : memref<!tpu.dma_semaphore, #tpu.memory_space<semaphore_mem>>) src(%dma_wait3A_45 : memref<10000x128xf32, #tpu.memory_space<hbm>>) dst(%arg11 : memref<80x128xf32, #tpu.memory_space<vmem>>)
    %dma_wait3A_46 = arith.constant 0 : i32
    %dma_wait3A_47 = tpu.memref_slice %arg3[%dma_wait3A_46] : memref<320000xi32, #tpu.memory_space<hbm>> -> memref<80xi32, #tpu.memory_space<hbm>>
    %dma_wait3A_48 = arith.constant 0 : i32
    %dma_wait3A_49 = tpu.memref_slice %arg3[%dma_wait3A_48] : memref<320000xi32, #tpu.memory_space<hbm>> -> memref<80xi32, #tpu.memory_space<hbm>>
    tpu.wait_dma2 semaphore(%arg14 : memref<!tpu.dma_semaphore, #tpu.memory_space<semaphore_mem>>) src(%dma_wait3A_49 : memref<80xi32, #tpu.memory_space<hbm>>) dst(%arg6 : memref<80xi32, #tpu.memory_space<vmem>>)
    %mul3A_50 = arith.constant 10000 : i32
    %mul3A_51 = arith.muli %add3A, %mul3A_50 : i32
    %add3A_52 = arith.constant 160 : i32
    %add3A_53 = arith.addi %mul3A_51, %add3A_52 : i32
    %dma_start3A_54 = tpu.memref_slice %arg4[%add3A_53] : memref<320000xi32, #tpu.memory_space<hbm>> -> memref<80xi32, #tpu.memory_space<hbm>>
    %dma_start3A_55 = tpu.memref_slice %arg4[%add3A_53] : memref<320000xi32, #tpu.memory_space<hbm>> -> memref<80xi32, #tpu.memory_space<hbm>>
    tpu.enqueue_dma source(%dma_start3A_55 : memref<80xi32, #tpu.memory_space<hbm>>) target(%arg8 : memref<80xi32, #tpu.memory_space<vmem>>) target_semaphore(%arg16 : memref<!tpu.dma_semaphore, #tpu.memory_space<semaphore_mem>>)
    %dma_start3A_56 = arith.constant 0 : i32
    %dma_start3A_57 = arith.constant 0 : i32
    %dma_start3A_58 = tpu.memref_slice %arg2[%dma_start3A_56, %dma_start3A_57] : memref<10000x128xf32, #tpu.memory_space<hbm>> -> memref<10000x128xf32, #tpu.memory_space<hbm>>
    tpu.enqueue_indirect_dma source(%dma_start3A_58 : memref<10000x128xf32, #tpu.memory_space<hbm>>) target(%arg10 : memref<80x128xf32, #tpu.memory_space<vmem>>) offsets(%arg6 : memref<80xi32, #tpu.memory_space<vmem>>) semaphore(%arg12 : memref<!tpu.dma_semaphore, #tpu.memory_space<semaphore_mem>>)
    "tpu.region"() ({
      %run_scoped3A = tpu.sem_alloc : memref<!tpu.dma_semaphore, #tpu.memory_space<semaphore_mem>>
      %dma_start3A_130 = arith.constant 0 : i32
      %dma_start3A_131 = arith.constant 0 : i32
      %dma_start3A_132 = tpu.memref_slice %arg20[%dma_start3A_130, %dma_start3A_131] : memref<10240x128xf32, #tpu.memory_space<vmem_shared>> -> memref<10240x128xf32, #tpu.memory_space<vmem_shared>>
      tpu.enqueue_indirect_dma source(%arg11 : memref<80x128xf32, #tpu.memory_space<vmem>>) target(%dma_start3A_132 : memref<10240x128xf32, #tpu.memory_space<vmem_shared>>) offsets(%arg9 : memref<80xi32, #tpu.memory_space<vmem>>) semaphore(%run_scoped3A : memref<!tpu.dma_semaphore, #tpu.memory_space<semaphore_mem>>) {add = true}
      %dma_wait3A_133 = arith.constant 0 : i32
      %dma_wait3A_134 = arith.constant 0 : i32
      %dma_wait3A_135 = tpu.memref_slice %arg20[%dma_wait3A_133, %dma_wait3A_134] : memref<10240x128xf32, #tpu.memory_space<vmem_shared>> -> memref<10240x128xf32, #tpu.memory_space<vmem_shared>>
      tpu.wait_indirect_dma semaphore(%run_scoped3A : memref<!tpu.dma_semaphore, #tpu.memory_space<semaphore_mem>>) src(%arg11 : memref<80x128xf32, #tpu.memory_space<vmem>>) dst(%dma_wait3A_135 : memref<10240x128xf32, #tpu.memory_space<vmem_shared>>)
      tpu.yield
    }) : () -> ()
    %mul3A_59 = arith.constant 10000 : i32
    %mul3A_60 = arith.muli %add3A, %mul3A_59 : i32
    %add3A_61 = arith.constant 240 : i32
    %add3A_62 = arith.addi %mul3A_60, %add3A_61 : i32
    %dma_start3A_63 = tpu.memref_slice %arg3[%add3A_62] : memref<320000xi32, #tpu.memory_space<hbm>> -> memref<80xi32, #tpu.memory_space<hbm>>
    %dma_start3A_64 = tpu.memref_slice %arg3[%add3A_62] : memref<320000xi32, #tpu.memory_space<hbm>> -> memref<80xi32, #tpu.memory_space<hbm>>
    tpu.enqueue_dma source(%dma_start3A_64 : memref<80xi32, #tpu.memory_space<hbm>>) target(%arg7 : memref<80xi32, #tpu.memory_space<vmem>>) target_semaphore(%arg15 : memref<!tpu.dma_semaphore, #tpu.memory_space<semaphore_mem>>)
    %scan3A_65 = arith.constant 0 : i32
    %scan3A_66 = arith.constant 0 : i32
    %scan3A_67 = arith.constant 60 : i32
    %scan3A_68 = arith.addi %scan3A_66, %scan3A_67 : i32
    %scan3A_69 = arith.constant 1 : i32
    %scan3A_70 = scf.for %scan3A_130 = %scan3A_66 to %scan3A_68 step %scan3A_69 iter_args(%scan3A_131 = %scan3A_65) -> (i32)  : i32 {
      %mul3A_132 = arith.constant 2 : i32
      %mul3A_133 = arith.muli %mul3A_132, %scan3A_130 : i32
      %add3A_134 = arith.constant 2 : i32
      %add3A_135 = arith.addi %mul3A_133, %add3A_134 : i32
      %dma_wait3A_136 = arith.constant 0 : i32
      %dma_wait3A_137 = arith.constant 0 : i32
      %dma_wait3A_138 = tpu.memref_slice %arg2[%dma_wait3A_136, %dma_wait3A_137] : memref<10000x128xf32, #tpu.memory_space<hbm>> -> memref<10000x128xf32, #tpu.memory_space<hbm>>
      tpu.wait_indirect_dma semaphore(%arg12 : memref<!tpu.dma_semaphore, #tpu.memory_space<semaphore_mem>>) src(%dma_wait3A_138 : memref<10000x128xf32, #tpu.memory_space<hbm>>) dst(%arg10 : memref<80x128xf32, #tpu.memory_space<vmem>>)
      %dma_wait3A_139 = arith.constant 0 : i32
      %dma_wait3A_140 = tpu.memref_slice %arg3[%dma_wait3A_139] : memref<320000xi32, #tpu.memory_space<hbm>> -> memref<80xi32, #tpu.memory_space<hbm>>
      %dma_wait3A_141 = arith.constant 0 : i32
      %dma_wait3A_142 = tpu.memref_slice %arg3[%dma_wait3A_141] : memref<320000xi32, #tpu.memory_space<hbm>> -> memref<80xi32, #tpu.memory_space<hbm>>
      tpu.wait_dma2 semaphore(%arg15 : memref<!tpu.dma_semaphore, #tpu.memory_space<semaphore_mem>>) src(%dma_wait3A_142 : memref<80xi32, #tpu.memory_space<hbm>>) dst(%arg7 : memref<80xi32, #tpu.memory_space<vmem>>)
      %mul3A_143 = arith.constant 10000 : i32
      %mul3A_144 = arith.muli %add3A, %mul3A_143 : i32
      %add3A_145 = arith.constant 1 : i32
      %add3A_146 = arith.addi %add3A_135, %add3A_145 : i32
      %mul3A_147 = arith.constant 80 : i32
      %mul3A_148 = arith.muli %add3A_146, %mul3A_147 : i32
      %add3A_149 = arith.addi %mul3A_144, %mul3A_148 : i32
      %dma_start3A_150 = tpu.memref_slice %arg4[%add3A_149] : memref<320000xi32, #tpu.memory_space<hbm>> -> memref<80xi32, #tpu.memory_space<hbm>>
      %dma_start3A_151 = tpu.memref_slice %arg4[%add3A_149] : memref<320000xi32, #tpu.memory_space<hbm>> -> memref<80xi32, #tpu.memory_space<hbm>>
      tpu.enqueue_dma source(%dma_start3A_151 : memref<80xi32, #tpu.memory_space<hbm>>) target(%arg9 : memref<80xi32, #tpu.memory_space<vmem>>) target_semaphore(%arg17 : memref<!tpu.dma_semaphore, #tpu.memory_space<semaphore_mem>>)
      %dma_start3A_152 = arith.constant 0 : i32
      %dma_start3A_153 = arith.constant 0 : i32
      %dma_start3A_154 = tpu.memref_slice %arg2[%dma_start3A_152, %dma_start3A_153] : memref<10000x128xf32, #tpu.memory_space<hbm>> -> memref<10000x128xf32, #tpu.memory_space<hbm>>
      tpu.enqueue_indirect_dma source(%dma_start3A_154 : memref<10000x128xf32, #tpu.memory_space<hbm>>) target(%arg11 : memref<80x128xf32, #tpu.memory_space<vmem>>) offsets(%arg7 : memref<80xi32, #tpu.memory_space<vmem>>) semaphore(%arg13 : memref<!tpu.dma_semaphore, #tpu.memory_space<semaphore_mem>>)
      %dma_wait3A_155 = arith.constant 0 : i32
      %dma_wait3A_156 = tpu.memref_slice %arg4[%dma_wait3A_155] : memref<320000xi32, #tpu.memory_space<hbm>> -> memref<80xi32, #tpu.memory_space<hbm>>
      %dma_wait3A_157 = arith.constant 0 : i32
      %dma_wait3A_158 = tpu.memref_slice %arg4[%dma_wait3A_157] : memref<320000xi32, #tpu.memory_space<hbm>> -> memref<80xi32, #tpu.memory_space<hbm>>
      tpu.wait_dma2 semaphore(%arg16 : memref<!tpu.dma_semaphore, #tpu.memory_space<semaphore_mem>>) src(%dma_wait3A_158 : memref<80xi32, #tpu.memory_space<hbm>>) dst(%arg8 : memref<80xi32, #tpu.memory_space<vmem>>)
      "tpu.region"() ({
        %run_scoped3A = tpu.sem_alloc : memref<!tpu.dma_semaphore, #tpu.memory_space<semaphore_mem>>
        %dma_start3A_203 = arith.constant 0 : i32
        %dma_start3A_204 = arith.constant 0 : i32
        %dma_start3A_205 = tpu.memref_slice %arg20[%dma_start3A_203, %dma_start3A_204] : memref<10240x128xf32, #tpu.memory_space<vmem_shared>> -> memref<10240x128xf32, #tpu.memory_space<vmem_shared>>
        tpu.enqueue_indirect_dma source(%arg10 : memref<80x128xf32, #tpu.memory_space<vmem>>) target(%dma_start3A_205 : memref<10240x128xf32, #tpu.memory_space<vmem_shared>>) offsets(%arg8 : memref<80xi32, #tpu.memory_space<vmem>>) semaphore(%run_scoped3A : memref<!tpu.dma_semaphore, #tpu.memory_space<semaphore_mem>>) {add = true}
        %dma_wait3A_206 = arith.constant 0 : i32
        %dma_wait3A_207 = arith.constant 0 : i32
        %dma_wait3A_208 = tpu.memref_slice %arg20[%dma_wait3A_206, %dma_wait3A_207] : memref<10240x128xf32, #tpu.memory_space<vmem_shared>> -> memref<10240x128xf32, #tpu.memory_space<vmem_shared>>
        tpu.wait_indirect_dma semaphore(%run_scoped3A : memref<!tpu.dma_semaphore, #tpu.memory_space<semaphore_mem>>) src(%arg10 : memref<80x128xf32, #tpu.memory_space<vmem>>) dst(%dma_wait3A_208 : memref<10240x128xf32, #tpu.memory_space<vmem_shared>>)
        tpu.yield
      }) : () -> ()
      %mul3A_159 = arith.constant 10000 : i32
      %mul3A_160 = arith.muli %add3A, %mul3A_159 : i32
      %add3A_161 = arith.constant 2 : i32
      %add3A_162 = arith.addi %add3A_135, %add3A_161 : i32
      %mul3A_163 = arith.constant 80 : i32
      %mul3A_164 = arith.muli %add3A_162, %mul3A_163 : i32
      %add3A_165 = arith.addi %mul3A_160, %mul3A_164 : i32
      %dma_start3A_166 = tpu.memref_slice %arg3[%add3A_165] : memref<320000xi32, #tpu.memory_space<hbm>> -> memref<80xi32, #tpu.memory_space<hbm>>
      %dma_start3A_167 = tpu.memref_slice %arg3[%add3A_165] : memref<320000xi32, #tpu.memory_space<hbm>> -> memref<80xi32, #tpu.memory_space<hbm>>
      tpu.enqueue_dma source(%dma_start3A_167 : memref<80xi32, #tpu.memory_space<hbm>>) target(%arg6 : memref<80xi32, #tpu.memory_space<vmem>>) target_semaphore(%arg14 : memref<!tpu.dma_semaphore, #tpu.memory_space<semaphore_mem>>)
      %add3A_168 = arith.constant 1 : i32
      %add3A_169 = arith.addi %add3A_135, %add3A_168 : i32
      %dma_wait3A_170 = arith.constant 0 : i32
      %dma_wait3A_171 = arith.constant 0 : i32
      %dma_wait3A_172 = tpu.memref_slice %arg2[%dma_wait3A_170, %dma_wait3A_171] : memref<10000x128xf32, #tpu.memory_space<hbm>> -> memref<10000x128xf32, #tpu.memory_space<hbm>>
      tpu.wait_indirect_dma semaphore(%arg13 : memref<!tpu.dma_semaphore, #tpu.memory_space<semaphore_mem>>) src(%dma_wait3A_172 : memref<10000x128xf32, #tpu.memory_space<hbm>>) dst(%arg11 : memref<80x128xf32, #tpu.memory_space<vmem>>)
      %dma_wait3A_173 = arith.constant 0 : i32
      %dma_wait3A_174 = tpu.memref_slice %arg3[%dma_wait3A_173] : memref<320000xi32, #tpu.memory_space<hbm>> -> memref<80xi32, #tpu.memory_space<hbm>>
      %dma_wait3A_175 = arith.constant 0 : i32
      %dma_wait3A_176 = tpu.memref_slice %arg3[%dma_wait3A_175] : memref<320000xi32, #tpu.memory_space<hbm>> -> memref<80xi32, #tpu.memory_space<hbm>>
      tpu.wait_dma2 semaphore(%arg14 : memref<!tpu.dma_semaphore, #tpu.memory_space<semaphore_mem>>) src(%dma_wait3A_176 : memref<80xi32, #tpu.memory_space<hbm>>) dst(%arg6 : memref<80xi32, #tpu.memory_space<vmem>>)
      %mul3A_177 = arith.constant 10000 : i32
      %mul3A_178 = arith.muli %add3A, %mul3A_177 : i32
      %add3A_179 = arith.constant 1 : i32
      %add3A_180 = arith.addi %add3A_169, %add3A_179 : i32
      %mul3A_181 = arith.constant 80 : i32
      %mul3A_182 = arith.muli %add3A_180, %mul3A_181 : i32
      %add3A_183 = arith.addi %mul3A_178, %mul3A_182 : i32
      %dma_start3A_184 = tpu.memref_slice %arg4[%add3A_183] : memref<320000xi32, #tpu.memory_space<hbm>> -> memref<80xi32, #tpu.memory_space<hbm>>
      %dma_start3A_185 = tpu.memref_slice %arg4[%add3A_183] : memref<320000xi32, #tpu.memory_space<hbm>> -> memref<80xi32, #tpu.memory_space<hbm>>
      tpu.enqueue_dma source(%dma_start3A_185 : memref<80xi32, #tpu.memory_space<hbm>>) target(%arg8 : memref<80xi32, #tpu.memory_space<vmem>>) target_semaphore(%arg16 : memref<!tpu.dma_semaphore, #tpu.memory_space<semaphore_mem>>)
      %dma_start3A_186 = arith.constant 0 : i32
      %dma_start3A_187 = arith.constant 0 : i32
      %dma_start3A_188 = tpu.memref_slice %arg2[%dma_start3A_186, %dma_start3A_187] : memref<10000x128xf32, #tpu.memory_space<hbm>> -> memref<10000x128xf32, #tpu.memory_space<hbm>>
      tpu.enqueue_indirect_dma source(%dma_start3A_188 : memref<10000x128xf32, #tpu.memory_space<hbm>>) target(%arg10 : memref<80x128xf32, #tpu.memory_space<vmem>>) offsets(%arg6 : memref<80xi32, #tpu.memory_space<vmem>>) semaphore(%arg12 : memref<!tpu.dma_semaphore, #tpu.memory_space<semaphore_mem>>)
      %dma_wait3A_189 = arith.constant 0 : i32
      %dma_wait3A_190 = tpu.memref_slice %arg4[%dma_wait3A_189] : memref<320000xi32, #tpu.memory_space<hbm>> -> memref<80xi32, #tpu.memory_space<hbm>>
      %dma_wait3A_191 = arith.constant 0 : i32
      %dma_wait3A_192 = tpu.memref_slice %arg4[%dma_wait3A_191] : memref<320000xi32, #tpu.memory_space<hbm>> -> memref<80xi32, #tpu.memory_space<hbm>>
      tpu.wait_dma2 semaphore(%arg17 : memref<!tpu.dma_semaphore, #tpu.memory_space<semaphore_mem>>) src(%dma_wait3A_192 : memref<80xi32, #tpu.memory_space<hbm>>) dst(%arg9 : memref<80xi32, #tpu.memory_space<vmem>>)
      "tpu.region"() ({
        %run_scoped3A = tpu.sem_alloc : memref<!tpu.dma_semaphore, #tpu.memory_space<semaphore_mem>>
        %dma_start3A_203 = arith.constant 0 : i32
        %dma_start3A_204 = arith.constant 0 : i32
        %dma_start3A_205 = tpu.memref_slice %arg20[%dma_start3A_203, %dma_start3A_204] : memref<10240x128xf32, #tpu.memory_space<vmem_shared>> -> memref<10240x128xf32, #tpu.memory_space<vmem_shared>>
        tpu.enqueue_indirect_dma source(%arg11 : memref<80x128xf32, #tpu.memory_space<vmem>>) target(%dma_start3A_205 : memref<10240x128xf32, #tpu.memory_space<vmem_shared>>) offsets(%arg9 : memref<80xi32, #tpu.memory_space<vmem>>) semaphore(%run_scoped3A : memref<!tpu.dma_semaphore, #tpu.memory_space<semaphore_mem>>) {add = true}
        %dma_wait3A_206 = arith.constant 0 : i32
        %dma_wait3A_207 = arith.constant 0 : i32
        %dma_wait3A_208 = tpu.memref_slice %arg20[%dma_wait3A_206, %dma_wait3A_207] : memref<10240x128xf32, #tpu.memory_space<vmem_shared>> -> memref<10240x128xf32, #tpu.memory_space<vmem_shared>>
        tpu.wait_indirect_dma semaphore(%run_scoped3A : memref<!tpu.dma_semaphore, #tpu.memory_space<semaphore_mem>>) src(%arg11 : memref<80x128xf32, #tpu.memory_space<vmem>>) dst(%dma_wait3A_208 : memref<10240x128xf32, #tpu.memory_space<vmem_shared>>)
        tpu.yield
      }) : () -> ()
      %mul3A_193 = arith.constant 10000 : i32
      %mul3A_194 = arith.muli %add3A, %mul3A_193 : i32
      %add3A_195 = arith.constant 2 : i32
      %add3A_196 = arith.addi %add3A_169, %add3A_195 : i32
      %mul3A_197 = arith.constant 80 : i32
      %mul3A_198 = arith.muli %add3A_196, %mul3A_197 : i32
      %add3A_199 = arith.addi %mul3A_194, %mul3A_198 : i32
      %dma_start3A_200 = tpu.memref_slice %arg3[%add3A_199] : memref<320000xi32, #tpu.memory_space<hbm>> -> memref<80xi32, #tpu.memory_space<hbm>>
      %dma_start3A_201 = tpu.memref_slice %arg3[%add3A_199] : memref<320000xi32, #tpu.memory_space<hbm>> -> memref<80xi32, #tpu.memory_space<hbm>>
      tpu.enqueue_dma source(%dma_start3A_201 : memref<80xi32, #tpu.memory_space<hbm>>) target(%arg7 : memref<80xi32, #tpu.memory_space<vmem>>) target_semaphore(%arg15 : memref<!tpu.dma_semaphore, #tpu.memory_space<semaphore_mem>>)
      %scan3A_202 = arith.constant 0 : i32
      scf.yield %scan3A_202 : i32
    }
    %scan3A_71 = arith.constant 60 : i32
    %dma_wait3A_72 = arith.constant 0 : i32
    %dma_wait3A_73 = arith.constant 0 : i32
    %dma_wait3A_74 = tpu.memref_slice %arg2[%dma_wait3A_72, %dma_wait3A_73] : memref<10000x128xf32, #tpu.memory_space<hbm>> -> memref<10000x128xf32, #tpu.memory_space<hbm>>
    tpu.wait_indirect_dma semaphore(%arg12 : memref<!tpu.dma_semaphore, #tpu.memory_space<semaphore_mem>>) src(%dma_wait3A_74 : memref<10000x128xf32, #tpu.memory_space<hbm>>) dst(%arg10 : memref<80x128xf32, #tpu.memory_space<vmem>>)
    %dma_wait3A_75 = arith.constant 0 : i32
    %dma_wait3A_76 = tpu.memref_slice %arg3[%dma_wait3A_75] : memref<320000xi32, #tpu.memory_space<hbm>> -> memref<80xi32, #tpu.memory_space<hbm>>
    %dma_wait3A_77 = arith.constant 0 : i32
    %dma_wait3A_78 = tpu.memref_slice %arg3[%dma_wait3A_77] : memref<320000xi32, #tpu.memory_space<hbm>> -> memref<80xi32, #tpu.memory_space<hbm>>
    tpu.wait_dma2 semaphore(%arg15 : memref<!tpu.dma_semaphore, #tpu.memory_space<semaphore_mem>>) src(%dma_wait3A_78 : memref<80xi32, #tpu.memory_space<hbm>>) dst(%arg7 : memref<80xi32, #tpu.memory_space<vmem>>)
    %mul3A_79 = arith.constant 10000 : i32
    %mul3A_80 = arith.muli %add3A, %mul3A_79 : i32
    %add3A_81 = arith.constant 9840 : i32
    %add3A_82 = arith.addi %mul3A_80, %add3A_81 : i32
    %dma_start3A_83 = tpu.memref_slice %arg4[%add3A_82] : memref<320000xi32, #tpu.memory_space<hbm>> -> memref<80xi32, #tpu.memory_space<hbm>>
    %dma_start3A_84 = tpu.memref_slice %arg4[%add3A_82] : memref<320000xi32, #tpu.memory_space<hbm>> -> memref<80xi32, #tpu.memory_space<hbm>>
    tpu.enqueue_dma source(%dma_start3A_84 : memref<80xi32, #tpu.memory_space<hbm>>) target(%arg9 : memref<80xi32, #tpu.memory_space<vmem>>) target_semaphore(%arg17 : memref<!tpu.dma_semaphore, #tpu.memory_space<semaphore_mem>>)
    %dma_start3A_85 = arith.constant 0 : i32
    %dma_start3A_86 = arith.constant 0 : i32
    %dma_start3A_87 = tpu.memref_slice %arg2[%dma_start3A_85, %dma_start3A_86] : memref<10000x128xf32, #tpu.memory_space<hbm>> -> memref<10000x128xf32, #tpu.memory_space<hbm>>
    tpu.enqueue_indirect_dma source(%dma_start3A_87 : memref<10000x128xf32, #tpu.memory_space<hbm>>) target(%arg11 : memref<80x128xf32, #tpu.memory_space<vmem>>) offsets(%arg7 : memref<80xi32, #tpu.memory_space<vmem>>) semaphore(%arg13 : memref<!tpu.dma_semaphore, #tpu.memory_space<semaphore_mem>>)
    %dma_wait3A_88 = arith.constant 0 : i32
    %dma_wait3A_89 = tpu.memref_slice %arg4[%dma_wait3A_88] : memref<320000xi32, #tpu.memory_space<hbm>> -> memref<80xi32, #tpu.memory_space<hbm>>
    %dma_wait3A_90 = arith.constant 0 : i32
    %dma_wait3A_91 = tpu.memref_slice %arg4[%dma_wait3A_90] : memref<320000xi32, #tpu.memory_space<hbm>> -> memref<80xi32, #tpu.memory_space<hbm>>
    tpu.wait_dma2 semaphore(%arg16 : memref<!tpu.dma_semaphore, #tpu.memory_space<semaphore_mem>>) src(%dma_wait3A_91 : memref<80xi32, #tpu.memory_space<hbm>>) dst(%arg8 : memref<80xi32, #tpu.memory_space<vmem>>)
    "tpu.region"() ({
      %run_scoped3A = tpu.sem_alloc : memref<!tpu.dma_semaphore, #tpu.memory_space<semaphore_mem>>
      %dma_start3A_130 = arith.constant 0 : i32
      %dma_start3A_131 = arith.constant 0 : i32
      %dma_start3A_132 = tpu.memref_slice %arg20[%dma_start3A_130, %dma_start3A_131] : memref<10240x128xf32, #tpu.memory_space<vmem_shared>> -> memref<10240x128xf32, #tpu.memory_space<vmem_shared>>
      tpu.enqueue_indirect_dma source(%arg10 : memref<80x128xf32, #tpu.memory_space<vmem>>) target(%dma_start3A_132 : memref<10240x128xf32, #tpu.memory_space<vmem_shared>>) offsets(%arg8 : memref<80xi32, #tpu.memory_space<vmem>>) semaphore(%run_scoped3A : memref<!tpu.dma_semaphore, #tpu.memory_space<semaphore_mem>>) {add = true}
      %dma_wait3A_133 = arith.constant 0 : i32
      %dma_wait3A_134 = arith.constant 0 : i32
      %dma_wait3A_135 = tpu.memref_slice %arg20[%dma_wait3A_133, %dma_wait3A_134] : memref<10240x128xf32, #tpu.memory_space<vmem_shared>> -> memref<10240x128xf32, #tpu.memory_space<vmem_shared>>
      tpu.wait_indirect_dma semaphore(%run_scoped3A : memref<!tpu.dma_semaphore, #tpu.memory_space<semaphore_mem>>) src(%arg10 : memref<80x128xf32, #tpu.memory_space<vmem>>) dst(%dma_wait3A_135 : memref<10240x128xf32, #tpu.memory_space<vmem_shared>>)
      tpu.yield
    }) : () -> ()
    %mul3A_92 = arith.constant 10000 : i32
    %mul3A_93 = arith.muli %add3A, %mul3A_92 : i32
    %add3A_94 = arith.constant 9920 : i32
    %add3A_95 = arith.addi %mul3A_93, %add3A_94 : i32
    %dma_start3A_96 = tpu.memref_slice %arg3[%add3A_95] : memref<320000xi32, #tpu.memory_space<hbm>> -> memref<80xi32, #tpu.memory_space<hbm>>
    %dma_start3A_97 = tpu.memref_slice %arg3[%add3A_95] : memref<320000xi32, #tpu.memory_space<hbm>> -> memref<80xi32, #tpu.memory_space<hbm>>
    tpu.enqueue_dma source(%dma_start3A_97 : memref<80xi32, #tpu.memory_space<hbm>>) target(%arg6 : memref<80xi32, #tpu.memory_space<vmem>>) target_semaphore(%arg14 : memref<!tpu.dma_semaphore, #tpu.memory_space<semaphore_mem>>)
    %dma_wait3A_98 = arith.constant 0 : i32
    %dma_wait3A_99 = arith.constant 0 : i32
    %dma_wait3A_100 = tpu.memref_slice %arg2[%dma_wait3A_98, %dma_wait3A_99] : memref<10000x128xf32, #tpu.memory_space<hbm>> -> memref<10000x128xf32, #tpu.memory_space<hbm>>
    tpu.wait_indirect_dma semaphore(%arg13 : memref<!tpu.dma_semaphore, #tpu.memory_space<semaphore_mem>>) src(%dma_wait3A_100 : memref<10000x128xf32, #tpu.memory_space<hbm>>) dst(%arg11 : memref<80x128xf32, #tpu.memory_space<vmem>>)
    %dma_wait3A_101 = arith.constant 0 : i32
    %dma_wait3A_102 = tpu.memref_slice %arg3[%dma_wait3A_101] : memref<320000xi32, #tpu.memory_space<hbm>> -> memref<80xi32, #tpu.memory_space<hbm>>
    %dma_wait3A_103 = arith.constant 0 : i32
    %dma_wait3A_104 = tpu.memref_slice %arg3[%dma_wait3A_103] : memref<320000xi32, #tpu.memory_space<hbm>> -> memref<80xi32, #tpu.memory_space<hbm>>
    tpu.wait_dma2 semaphore(%arg14 : memref<!tpu.dma_semaphore, #tpu.memory_space<semaphore_mem>>) src(%dma_wait3A_104 : memref<80xi32, #tpu.memory_space<hbm>>) dst(%arg6 : memref<80xi32, #tpu.memory_space<vmem>>)
    %mul3A_105 = arith.constant 10000 : i32
    %mul3A_106 = arith.muli %add3A, %mul3A_105 : i32
    %add3A_107 = arith.constant 9920 : i32
    %add3A_108 = arith.addi %mul3A_106, %add3A_107 : i32
    %dma_start3A_109 = tpu.memref_slice %arg4[%add3A_108] : memref<320000xi32, #tpu.memory_space<hbm>> -> memref<80xi32, #tpu.memory_space<hbm>>
    %dma_start3A_110 = tpu.memref_slice %arg4[%add3A_108] : memref<320000xi32, #tpu.memory_space<hbm>> -> memref<80xi32, #tpu.memory_space<hbm>>
    tpu.enqueue_dma source(%dma_start3A_110 : memref<80xi32, #tpu.memory_space<hbm>>) target(%arg8 : memref<80xi32, #tpu.memory_space<vmem>>) target_semaphore(%arg16 : memref<!tpu.dma_semaphore, #tpu.memory_space<semaphore_mem>>)
    %dma_start3A_111 = arith.constant 0 : i32
    %dma_start3A_112 = arith.constant 0 : i32
    %dma_start3A_113 = tpu.memref_slice %arg2[%dma_start3A_111, %dma_start3A_112] : memref<10000x128xf32, #tpu.memory_space<hbm>> -> memref<10000x128xf32, #tpu.memory_space<hbm>>
    tpu.enqueue_indirect_dma source(%dma_start3A_113 : memref<10000x128xf32, #tpu.memory_space<hbm>>) target(%arg10 : memref<80x128xf32, #tpu.memory_space<vmem>>) offsets(%arg6 : memref<80xi32, #tpu.memory_space<vmem>>) semaphore(%arg12 : memref<!tpu.dma_semaphore, #tpu.memory_space<semaphore_mem>>)
    %dma_wait3A_114 = arith.constant 0 : i32
    %dma_wait3A_115 = tpu.memref_slice %arg4[%dma_wait3A_114] : memref<320000xi32, #tpu.memory_space<hbm>> -> memref<80xi32, #tpu.memory_space<hbm>>
    %dma_wait3A_116 = arith.constant 0 : i32
    %dma_wait3A_117 = tpu.memref_slice %arg4[%dma_wait3A_116] : memref<320000xi32, #tpu.memory_space<hbm>> -> memref<80xi32, #tpu.memory_space<hbm>>
    tpu.wait_dma2 semaphore(%arg17 : memref<!tpu.dma_semaphore, #tpu.memory_space<semaphore_mem>>) src(%dma_wait3A_117 : memref<80xi32, #tpu.memory_space<hbm>>) dst(%arg9 : memref<80xi32, #tpu.memory_space<vmem>>)
    "tpu.region"() ({
      %run_scoped3A = tpu.sem_alloc : memref<!tpu.dma_semaphore, #tpu.memory_space<semaphore_mem>>
      %dma_start3A_130 = arith.constant 0 : i32
      %dma_start3A_131 = arith.constant 0 : i32
      %dma_start3A_132 = tpu.memref_slice %arg20[%dma_start3A_130, %dma_start3A_131] : memref<10240x128xf32, #tpu.memory_space<vmem_shared>> -> memref<10240x128xf32, #tpu.memory_space<vmem_shared>>
      tpu.enqueue_indirect_dma source(%arg11 : memref<80x128xf32, #tpu.memory_space<vmem>>) target(%dma_start3A_132 : memref<10240x128xf32, #tpu.memory_space<vmem_shared>>) offsets(%arg9 : memref<80xi32, #tpu.memory_space<vmem>>) semaphore(%run_scoped3A : memref<!tpu.dma_semaphore, #tpu.memory_space<semaphore_mem>>) {add = true}
      %dma_wait3A_133 = arith.constant 0 : i32
      %dma_wait3A_134 = arith.constant 0 : i32
      %dma_wait3A_135 = tpu.memref_slice %arg20[%dma_wait3A_133, %dma_wait3A_134] : memref<10240x128xf32, #tpu.memory_space<vmem_shared>> -> memref<10240x128xf32, #tpu.memory_space<vmem_shared>>
      tpu.wait_indirect_dma semaphore(%run_scoped3A : memref<!tpu.dma_semaphore, #tpu.memory_space<semaphore_mem>>) src(%arg11 : memref<80x128xf32, #tpu.memory_space<vmem>>) dst(%dma_wait3A_135 : memref<10240x128xf32, #tpu.memory_space<vmem_shared>>)
      tpu.yield
    }) : () -> ()
    %dma_wait3A_118 = arith.constant 0 : i32
    %dma_wait3A_119 = arith.constant 0 : i32
    %dma_wait3A_120 = tpu.memref_slice %arg2[%dma_wait3A_118, %dma_wait3A_119] : memref<10000x128xf32, #tpu.memory_space<hbm>> -> memref<10000x128xf32, #tpu.memory_space<hbm>>
    tpu.wait_indirect_dma semaphore(%arg12 : memref<!tpu.dma_semaphore, #tpu.memory_space<semaphore_mem>>) src(%dma_wait3A_120 : memref<10000x128xf32, #tpu.memory_space<hbm>>) dst(%arg10 : memref<80x128xf32, #tpu.memory_space<vmem>>)
    %dma_wait3A_121 = arith.constant 0 : i32
    %dma_wait3A_122 = tpu.memref_slice %arg4[%dma_wait3A_121] : memref<320000xi32, #tpu.memory_space<hbm>> -> memref<80xi32, #tpu.memory_space<hbm>>
    %dma_wait3A_123 = arith.constant 0 : i32
    %dma_wait3A_124 = tpu.memref_slice %arg4[%dma_wait3A_123] : memref<320000xi32, #tpu.memory_space<hbm>> -> memref<80xi32, #tpu.memory_space<hbm>>
    tpu.wait_dma2 semaphore(%arg16 : memref<!tpu.dma_semaphore, #tpu.memory_space<semaphore_mem>>) src(%dma_wait3A_124 : memref<80xi32, #tpu.memory_space<hbm>>) dst(%arg8 : memref<80xi32, #tpu.memory_space<vmem>>)
    "tpu.region"() ({
      %run_scoped3A = tpu.sem_alloc : memref<!tpu.dma_semaphore, #tpu.memory_space<semaphore_mem>>
      %dma_start3A_130 = arith.constant 0 : i32
      %dma_start3A_131 = arith.constant 0 : i32
      %dma_start3A_132 = tpu.memref_slice %arg20[%dma_start3A_130, %dma_start3A_131] : memref<10240x128xf32, #tpu.memory_space<vmem_shared>> -> memref<10240x128xf32, #tpu.memory_space<vmem_shared>>
      tpu.enqueue_indirect_dma source(%arg10 : memref<80x128xf32, #tpu.memory_space<vmem>>) target(%dma_start3A_132 : memref<10240x128xf32, #tpu.memory_space<vmem_shared>>) offsets(%arg8 : memref<80xi32, #tpu.memory_space<vmem>>) semaphore(%run_scoped3A : memref<!tpu.dma_semaphore, #tpu.memory_space<semaphore_mem>>) {add = true}
      %dma_wait3A_133 = arith.constant 0 : i32
      %dma_wait3A_134 = arith.constant 0 : i32
      %dma_wait3A_135 = tpu.memref_slice %arg20[%dma_wait3A_133, %dma_wait3A_134] : memref<10240x128xf32, #tpu.memory_space<vmem_shared>> -> memref<10240x128xf32, #tpu.memory_space<vmem_shared>>
      tpu.wait_indirect_dma semaphore(%run_scoped3A : memref<!tpu.dma_semaphore, #tpu.memory_space<semaphore_mem>>) src(%arg10 : memref<80x128xf32, #tpu.memory_space<vmem>>) dst(%dma_wait3A_135 : memref<10240x128xf32, #tpu.memory_space<vmem_shared>>)
      tpu.yield
    }) : () -> ()
    %barrier3A_125 = arith.constant 0 : index
    tpu.barrier barrier_id(%barrier3A_125)
    %mul3A_126 = arith.constant 640 : i32
    %mul3A_127 = arith.muli %arg1, %mul3A_126 : i32
    %mul3A_128 = arith.constant 640 : i32
    %mul3A_129 = arith.muli %arg1, %mul3A_128 : i32
    "tpu.region"() ({
      %run_scoped3A = tpu.sem_alloc : memref<!tpu.dma_semaphore, #tpu.memory_space<semaphore_mem>>
      %dma_start3A_130 = arith.constant 0 : i32
      %dma_start3A_131 = tpu.memref_slice %arg5[%arg0, %mul3A_129, %dma_start3A_130] : memref<2x10240x128xf32, #tpu.memory_space<hbm>> -> memref<1x640x128xf32, #tpu.memory_space<hbm>>
      %dma_start3A_132 = tpu.memref_squeeze %dma_start3A_131 : memref<1x640x128xf32, #tpu.memory_space<hbm>> -> memref<640x128xf32, #tpu.memory_space<hbm>>
      %dma_start3A_133 = arith.constant 0 : i32
      %dma_start3A_134 = tpu.memref_slice %arg20[%mul3A_127, %dma_start3A_133] : memref<10240x128xf32, #tpu.memory_space<vmem_shared>> -> memref<640x128xf32, #tpu.memory_space<vmem_shared>>
      tpu.enqueue_dma source(%dma_start3A_134 : memref<640x128xf32, #tpu.memory_space<vmem_shared>>) target(%dma_start3A_132 : memref<640x128xf32, #tpu.memory_space<hbm>>) target_semaphore(%run_scoped3A : memref<!tpu.dma_semaphore, #tpu.memory_space<semaphore_mem>>)
      %dma_wait3A_135 = arith.constant 0 : i32
      %dma_wait3A_136 = tpu.memref_slice %arg5[%arg0, %mul3A_129, %dma_wait3A_135] : memref<2x10240x128xf32, #tpu.memory_space<hbm>> -> memref<1x640x128xf32, #tpu.memory_space<hbm>>
      %dma_wait3A_137 = tpu.memref_squeeze %dma_wait3A_136 : memref<1x640x128xf32, #tpu.memory_space<hbm>> -> memref<640x128xf32, #tpu.memory_space<hbm>>
      %dma_wait3A_138 = arith.constant 0 : i32
      %dma_wait3A_139 = tpu.memref_slice %arg20[%mul3A_127, %dma_wait3A_138] : memref<10240x128xf32, #tpu.memory_space<vmem_shared>> -> memref<640x128xf32, #tpu.memory_space<vmem_shared>>
      tpu.wait_dma2 semaphore(%run_scoped3A : memref<!tpu.dma_semaphore, #tpu.memory_space<semaphore_mem>>) src(%dma_wait3A_139 : memref<640x128xf32, #tpu.memory_space<vmem_shared>>) dst(%dma_wait3A_137 : memref<640x128xf32, #tpu.memory_space<hbm>>)
      tpu.yield
    }) : () -> ()
    return
  }
}

#map = affine_map<(d0, d1) -> (0, 0)>
#map1 = affine_map<(d0, d1) -> (0)>
#map2 = affine_map<(d0, d1) -> (0, 0, 0)>
module attributes {stable_mosaic.version = 14 : i64} {
  func.func @_agg_body(%arg0: i32, %arg1: i32, %arg2: memref<10000x128xf32, #tpu.memory_space<hbm>>, %arg3: memref<320000xi32, #tpu.memory_space<hbm>>, %arg4: memref<320000xi32, #tpu.memory_space<hbm>>, %arg5: memref<2x10240x128xf32, #tpu.memory_space<hbm>>, %arg6: memref<80xi32, #tpu.memory_space<vmem>>, %arg7: memref<80xi32, #tpu.memory_space<vmem>>, %arg8: memref<80xi32, #tpu.memory_space<vmem>>, %arg9: memref<80xi32, #tpu.memory_space<vmem>>, %arg10: memref<80x128xf32, #tpu.memory_space<vmem>>, %arg11: memref<80x128xf32, #tpu.memory_space<vmem>>, %arg12: memref<!tpu.dma_semaphore, #tpu.memory_space<semaphore_mem>>, %arg13: memref<!tpu.dma_semaphore, #tpu.memory_space<semaphore_mem>>, %arg14: memref<!tpu.dma_semaphore, #tpu.memory_space<semaphore_mem>>, %arg15: memref<!tpu.dma_semaphore, #tpu.memory_space<semaphore_mem>>, %arg16: memref<!tpu.dma_semaphore, #tpu.memory_space<semaphore_mem>>, %arg17: memref<!tpu.dma_semaphore, #tpu.memory_space<semaphore_mem>>, %arg18: memref<!tpu.dma_semaphore, #tpu.memory_space<semaphore_mem>>, %arg19: memref<!tpu.dma_semaphore, #tpu.memory_space<semaphore_mem>>, %arg20: memref<10240x128xf32, #tpu.memory_space<vmem_shared>>) attributes {dimension_semantics = [#tpu.dimension_semantics<core_parallel>, #tpu.dimension_semantics<subcore_parallel>], iteration_bounds = array<i64: 2, 16>, scalar_prefetch = 0 : i64, scratch_operands = 15 : i64, tpu.core_type = #tpu.core_type<sc_vector_subcore>, window_params = [{transform_indices = #map}, {transform_indices = #map1}, {transform_indices = #map1}, {transform_indices = #map2}]} {
    %mul3A = arith.constant 16 : i32
    %mul3A_0 = arith.muli %arg0, %mul3A : i32
    %add3A = arith.addi %mul3A_0, %arg1 : i32
    %scan3A = arith.constant 0 : i32
    %scan3A_1 = arith.constant 0 : i32
    %scan3A_2 = arith.constant 640 : i32
    %scan3A_3 = arith.addi %scan3A_1, %scan3A_2 : i32
    %scan3A_4 = arith.constant 1 : i32
    %scan3A_5 = scf.for %scan3A_130 = %scan3A_1 to %scan3A_3 step %scan3A_4 iter_args(%scan3A_131 = %scan3A) -> (i32)  : i32 {
      %broadcast_in_dim3A = arith.constant 0.000000e+00 : f32
      %broadcast_in_dim3A_132 = vector.broadcast %broadcast_in_dim3A : f32 to vector<16xf32>
      %jit3A = arith.constant 8 : i32
      %div3A = arith.divsi %scan3A_130, %jit3A : i32
      %sign3A = arith.constant 0 : i32
      %sign3A_133 = arith.cmpi sgt, %scan3A_130, %sign3A : i32
      %sign3A_134 = arith.extui %sign3A_133 : i1 to i32
      %sign3A_135 = arith.constant 0 : i32
      %sign3A_136 = arith.cmpi slt, %scan3A_130, %sign3A_135 : i32
      %sign3A_137 = arith.extui %sign3A_136 : i1 to i32
      %sign3A_138 = arith.subi %sign3A_134, %sign3A_137 : i32
      %sign3A_139 = arith.constant 0 : i32
      %sign3A_140 = arith.cmpi sgt, %jit3A, %sign3A_139 : i32
      %sign3A_141 = arith.extui %sign3A_140 : i1 to i32
      %sign3A_142 = arith.constant 0 : i32
      %sign3A_143 = arith.cmpi slt, %jit3A, %sign3A_142 : i32
      %sign3A_144 = arith.extui %sign3A_143 : i1 to i32
      %sign3A_145 = arith.subi %sign3A_141, %sign3A_144 : i32
      %ne3A = arith.cmpi ne, %sign3A_138, %sign3A_145 : i32
      %rem3A = arith.remsi %scan3A_130, %jit3A : i32
      %ne3A_146 = arith.constant 0 : i32
      %ne3A_147 = arith.cmpi ne, %rem3A, %ne3A_146 : i32
      %and3A = arith.andi %ne3A, %ne3A_147 : i1
      %sub3A = arith.constant 1 : i32
      %sub3A_148 = arith.subi %div3A, %sub3A : i32
      %select_n3A = arith.select %and3A, %sub3A_148, %div3A : i32
      %jit3A_149 = arith.constant 8 : i32
      %eq3A = arith.constant 0 : i32
      %eq3A_150 = arith.cmpi eq, %jit3A_149, %eq3A : i32
      %jit3A_151 = arith.constant 1 : i32
      %select_n3A_152 = arith.select %eq3A_150, %jit3A_151, %jit3A_149 : i32
      %rem3A_153 = arith.remsi %scan3A_130, %select_n3A_152 : i32
      %ne3A_154 = arith.constant 0 : i32
      %ne3A_155 = arith.cmpi ne, %rem3A_153, %ne3A_154 : i32
      %lt3A = arith.constant 0 : i32
      %lt3A_156 = arith.cmpi slt, %rem3A_153, %lt3A : i32
      %lt3A_157 = arith.constant 0 : i32
      %lt3A_158 = arith.cmpi slt, %select_n3A_152, %lt3A_157 : i32
      %ne3A_159 = arith.xori %lt3A_156, %lt3A_158 : i1
      %and3A_160 = arith.andi %ne3A_159, %ne3A_155 : i1
      %add3A_161 = arith.addi %rem3A_153, %select_n3A_152 : i32
      %select_n3A_162 = arith.select %and3A_160, %add3A_161, %rem3A_153 : i32
      %mul3A_163 = arith.constant 16 : i32
      %mul3A_164 = arith.muli %select_n3A_162, %mul3A_163 : i32
      %swap3A = arith.index_cast %select_n3A : i32 to index
      %swap3A_165 = arith.index_cast %mul3A_164 : i32 to index
      %swap3A_166 = tpu.vector_load %arg10[%swap3A, %swap3A_165] {strides = array<i32>} : memref<80x128xf32, #tpu.memory_space<vmem>>, vector<1x16xf32>,
      %swap3A_167 = vector.shape_cast %swap3A_166 : vector<1x16xf32> to vector<16xf32>
      %swap3A_168 = vector.shape_cast %broadcast_in_dim3A_132 : vector<16xf32> to vector<1x16xf32>
      tpu.vector_store %arg10[%swap3A, %swap3A_165], %swap3A_168 {strides = array<i32>} : memref<80x128xf32, #tpu.memory_space<vmem>>, vector<1x16xf32>,
      %scan3A_169 = arith.constant 0 : i32
      scf.yield %scan3A_169 : i32
    }
    %scan3A_6 = arith.constant 640 : i32
    %scan3A_7 = arith.constant 0 : i32
    %scan3A_8 = arith.constant 0 : i32
    %scan3A_9 = arith.constant 8 : i32
    %scan3A_10 = arith.addi %scan3A_8, %scan3A_9 : i32
    %scan3A_11 = arith.constant 1 : i32
    %scan3A_12 = scf.for %scan3A_130 = %scan3A_8 to %scan3A_10 step %scan3A_11 iter_args(%scan3A_131 = %scan3A_7) -> (i32)  : i32 {
      %mul3A_132 = arith.constant 640 : i32
      %mul3A_133 = arith.muli %arg1, %mul3A_132 : i32
      %mul3A_134 = arith.constant 80 : i32
      %mul3A_135 = arith.muli %scan3A_130, %mul3A_134 : i32
      %add3A_136 = arith.addi %mul3A_133, %mul3A_135 : i32
      "tpu.region"() ({
        %run_scoped3A = tpu.sem_alloc : memref<!tpu.dma_semaphore, #tpu.memory_space<semaphore_mem>>
        %dma_start3A_138 = arith.constant 0 : i32
        %dma_start3A_139 = tpu.memref_slice %arg20[%add3A_136, %dma_start3A_138] : memref<10240x128xf32, #tpu.memory_space<vmem_shared>> -> memref<80x128xf32, #tpu.memory_space<vmem_shared>>
        %dma_start3A_140 = arith.constant 0 : i32
        %dma_start3A_141 = tpu.memref_slice %arg20[%add3A_136, %dma_start3A_140] : memref<10240x128xf32, #tpu.memory_space<vmem_shared>> -> memref<80x128xf32, #tpu.memory_space<vmem_shared>>
        tpu.enqueue_dma source(%arg10 : memref<80x128xf32, #tpu.memory_space<vmem>>) target(%dma_start3A_141 : memref<80x128xf32, #tpu.memory_space<vmem_shared>>) target_semaphore(%run_scoped3A : memref<!tpu.dma_semaphore, #tpu.memory_space<semaphore_mem>>)
        %dma_wait3A_142 = arith.constant 0 : i32
        %dma_wait3A_143 = tpu.memref_slice %arg20[%add3A_136, %dma_wait3A_142] : memref<10240x128xf32, #tpu.memory_space<vmem_shared>> -> memref<80x128xf32, #tpu.memory_space<vmem_shared>>
        %dma_wait3A_144 = arith.constant 0 : i32
        %dma_wait3A_145 = tpu.memref_slice %arg20[%add3A_136, %dma_wait3A_144] : memref<10240x128xf32, #tpu.memory_space<vmem_shared>> -> memref<80x128xf32, #tpu.memory_space<vmem_shared>>
        tpu.wait_dma2 semaphore(%run_scoped3A : memref<!tpu.dma_semaphore, #tpu.memory_space<semaphore_mem>>) src(%arg10 : memref<80x128xf32, #tpu.memory_space<vmem>>) dst(%dma_wait3A_145 : memref<80x128xf32, #tpu.memory_space<vmem_shared>>)
        tpu.yield
      }) : () -> ()
      %scan3A_137 = arith.constant 0 : i32
      scf.yield %scan3A_137 : i32
    }
    %scan3A_13 = arith.constant 8 : i32
    %barrier3A = arith.constant 0 : index
    tpu.barrier barrier_id(%barrier3A)
    %mul3A_14 = arith.constant 10000 : i32
    %mul3A_15 = arith.muli %add3A, %mul3A_14 : i32
    %add3A_16 = arith.constant 0 : i32
    %add3A_17 = arith.addi %mul3A_15, %add3A_16 : i32
    "tpu.region"() ({
      %run_scoped3A = tpu.sem_alloc : memref<!tpu.dma_semaphore, #tpu.memory_space<semaphore_mem>>
      %dma_start3A_130 = tpu.memref_slice %arg3[%add3A_17] : memref<320000xi32, #tpu.memory_space<hbm>> -> memref<80xi32, #tpu.memory_space<hbm>>
      %dma_start3A_131 = tpu.memref_slice %arg3[%add3A_17] : memref<320000xi32, #tpu.memory_space<hbm>> -> memref<80xi32, #tpu.memory_space<hbm>>
      tpu.enqueue_dma source(%dma_start3A_131 : memref<80xi32, #tpu.memory_space<hbm>>) target(%arg6 : memref<80xi32, #tpu.memory_space<vmem>>) target_semaphore(%run_scoped3A : memref<!tpu.dma_semaphore, #tpu.memory_space<semaphore_mem>>)
      %dma_wait3A_132 = tpu.memref_slice %arg3[%add3A_17] : memref<320000xi32, #tpu.memory_space<hbm>> -> memref<80xi32, #tpu.memory_space<hbm>>
      %dma_wait3A_133 = tpu.memref_slice %arg3[%add3A_17] : memref<320000xi32, #tpu.memory_space<hbm>> -> memref<80xi32, #tpu.memory_space<hbm>>
      tpu.wait_dma2 semaphore(%run_scoped3A : memref<!tpu.dma_semaphore, #tpu.memory_space<semaphore_mem>>) src(%dma_wait3A_133 : memref<80xi32, #tpu.memory_space<hbm>>) dst(%arg6 : memref<80xi32, #tpu.memory_space<vmem>>)
      tpu.yield
    }) : () -> ()
    %mul3A_18 = arith.constant 10000 : i32
    %mul3A_19 = arith.muli %add3A, %mul3A_18 : i32
    %add3A_20 = arith.constant 0 : i32
    %add3A_21 = arith.addi %mul3A_19, %add3A_20 : i32
    "tpu.region"() ({
      %run_scoped3A = tpu.sem_alloc : memref<!tpu.dma_semaphore, #tpu.memory_space<semaphore_mem>>
      %dma_start3A_130 = tpu.memref_slice %arg4[%add3A_21] : memref<320000xi32, #tpu.memory_space<hbm>> -> memref<80xi32, #tpu.memory_space<hbm>>
      %dma_start3A_131 = tpu.memref_slice %arg4[%add3A_21] : memref<320000xi32, #tpu.memory_space<hbm>> -> memref<80xi32, #tpu.memory_space<hbm>>
      tpu.enqueue_dma source(%dma_start3A_131 : memref<80xi32, #tpu.memory_space<hbm>>) target(%arg8 : memref<80xi32, #tpu.memory_space<vmem>>) target_semaphore(%run_scoped3A : memref<!tpu.dma_semaphore, #tpu.memory_space<semaphore_mem>>)
      %dma_wait3A_132 = tpu.memref_slice %arg4[%add3A_21] : memref<320000xi32, #tpu.memory_space<hbm>> -> memref<80xi32, #tpu.memory_space<hbm>>
      %dma_wait3A_133 = tpu.memref_slice %arg4[%add3A_21] : memref<320000xi32, #tpu.memory_space<hbm>> -> memref<80xi32, #tpu.memory_space<hbm>>
      tpu.wait_dma2 semaphore(%run_scoped3A : memref<!tpu.dma_semaphore, #tpu.memory_space<semaphore_mem>>) src(%dma_wait3A_133 : memref<80xi32, #tpu.memory_space<hbm>>) dst(%arg8 : memref<80xi32, #tpu.memory_space<vmem>>)
      tpu.yield
    }) : () -> ()
    %mul3A_22 = arith.constant 10000 : i32
    %mul3A_23 = arith.muli %add3A, %mul3A_22 : i32
    %add3A_24 = arith.constant 80 : i32
    %add3A_25 = arith.addi %mul3A_23, %add3A_24 : i32
    "tpu.region"() ({
      %run_scoped3A = tpu.sem_alloc : memref<!tpu.dma_semaphore, #tpu.memory_space<semaphore_mem>>
      %dma_start3A_130 = tpu.memref_slice %arg3[%add3A_25] : memref<320000xi32, #tpu.memory_space<hbm>> -> memref<80xi32, #tpu.memory_space<hbm>>
      %dma_start3A_131 = tpu.memref_slice %arg3[%add3A_25] : memref<320000xi32, #tpu.memory_space<hbm>> -> memref<80xi32, #tpu.memory_space<hbm>>
      tpu.enqueue_dma source(%dma_start3A_131 : memref<80xi32, #tpu.memory_space<hbm>>) target(%arg7 : memref<80xi32, #tpu.memory_space<vmem>>) target_semaphore(%run_scoped3A : memref<!tpu.dma_semaphore, #tpu.memory_space<semaphore_mem>>)
      %dma_wait3A_132 = tpu.memref_slice %arg3[%add3A_25] : memref<320000xi32, #tpu.memory_space<hbm>> -> memref<80xi32, #tpu.memory_space<hbm>>
      %dma_wait3A_133 = tpu.memref_slice %arg3[%add3A_25] : memref<320000xi32, #tpu.memory_space<hbm>> -> memref<80xi32, #tpu.memory_space<hbm>>
      tpu.wait_dma2 semaphore(%run_scoped3A : memref<!tpu.dma_semaphore, #tpu.memory_space<semaphore_mem>>) src(%dma_wait3A_133 : memref<80xi32, #tpu.memory_space<hbm>>) dst(%arg7 : memref<80xi32, #tpu.memory_space<vmem>>)
      tpu.yield
    }) : () -> ()
    %mul3A_26 = arith.constant 10000 : i32
    %mul3A_27 = arith.muli %add3A, %mul3A_26 : i32
    %add3A_28 = arith.constant 80 : i32
    %add3A_29 = arith.addi %mul3A_27, %add3A_28 : i32
    "tpu.region"() ({
      %run_scoped3A = tpu.sem_alloc : memref<!tpu.dma_semaphore, #tpu.memory_space<semaphore_mem>>
      %dma_start3A_130 = tpu.memref_slice %arg4[%add3A_29] : memref<320000xi32, #tpu.memory_space<hbm>> -> memref<80xi32, #tpu.memory_space<hbm>>
      %dma_start3A_131 = tpu.memref_slice %arg4[%add3A_29] : memref<320000xi32, #tpu.memory_space<hbm>> -> memref<80xi32, #tpu.memory_space<hbm>>
      tpu.enqueue_dma source(%dma_start3A_131 : memref<80xi32, #tpu.memory_space<hbm>>) target(%arg9 : memref<80xi32, #tpu.memory_space<vmem>>) target_semaphore(%run_scoped3A : memref<!tpu.dma_semaphore, #tpu.memory_space<semaphore_mem>>)
      %dma_wait3A_132 = tpu.memref_slice %arg4[%add3A_29] : memref<320000xi32, #tpu.memory_space<hbm>> -> memref<80xi32, #tpu.memory_space<hbm>>
      %dma_wait3A_133 = tpu.memref_slice %arg4[%add3A_29] : memref<320000xi32, #tpu.memory_space<hbm>> -> memref<80xi32, #tpu.memory_space<hbm>>
      tpu.wait_dma2 semaphore(%run_scoped3A : memref<!tpu.dma_semaphore, #tpu.memory_space<semaphore_mem>>) src(%dma_wait3A_133 : memref<80xi32, #tpu.memory_space<hbm>>) dst(%arg9 : memref<80xi32, #tpu.memory_space<vmem>>)
      tpu.yield
    }) : () -> ()
    %dma_start3A = arith.constant 0 : i32
    %dma_start3A_30 = arith.constant 0 : i32
    %dma_start3A_31 = tpu.memref_slice %arg2[%dma_start3A, %dma_start3A_30] : memref<10000x128xf32, #tpu.memory_space<hbm>> -> memref<10000x128xf32, #tpu.memory_space<hbm>>
    tpu.enqueue_indirect_dma source(%dma_start3A_31 : memref<10000x128xf32, #tpu.memory_space<hbm>>) target(%arg10 : memref<80x128xf32, #tpu.memory_space<vmem>>) offsets(%arg6 : memref<80xi32, #tpu.memory_space<vmem>>) semaphore(%arg12 : memref<!tpu.dma_semaphore, #tpu.memory_space<semaphore_mem>>)
    %dma_wait3A = arith.constant 0 : i32
    %dma_wait3A_32 = arith.constant 0 : i32
    %dma_wait3A_33 = tpu.memref_slice %arg2[%dma_wait3A, %dma_wait3A_32] : memref<10000x128xf32, #tpu.memory_space<hbm>> -> memref<10000x128xf32, #tpu.memory_space<hbm>>
    tpu.wait_indirect_dma semaphore(%arg12 : memref<!tpu.dma_semaphore, #tpu.memory_space<semaphore_mem>>) src(%dma_wait3A_33 : memref<10000x128xf32, #tpu.memory_space<hbm>>) dst(%arg10 : memref<80x128xf32, #tpu.memory_space<vmem>>)
    %dma_start3A_34 = arith.constant 0 : i32
    %dma_start3A_35 = arith.constant 0 : i32
    %dma_start3A_36 = tpu.memref_slice %arg2[%dma_start3A_34, %dma_start3A_35] : memref<10000x128xf32, #tpu.memory_space<hbm>> -> memref<10000x128xf32, #tpu.memory_space<hbm>>
    tpu.enqueue_indirect_dma source(%dma_start3A_36 : memref<10000x128xf32, #tpu.memory_space<hbm>>) target(%arg11 : memref<80x128xf32, #tpu.memory_space<vmem>>) offsets(%arg7 : memref<80xi32, #tpu.memory_space<vmem>>) semaphore(%arg13 : memref<!tpu.dma_semaphore, #tpu.memory_space<semaphore_mem>>)
    "tpu.region"() ({
      %run_scoped3A = tpu.sem_alloc : memref<!tpu.dma_semaphore, #tpu.memory_space<semaphore_mem>>
      %dma_start3A_130 = arith.constant 0 : i32
      %dma_start3A_131 = arith.constant 0 : i32
      %dma_start3A_132 = tpu.memref_slice %arg20[%dma_start3A_130, %dma_start3A_131] : memref<10240x128xf32, #tpu.memory_space<vmem_shared>> -> memref<10240x128xf32, #tpu.memory_space<vmem_shared>>
      tpu.enqueue_indirect_dma source(%arg10 : memref<80x128xf32, #tpu.memory_space<vmem>>) target(%dma_start3A_132 : memref<10240x128xf32, #tpu.memory_space<vmem_shared>>) offsets(%arg8 : memref<80xi32, #tpu.memory_space<vmem>>) semaphore(%run_scoped3A : memref<!tpu.dma_semaphore, #tpu.memory_space<semaphore_mem>>) {add = true}
      %dma_wait3A_133 = arith.constant 0 : i32
      %dma_wait3A_134 = arith.constant 0 : i32
      %dma_wait3A_135 = tpu.memref_slice %arg20[%dma_wait3A_133, %dma_wait3A_134] : memref<10240x128xf32, #tpu.memory_space<vmem_shared>> -> memref<10240x128xf32, #tpu.memory_space<vmem_shared>>
      tpu.wait_indirect_dma semaphore(%run_scoped3A : memref<!tpu.dma_semaphore, #tpu.memory_space<semaphore_mem>>) src(%arg10 : memref<80x128xf32, #tpu.memory_space<vmem>>) dst(%dma_wait3A_135 : memref<10240x128xf32, #tpu.memory_space<vmem_shared>>)
      tpu.yield
    }) : () -> ()
    %mul3A_37 = arith.constant 10000 : i32
    %mul3A_38 = arith.muli %add3A, %mul3A_37 : i32
    %add3A_39 = arith.constant 160 : i32
    %add3A_40 = arith.addi %mul3A_38, %add3A_39 : i32
    %dma_start3A_41 = tpu.memref_slice %arg3[%add3A_40] : memref<320000xi32, #tpu.memory_space<hbm>> -> memref<80xi32, #tpu.memory_space<hbm>>
    %dma_start3A_42 = tpu.memref_slice %arg3[%add3A_40] : memref<320000xi32, #tpu.memory_space<hbm>> -> memref<80xi32, #tpu.memory_space<hbm>>
    tpu.enqueue_dma source(%dma_start3A_42 : memref<80xi32, #tpu.memory_space<hbm>>) target(%arg6 : memref<80xi32, #tpu.memory_space<vmem>>) target_semaphore(%arg14 : memref<!tpu.dma_semaphore, #tpu.memory_space<semaphore_mem>>)
    %dma_wait3A_43 = arith.constant 0 : i32
    %dma_wait3A_44 = arith.constant 0 : i32
    %dma_wait3A_45 = tpu.memref_slice %arg2[%dma_wait3A_43, %dma_wait3A_44] : memref<10000x128xf32, #tpu.memory_space<hbm>> -> memref<10000x128xf32, #tpu.memory_space<hbm>>
    tpu.wait_indirect_dma semaphore(%arg13 : memref<!tpu.dma_semaphore, #tpu.memory_space<semaphore_mem>>) src(%dma_wait3A_45 : memref<10000x128xf32, #tpu.memory_space<hbm>>) dst(%arg11 : memref<80x128xf32, #tpu.memory_space<vmem>>)
    %dma_wait3A_46 = arith.constant 0 : i32
    %dma_wait3A_47 = tpu.memref_slice %arg3[%dma_wait3A_46] : memref<320000xi32, #tpu.memory_space<hbm>> -> memref<80xi32, #tpu.memory_space<hbm>>
    %dma_wait3A_48 = arith.constant 0 : i32
    %dma_wait3A_49 = tpu.memref_slice %arg3[%dma_wait3A_48] : memref<320000xi32, #tpu.memory_space<hbm>> -> memref<80xi32, #tpu.memory_space<hbm>>
    tpu.wait_dma2 semaphore(%arg14 : memref<!tpu.dma_semaphore, #tpu.memory_space<semaphore_mem>>) src(%dma_wait3A_49 : memref<80xi32, #tpu.memory_space<hbm>>) dst(%arg6 : memref<80xi32, #tpu.memory_space<vmem>>)
    %mul3A_50 = arith.constant 10000 : i32
    %mul3A_51 = arith.muli %add3A, %mul3A_50 : i32
    %add3A_52 = arith.constant 160 : i32
    %add3A_53 = arith.addi %mul3A_51, %add3A_52 : i32
    %dma_start3A_54 = tpu.memref_slice %arg4[%add3A_53] : memref<320000xi32, #tpu.memory_space<hbm>> -> memref<80xi32, #tpu.memory_space<hbm>>
    %dma_start3A_55 = tpu.memref_slice %arg4[%add3A_53] : memref<320000xi32, #tpu.memory_space<hbm>> -> memref<80xi32, #tpu.memory_space<hbm>>
    tpu.enqueue_dma source(%dma_start3A_55 : memref<80xi32, #tpu.memory_space<hbm>>) target(%arg8 : memref<80xi32, #tpu.memory_space<vmem>>) target_semaphore(%arg16 : memref<!tpu.dma_semaphore, #tpu.memory_space<semaphore_mem>>)
    %dma_start3A_56 = arith.constant 0 : i32
    %dma_start3A_57 = arith.constant 0 : i32
    %dma_start3A_58 = tpu.memref_slice %arg2[%dma_start3A_56, %dma_start3A_57] : memref<10000x128xf32, #tpu.memory_space<hbm>> -> memref<10000x128xf32, #tpu.memory_space<hbm>>
    tpu.enqueue_indirect_dma source(%dma_start3A_58 : memref<10000x128xf32, #tpu.memory_space<hbm>>) target(%arg10 : memref<80x128xf32, #tpu.memory_space<vmem>>) offsets(%arg6 : memref<80xi32, #tpu.memory_space<vmem>>) semaphore(%arg12 : memref<!tpu.dma_semaphore, #tpu.memory_space<semaphore_mem>>)
    "tpu.region"() ({
      %run_scoped3A = tpu.sem_alloc : memref<!tpu.dma_semaphore, #tpu.memory_space<semaphore_mem>>
      %dma_start3A_130 = arith.constant 0 : i32
      %dma_start3A_131 = arith.constant 0 : i32
      %dma_start3A_132 = tpu.memref_slice %arg20[%dma_start3A_130, %dma_start3A_131] : memref<10240x128xf32, #tpu.memory_space<vmem_shared>> -> memref<10240x128xf32, #tpu.memory_space<vmem_shared>>
      tpu.enqueue_indirect_dma source(%arg11 : memref<80x128xf32, #tpu.memory_space<vmem>>) target(%dma_start3A_132 : memref<10240x128xf32, #tpu.memory_space<vmem_shared>>) offsets(%arg9 : memref<80xi32, #tpu.memory_space<vmem>>) semaphore(%run_scoped3A : memref<!tpu.dma_semaphore, #tpu.memory_space<semaphore_mem>>) {add = true}
      %dma_wait3A_133 = arith.constant 0 : i32
      %dma_wait3A_134 = arith.constant 0 : i32
      %dma_wait3A_135 = tpu.memref_slice %arg20[%dma_wait3A_133, %dma_wait3A_134] : memref<10240x128xf32, #tpu.memory_space<vmem_shared>> -> memref<10240x128xf32, #tpu.memory_space<vmem_shared>>
      tpu.wait_indirect_dma semaphore(%run_scoped3A : memref<!tpu.dma_semaphore, #tpu.memory_space<semaphore_mem>>) src(%arg11 : memref<80x128xf32, #tpu.memory_space<vmem>>) dst(%dma_wait3A_135 : memref<10240x128xf32, #tpu.memory_space<vmem_shared>>)
      tpu.yield
    }) : () -> ()
    %mul3A_59 = arith.constant 10000 : i32
    %mul3A_60 = arith.muli %add3A, %mul3A_59 : i32
    %add3A_61 = arith.constant 240 : i32
    %add3A_62 = arith.addi %mul3A_60, %add3A_61 : i32
    %dma_start3A_63 = tpu.memref_slice %arg3[%add3A_62] : memref<320000xi32, #tpu.memory_space<hbm>> -> memref<80xi32, #tpu.memory_space<hbm>>
    %dma_start3A_64 = tpu.memref_slice %arg3[%add3A_62] : memref<320000xi32, #tpu.memory_space<hbm>> -> memref<80xi32, #tpu.memory_space<hbm>>
    tpu.enqueue_dma source(%dma_start3A_64 : memref<80xi32, #tpu.memory_space<hbm>>) target(%arg7 : memref<80xi32, #tpu.memory_space<vmem>>) target_semaphore(%arg15 : memref<!tpu.dma_semaphore, #tpu.memory_space<semaphore_mem>>)
    %scan3A_65 = arith.constant 0 : i32
    %scan3A_66 = arith.constant 0 : i32
    %scan3A_67 = arith.constant 60 : i32
    %scan3A_68 = arith.addi %scan3A_66, %scan3A_67 : i32
    %scan3A_69 = arith.constant 1 : i32
    %scan3A_70 = scf.for %scan3A_130 = %scan3A_66 to %scan3A_68 step %scan3A_69 iter_args(%scan3A_131 = %scan3A_65) -> (i32)  : i32 {
      %mul3A_132 = arith.constant 2 : i32
      %mul3A_133 = arith.muli %mul3A_132, %scan3A_130 : i32
      %add3A_134 = arith.constant 2 : i32
      %add3A_135 = arith.addi %mul3A_133, %add3A_134 : i32
      %dma_wait3A_136 = arith.constant 0 : i32
      %dma_wait3A_137 = arith.constant 0 : i32
      %dma_wait3A_138 = tpu.memref_slice %arg2[%dma_wait3A_136, %dma_wait3A_137] : memref<10000x128xf32, #tpu.memory_space<hbm>> -> memref<10000x128xf32, #tpu.memory_space<hbm>>
      tpu.wait_indirect_dma semaphore(%arg12 : memref<!tpu.dma_semaphore, #tpu.memory_space<semaphore_mem>>) src(%dma_wait3A_138 : memref<10000x128xf32, #tpu.memory_space<hbm>>) dst(%arg10 : memref<80x128xf32, #tpu.memory_space<vmem>>)
      %dma_wait3A_139 = arith.constant 0 : i32
      %dma_wait3A_140 = tpu.memref_slice %arg3[%dma_wait3A_139] : memref<320000xi32, #tpu.memory_space<hbm>> -> memref<80xi32, #tpu.memory_space<hbm>>
      %dma_wait3A_141 = arith.constant 0 : i32
      %dma_wait3A_142 = tpu.memref_slice %arg3[%dma_wait3A_141] : memref<320000xi32, #tpu.memory_space<hbm>> -> memref<80xi32, #tpu.memory_space<hbm>>
      tpu.wait_dma2 semaphore(%arg15 : memref<!tpu.dma_semaphore, #tpu.memory_space<semaphore_mem>>) src(%dma_wait3A_142 : memref<80xi32, #tpu.memory_space<hbm>>) dst(%arg7 : memref<80xi32, #tpu.memory_space<vmem>>)
      %mul3A_143 = arith.constant 10000 : i32
      %mul3A_144 = arith.muli %add3A, %mul3A_143 : i32
      %add3A_145 = arith.constant 1 : i32
      %add3A_146 = arith.addi %add3A_135, %add3A_145 : i32
      %mul3A_147 = arith.constant 80 : i32
      %mul3A_148 = arith.muli %add3A_146, %mul3A_147 : i32
      %add3A_149 = arith.addi %mul3A_144, %mul3A_148 : i32
      %dma_start3A_150 = tpu.memref_slice %arg4[%add3A_149] : memref<320000xi32, #tpu.memory_space<hbm>> -> memref<80xi32, #tpu.memory_space<hbm>>
      %dma_start3A_151 = tpu.memref_slice %arg4[%add3A_149] : memref<320000xi32, #tpu.memory_space<hbm>> -> memref<80xi32, #tpu.memory_space<hbm>>
      tpu.enqueue_dma source(%dma_start3A_151 : memref<80xi32, #tpu.memory_space<hbm>>) target(%arg9 : memref<80xi32, #tpu.memory_space<vmem>>) target_semaphore(%arg17 : memref<!tpu.dma_semaphore, #tpu.memory_space<semaphore_mem>>)
      %dma_start3A_152 = arith.constant 0 : i32
      %dma_start3A_153 = arith.constant 0 : i32
      %dma_start3A_154 = tpu.memref_slice %arg2[%dma_start3A_152, %dma_start3A_153] : memref<10000x128xf32, #tpu.memory_space<hbm>> -> memref<10000x128xf32, #tpu.memory_space<hbm>>
      tpu.enqueue_indirect_dma source(%dma_start3A_154 : memref<10000x128xf32, #tpu.memory_space<hbm>>) target(%arg11 : memref<80x128xf32, #tpu.memory_space<vmem>>) offsets(%arg7 : memref<80xi32, #tpu.memory_space<vmem>>) semaphore(%arg13 : memref<!tpu.dma_semaphore, #tpu.memory_space<semaphore_mem>>)
      %dma_wait3A_155 = arith.constant 0 : i32
      %dma_wait3A_156 = tpu.memref_slice %arg4[%dma_wait3A_155] : memref<320000xi32, #tpu.memory_space<hbm>> -> memref<80xi32, #tpu.memory_space<hbm>>
      %dma_wait3A_157 = arith.constant 0 : i32
      %dma_wait3A_158 = tpu.memref_slice %arg4[%dma_wait3A_157] : memref<320000xi32, #tpu.memory_space<hbm>> -> memref<80xi32, #tpu.memory_space<hbm>>
      tpu.wait_dma2 semaphore(%arg16 : memref<!tpu.dma_semaphore, #tpu.memory_space<semaphore_mem>>) src(%dma_wait3A_158 : memref<80xi32, #tpu.memory_space<hbm>>) dst(%arg8 : memref<80xi32, #tpu.memory_space<vmem>>)
      "tpu.region"() ({
        %run_scoped3A = tpu.sem_alloc : memref<!tpu.dma_semaphore, #tpu.memory_space<semaphore_mem>>
        %dma_start3A_203 = arith.constant 0 : i32
        %dma_start3A_204 = arith.constant 0 : i32
        %dma_start3A_205 = tpu.memref_slice %arg20[%dma_start3A_203, %dma_start3A_204] : memref<10240x128xf32, #tpu.memory_space<vmem_shared>> -> memref<10240x128xf32, #tpu.memory_space<vmem_shared>>
        tpu.enqueue_indirect_dma source(%arg10 : memref<80x128xf32, #tpu.memory_space<vmem>>) target(%dma_start3A_205 : memref<10240x128xf32, #tpu.memory_space<vmem_shared>>) offsets(%arg8 : memref<80xi32, #tpu.memory_space<vmem>>) semaphore(%run_scoped3A : memref<!tpu.dma_semaphore, #tpu.memory_space<semaphore_mem>>) {add = true}
        %dma_wait3A_206 = arith.constant 0 : i32
        %dma_wait3A_207 = arith.constant 0 : i32
        %dma_wait3A_208 = tpu.memref_slice %arg20[%dma_wait3A_206, %dma_wait3A_207] : memref<10240x128xf32, #tpu.memory_space<vmem_shared>> -> memref<10240x128xf32, #tpu.memory_space<vmem_shared>>
        tpu.wait_indirect_dma semaphore(%run_scoped3A : memref<!tpu.dma_semaphore, #tpu.memory_space<semaphore_mem>>) src(%arg10 : memref<80x128xf32, #tpu.memory_space<vmem>>) dst(%dma_wait3A_208 : memref<10240x128xf32, #tpu.memory_space<vmem_shared>>)
        tpu.yield
      }) : () -> ()
      %mul3A_159 = arith.constant 10000 : i32
      %mul3A_160 = arith.muli %add3A, %mul3A_159 : i32
      %add3A_161 = arith.constant 2 : i32
      %add3A_162 = arith.addi %add3A_135, %add3A_161 : i32
      %mul3A_163 = arith.constant 80 : i32
      %mul3A_164 = arith.muli %add3A_162, %mul3A_163 : i32
      %add3A_165 = arith.addi %mul3A_160, %mul3A_164 : i32
      %dma_start3A_166 = tpu.memref_slice %arg3[%add3A_165] : memref<320000xi32, #tpu.memory_space<hbm>> -> memref<80xi32, #tpu.memory_space<hbm>>
      %dma_start3A_167 = tpu.memref_slice %arg3[%add3A_165] : memref<320000xi32, #tpu.memory_space<hbm>> -> memref<80xi32, #tpu.memory_space<hbm>>
      tpu.enqueue_dma source(%dma_start3A_167 : memref<80xi32, #tpu.memory_space<hbm>>) target(%arg6 : memref<80xi32, #tpu.memory_space<vmem>>) target_semaphore(%arg14 : memref<!tpu.dma_semaphore, #tpu.memory_space<semaphore_mem>>)
      %add3A_168 = arith.constant 1 : i32
      %add3A_169 = arith.addi %add3A_135, %add3A_168 : i32
      %dma_wait3A_170 = arith.constant 0 : i32
      %dma_wait3A_171 = arith.constant 0 : i32
      %dma_wait3A_172 = tpu.memref_slice %arg2[%dma_wait3A_170, %dma_wait3A_171] : memref<10000x128xf32, #tpu.memory_space<hbm>> -> memref<10000x128xf32, #tpu.memory_space<hbm>>
      tpu.wait_indirect_dma semaphore(%arg13 : memref<!tpu.dma_semaphore, #tpu.memory_space<semaphore_mem>>) src(%dma_wait3A_172 : memref<10000x128xf32, #tpu.memory_space<hbm>>) dst(%arg11 : memref<80x128xf32, #tpu.memory_space<vmem>>)
      %dma_wait3A_173 = arith.constant 0 : i32
      %dma_wait3A_174 = tpu.memref_slice %arg3[%dma_wait3A_173] : memref<320000xi32, #tpu.memory_space<hbm>> -> memref<80xi32, #tpu.memory_space<hbm>>
      %dma_wait3A_175 = arith.constant 0 : i32
      %dma_wait3A_176 = tpu.memref_slice %arg3[%dma_wait3A_175] : memref<320000xi32, #tpu.memory_space<hbm>> -> memref<80xi32, #tpu.memory_space<hbm>>
      tpu.wait_dma2 semaphore(%arg14 : memref<!tpu.dma_semaphore, #tpu.memory_space<semaphore_mem>>) src(%dma_wait3A_176 : memref<80xi32, #tpu.memory_space<hbm>>) dst(%arg6 : memref<80xi32, #tpu.memory_space<vmem>>)
      %mul3A_177 = arith.constant 10000 : i32
      %mul3A_178 = arith.muli %add3A, %mul3A_177 : i32
      %add3A_179 = arith.constant 1 : i32
      %add3A_180 = arith.addi %add3A_169, %add3A_179 : i32
      %mul3A_181 = arith.constant 80 : i32
      %mul3A_182 = arith.muli %add3A_180, %mul3A_181 : i32
      %add3A_183 = arith.addi %mul3A_178, %mul3A_182 : i32
      %dma_start3A_184 = tpu.memref_slice %arg4[%add3A_183] : memref<320000xi32, #tpu.memory_space<hbm>> -> memref<80xi32, #tpu.memory_space<hbm>>
      %dma_start3A_185 = tpu.memref_slice %arg4[%add3A_183] : memref<320000xi32, #tpu.memory_space<hbm>> -> memref<80xi32, #tpu.memory_space<hbm>>
      tpu.enqueue_dma source(%dma_start3A_185 : memref<80xi32, #tpu.memory_space<hbm>>) target(%arg8 : memref<80xi32, #tpu.memory_space<vmem>>) target_semaphore(%arg16 : memref<!tpu.dma_semaphore, #tpu.memory_space<semaphore_mem>>)
      %dma_start3A_186 = arith.constant 0 : i32
      %dma_start3A_187 = arith.constant 0 : i32
      %dma_start3A_188 = tpu.memref_slice %arg2[%dma_start3A_186, %dma_start3A_187] : memref<10000x128xf32, #tpu.memory_space<hbm>> -> memref<10000x128xf32, #tpu.memory_space<hbm>>
      tpu.enqueue_indirect_dma source(%dma_start3A_188 : memref<10000x128xf32, #tpu.memory_space<hbm>>) target(%arg10 : memref<80x128xf32, #tpu.memory_space<vmem>>) offsets(%arg6 : memref<80xi32, #tpu.memory_space<vmem>>) semaphore(%arg12 : memref<!tpu.dma_semaphore, #tpu.memory_space<semaphore_mem>>)
      %dma_wait3A_189 = arith.constant 0 : i32
      %dma_wait3A_190 = tpu.memref_slice %arg4[%dma_wait3A_189] : memref<320000xi32, #tpu.memory_space<hbm>> -> memref<80xi32, #tpu.memory_space<hbm>>
      %dma_wait3A_191 = arith.constant 0 : i32
      %dma_wait3A_192 = tpu.memref_slice %arg4[%dma_wait3A_191] : memref<320000xi32, #tpu.memory_space<hbm>> -> memref<80xi32, #tpu.memory_space<hbm>>
      tpu.wait_dma2 semaphore(%arg17 : memref<!tpu.dma_semaphore, #tpu.memory_space<semaphore_mem>>) src(%dma_wait3A_192 : memref<80xi32, #tpu.memory_space<hbm>>) dst(%arg9 : memref<80xi32, #tpu.memory_space<vmem>>)
      "tpu.region"() ({
        %run_scoped3A = tpu.sem_alloc : memref<!tpu.dma_semaphore, #tpu.memory_space<semaphore_mem>>
        %dma_start3A_203 = arith.constant 0 : i32
        %dma_start3A_204 = arith.constant 0 : i32
        %dma_start3A_205 = tpu.memref_slice %arg20[%dma_start3A_203, %dma_start3A_204] : memref<10240x128xf32, #tpu.memory_space<vmem_shared>> -> memref<10240x128xf32, #tpu.memory_space<vmem_shared>>
        tpu.enqueue_indirect_dma source(%arg11 : memref<80x128xf32, #tpu.memory_space<vmem>>) target(%dma_start3A_205 : memref<10240x128xf32, #tpu.memory_space<vmem_shared>>) offsets(%arg9 : memref<80xi32, #tpu.memory_space<vmem>>) semaphore(%run_scoped3A : memref<!tpu.dma_semaphore, #tpu.memory_space<semaphore_mem>>) {add = true}
        %dma_wait3A_206 = arith.constant 0 : i32
        %dma_wait3A_207 = arith.constant 0 : i32
        %dma_wait3A_208 = tpu.memref_slice %arg20[%dma_wait3A_206, %dma_wait3A_207] : memref<10240x128xf32, #tpu.memory_space<vmem_shared>> -> memref<10240x128xf32, #tpu.memory_space<vmem_shared>>
        tpu.wait_indirect_dma semaphore(%run_scoped3A : memref<!tpu.dma_semaphore, #tpu.memory_space<semaphore_mem>>) src(%arg11 : memref<80x128xf32, #tpu.memory_space<vmem>>) dst(%dma_wait3A_208 : memref<10240x128xf32, #tpu.memory_space<vmem_shared>>)
        tpu.yield
      }) : () -> ()
      %mul3A_193 = arith.constant 10000 : i32
      %mul3A_194 = arith.muli %add3A, %mul3A_193 : i32
      %add3A_195 = arith.constant 2 : i32
      %add3A_196 = arith.addi %add3A_169, %add3A_195 : i32
      %mul3A_197 = arith.constant 80 : i32
      %mul3A_198 = arith.muli %add3A_196, %mul3A_197 : i32
      %add3A_199 = arith.addi %mul3A_194, %mul3A_198 : i32
      %dma_start3A_200 = tpu.memref_slice %arg3[%add3A_199] : memref<320000xi32, #tpu.memory_space<hbm>> -> memref<80xi32, #tpu.memory_space<hbm>>
      %dma_start3A_201 = tpu.memref_slice %arg3[%add3A_199] : memref<320000xi32, #tpu.memory_space<hbm>> -> memref<80xi32, #tpu.memory_space<hbm>>
      tpu.enqueue_dma source(%dma_start3A_201 : memref<80xi32, #tpu.memory_space<hbm>>) target(%arg7 : memref<80xi32, #tpu.memory_space<vmem>>) target_semaphore(%arg15 : memref<!tpu.dma_semaphore, #tpu.memory_space<semaphore_mem>>)
      %scan3A_202 = arith.constant 0 : i32
      scf.yield %scan3A_202 : i32
    }
    %scan3A_71 = arith.constant 60 : i32
    %dma_wait3A_72 = arith.constant 0 : i32
    %dma_wait3A_73 = arith.constant 0 : i32
    %dma_wait3A_74 = tpu.memref_slice %arg2[%dma_wait3A_72, %dma_wait3A_73] : memref<10000x128xf32, #tpu.memory_space<hbm>> -> memref<10000x128xf32, #tpu.memory_space<hbm>>
    tpu.wait_indirect_dma semaphore(%arg12 : memref<!tpu.dma_semaphore, #tpu.memory_space<semaphore_mem>>) src(%dma_wait3A_74 : memref<10000x128xf32, #tpu.memory_space<hbm>>) dst(%arg10 : memref<80x128xf32, #tpu.memory_space<vmem>>)
    %dma_wait3A_75 = arith.constant 0 : i32
    %dma_wait3A_76 = tpu.memref_slice %arg3[%dma_wait3A_75] : memref<320000xi32, #tpu.memory_space<hbm>> -> memref<80xi32, #tpu.memory_space<hbm>>
    %dma_wait3A_77 = arith.constant 0 : i32
    %dma_wait3A_78 = tpu.memref_slice %arg3[%dma_wait3A_77] : memref<320000xi32, #tpu.memory_space<hbm>> -> memref<80xi32, #tpu.memory_space<hbm>>
    tpu.wait_dma2 semaphore(%arg15 : memref<!tpu.dma_semaphore, #tpu.memory_space<semaphore_mem>>) src(%dma_wait3A_78 : memref<80xi32, #tpu.memory_space<hbm>>) dst(%arg7 : memref<80xi32, #tpu.memory_space<vmem>>)
    %mul3A_79 = arith.constant 10000 : i32
    %mul3A_80 = arith.muli %add3A, %mul3A_79 : i32
    %add3A_81 = arith.constant 9840 : i32
    %add3A_82 = arith.addi %mul3A_80, %add3A_81 : i32
    %dma_start3A_83 = tpu.memref_slice %arg4[%add3A_82] : memref<320000xi32, #tpu.memory_space<hbm>> -> memref<80xi32, #tpu.memory_space<hbm>>
    %dma_start3A_84 = tpu.memref_slice %arg4[%add3A_82] : memref<320000xi32, #tpu.memory_space<hbm>> -> memref<80xi32, #tpu.memory_space<hbm>>
    tpu.enqueue_dma source(%dma_start3A_84 : memref<80xi32, #tpu.memory_space<hbm>>) target(%arg9 : memref<80xi32, #tpu.memory_space<vmem>>) target_semaphore(%arg17 : memref<!tpu.dma_semaphore, #tpu.memory_space<semaphore_mem>>)
    %dma_start3A_85 = arith.constant 0 : i32
    %dma_start3A_86 = arith.constant 0 : i32
    %dma_start3A_87 = tpu.memref_slice %arg2[%dma_start3A_85, %dma_start3A_86] : memref<10000x128xf32, #tpu.memory_space<hbm>> -> memref<10000x128xf32, #tpu.memory_space<hbm>>
    tpu.enqueue_indirect_dma source(%dma_start3A_87 : memref<10000x128xf32, #tpu.memory_space<hbm>>) target(%arg11 : memref<80x128xf32, #tpu.memory_space<vmem>>) offsets(%arg7 : memref<80xi32, #tpu.memory_space<vmem>>) semaphore(%arg13 : memref<!tpu.dma_semaphore, #tpu.memory_space<semaphore_mem>>)
    %dma_wait3A_88 = arith.constant 0 : i32
    %dma_wait3A_89 = tpu.memref_slice %arg4[%dma_wait3A_88] : memref<320000xi32, #tpu.memory_space<hbm>> -> memref<80xi32, #tpu.memory_space<hbm>>
    %dma_wait3A_90 = arith.constant 0 : i32
    %dma_wait3A_91 = tpu.memref_slice %arg4[%dma_wait3A_90] : memref<320000xi32, #tpu.memory_space<hbm>> -> memref<80xi32, #tpu.memory_space<hbm>>
    tpu.wait_dma2 semaphore(%arg16 : memref<!tpu.dma_semaphore, #tpu.memory_space<semaphore_mem>>) src(%dma_wait3A_91 : memref<80xi32, #tpu.memory_space<hbm>>) dst(%arg8 : memref<80xi32, #tpu.memory_space<vmem>>)
    "tpu.region"() ({
      %run_scoped3A = tpu.sem_alloc : memref<!tpu.dma_semaphore, #tpu.memory_space<semaphore_mem>>
      %dma_start3A_130 = arith.constant 0 : i32
      %dma_start3A_131 = arith.constant 0 : i32
      %dma_start3A_132 = tpu.memref_slice %arg20[%dma_start3A_130, %dma_start3A_131] : memref<10240x128xf32, #tpu.memory_space<vmem_shared>> -> memref<10240x128xf32, #tpu.memory_space<vmem_shared>>
      tpu.enqueue_indirect_dma source(%arg10 : memref<80x128xf32, #tpu.memory_space<vmem>>) target(%dma_start3A_132 : memref<10240x128xf32, #tpu.memory_space<vmem_shared>>) offsets(%arg8 : memref<80xi32, #tpu.memory_space<vmem>>) semaphore(%run_scoped3A : memref<!tpu.dma_semaphore, #tpu.memory_space<semaphore_mem>>) {add = true}
      %dma_wait3A_133 = arith.constant 0 : i32
      %dma_wait3A_134 = arith.constant 0 : i32
      %dma_wait3A_135 = tpu.memref_slice %arg20[%dma_wait3A_133, %dma_wait3A_134] : memref<10240x128xf32, #tpu.memory_space<vmem_shared>> -> memref<10240x128xf32, #tpu.memory_space<vmem_shared>>
      tpu.wait_indirect_dma semaphore(%run_scoped3A : memref<!tpu.dma_semaphore, #tpu.memory_space<semaphore_mem>>) src(%arg10 : memref<80x128xf32, #tpu.memory_space<vmem>>) dst(%dma_wait3A_135 : memref<10240x128xf32, #tpu.memory_space<vmem_shared>>)
      tpu.yield
    }) : () -> ()
    %mul3A_92 = arith.constant 10000 : i32
    %mul3A_93 = arith.muli %add3A, %mul3A_92 : i32
    %add3A_94 = arith.constant 9920 : i32
    %add3A_95 = arith.addi %mul3A_93, %add3A_94 : i32
    %dma_start3A_96 = tpu.memref_slice %arg3[%add3A_95] : memref<320000xi32, #tpu.memory_space<hbm>> -> memref<80xi32, #tpu.memory_space<hbm>>
    %dma_start3A_97 = tpu.memref_slice %arg3[%add3A_95] : memref<320000xi32, #tpu.memory_space<hbm>> -> memref<80xi32, #tpu.memory_space<hbm>>
    tpu.enqueue_dma source(%dma_start3A_97 : memref<80xi32, #tpu.memory_space<hbm>>) target(%arg6 : memref<80xi32, #tpu.memory_space<vmem>>) target_semaphore(%arg14 : memref<!tpu.dma_semaphore, #tpu.memory_space<semaphore_mem>>)
    %dma_wait3A_98 = arith.constant 0 : i32
    %dma_wait3A_99 = arith.constant 0 : i32
    %dma_wait3A_100 = tpu.memref_slice %arg2[%dma_wait3A_98, %dma_wait3A_99] : memref<10000x128xf32, #tpu.memory_space<hbm>> -> memref<10000x128xf32, #tpu.memory_space<hbm>>
    tpu.wait_indirect_dma semaphore(%arg13 : memref<!tpu.dma_semaphore, #tpu.memory_space<semaphore_mem>>) src(%dma_wait3A_100 : memref<10000x128xf32, #tpu.memory_space<hbm>>) dst(%arg11 : memref<80x128xf32, #tpu.memory_space<vmem>>)
    %dma_wait3A_101 = arith.constant 0 : i32
    %dma_wait3A_102 = tpu.memref_slice %arg3[%dma_wait3A_101] : memref<320000xi32, #tpu.memory_space<hbm>> -> memref<80xi32, #tpu.memory_space<hbm>>
    %dma_wait3A_103 = arith.constant 0 : i32
    %dma_wait3A_104 = tpu.memref_slice %arg3[%dma_wait3A_103] : memref<320000xi32, #tpu.memory_space<hbm>> -> memref<80xi32, #tpu.memory_space<hbm>>
    tpu.wait_dma2 semaphore(%arg14 : memref<!tpu.dma_semaphore, #tpu.memory_space<semaphore_mem>>) src(%dma_wait3A_104 : memref<80xi32, #tpu.memory_space<hbm>>) dst(%arg6 : memref<80xi32, #tpu.memory_space<vmem>>)
    %mul3A_105 = arith.constant 10000 : i32
    %mul3A_106 = arith.muli %add3A, %mul3A_105 : i32
    %add3A_107 = arith.constant 9920 : i32
    %add3A_108 = arith.addi %mul3A_106, %add3A_107 : i32
    %dma_start3A_109 = tpu.memref_slice %arg4[%add3A_108] : memref<320000xi32, #tpu.memory_space<hbm>> -> memref<80xi32, #tpu.memory_space<hbm>>
    %dma_start3A_110 = tpu.memref_slice %arg4[%add3A_108] : memref<320000xi32, #tpu.memory_space<hbm>> -> memref<80xi32, #tpu.memory_space<hbm>>
    tpu.enqueue_dma source(%dma_start3A_110 : memref<80xi32, #tpu.memory_space<hbm>>) target(%arg8 : memref<80xi32, #tpu.memory_space<vmem>>) target_semaphore(%arg16 : memref<!tpu.dma_semaphore, #tpu.memory_space<semaphore_mem>>)
    %dma_start3A_111 = arith.constant 0 : i32
    %dma_start3A_112 = arith.constant 0 : i32
    %dma_start3A_113 = tpu.memref_slice %arg2[%dma_start3A_111, %dma_start3A_112] : memref<10000x128xf32, #tpu.memory_space<hbm>> -> memref<10000x128xf32, #tpu.memory_space<hbm>>
    tpu.enqueue_indirect_dma source(%dma_start3A_113 : memref<10000x128xf32, #tpu.memory_space<hbm>>) target(%arg10 : memref<80x128xf32, #tpu.memory_space<vmem>>) offsets(%arg6 : memref<80xi32, #tpu.memory_space<vmem>>) semaphore(%arg12 : memref<!tpu.dma_semaphore, #tpu.memory_space<semaphore_mem>>)
    %dma_wait3A_114 = arith.constant 0 : i32
    %dma_wait3A_115 = tpu.memref_slice %arg4[%dma_wait3A_114] : memref<320000xi32, #tpu.memory_space<hbm>> -> memref<80xi32, #tpu.memory_space<hbm>>
    %dma_wait3A_116 = arith.constant 0 : i32
    %dma_wait3A_117 = tpu.memref_slice %arg4[%dma_wait3A_116] : memref<320000xi32, #tpu.memory_space<hbm>> -> memref<80xi32, #tpu.memory_space<hbm>>
    tpu.wait_dma2 semaphore(%arg17 : memref<!tpu.dma_semaphore, #tpu.memory_space<semaphore_mem>>) src(%dma_wait3A_117 : memref<80xi32, #tpu.memory_space<hbm>>) dst(%arg9 : memref<80xi32, #tpu.memory_space<vmem>>)
    "tpu.region"() ({
      %run_scoped3A = tpu.sem_alloc : memref<!tpu.dma_semaphore, #tpu.memory_space<semaphore_mem>>
      %dma_start3A_130 = arith.constant 0 : i32
      %dma_start3A_131 = arith.constant 0 : i32
      %dma_start3A_132 = tpu.memref_slice %arg20[%dma_start3A_130, %dma_start3A_131] : memref<10240x128xf32, #tpu.memory_space<vmem_shared>> -> memref<10240x128xf32, #tpu.memory_space<vmem_shared>>
      tpu.enqueue_indirect_dma source(%arg11 : memref<80x128xf32, #tpu.memory_space<vmem>>) target(%dma_start3A_132 : memref<10240x128xf32, #tpu.memory_space<vmem_shared>>) offsets(%arg9 : memref<80xi32, #tpu.memory_space<vmem>>) semaphore(%run_scoped3A : memref<!tpu.dma_semaphore, #tpu.memory_space<semaphore_mem>>) {add = true}
      %dma_wait3A_133 = arith.constant 0 : i32
      %dma_wait3A_134 = arith.constant 0 : i32
      %dma_wait3A_135 = tpu.memref_slice %arg20[%dma_wait3A_133, %dma_wait3A_134] : memref<10240x128xf32, #tpu.memory_space<vmem_shared>> -> memref<10240x128xf32, #tpu.memory_space<vmem_shared>>
      tpu.wait_indirect_dma semaphore(%run_scoped3A : memref<!tpu.dma_semaphore, #tpu.memory_space<semaphore_mem>>) src(%arg11 : memref<80x128xf32, #tpu.memory_space<vmem>>) dst(%dma_wait3A_135 : memref<10240x128xf32, #tpu.memory_space<vmem_shared>>)
      tpu.yield
    }) : () -> ()
    %dma_wait3A_118 = arith.constant 0 : i32
    %dma_wait3A_119 = arith.constant 0 : i32
    %dma_wait3A_120 = tpu.memref_slice %arg2[%dma_wait3A_118, %dma_wait3A_119] : memref<10000x128xf32, #tpu.memory_space<hbm>> -> memref<10000x128xf32, #tpu.memory_space<hbm>>
    tpu.wait_indirect_dma semaphore(%arg12 : memref<!tpu.dma_semaphore, #tpu.memory_space<semaphore_mem>>) src(%dma_wait3A_120 : memref<10000x128xf32, #tpu.memory_space<hbm>>) dst(%arg10 : memref<80x128xf32, #tpu.memory_space<vmem>>)
    %dma_wait3A_121 = arith.constant 0 : i32
    %dma_wait3A_122 = tpu.memref_slice %arg4[%dma_wait3A_121] : memref<320000xi32, #tpu.memory_space<hbm>> -> memref<80xi32, #tpu.memory_space<hbm>>
    %dma_wait3A_123 = arith.constant 0 : i32
    %dma_wait3A_124 = tpu.memref_slice %arg4[%dma_wait3A_123] : memref<320000xi32, #tpu.memory_space<hbm>> -> memref<80xi32, #tpu.memory_space<hbm>>
    tpu.wait_dma2 semaphore(%arg16 : memref<!tpu.dma_semaphore, #tpu.memory_space<semaphore_mem>>) src(%dma_wait3A_124 : memref<80xi32, #tpu.memory_space<hbm>>) dst(%arg8 : memref<80xi32, #tpu.memory_space<vmem>>)
    "tpu.region"() ({
      %run_scoped3A = tpu.sem_alloc : memref<!tpu.dma_semaphore, #tpu.memory_space<semaphore_mem>>
      %dma_start3A_130 = arith.constant 0 : i32
      %dma_start3A_131 = arith.constant 0 : i32
      %dma_start3A_132 = tpu.memref_slice %arg20[%dma_start3A_130, %dma_start3A_131] : memref<10240x128xf32, #tpu.memory_space<vmem_shared>> -> memref<10240x128xf32, #tpu.memory_space<vmem_shared>>
      tpu.enqueue_indirect_dma source(%arg10 : memref<80x128xf32, #tpu.memory_space<vmem>>) target(%dma_start3A_132 : memref<10240x128xf32, #tpu.memory_space<vmem_shared>>) offsets(%arg8 : memref<80xi32, #tpu.memory_space<vmem>>) semaphore(%run_scoped3A : memref<!tpu.dma_semaphore, #tpu.memory_space<semaphore_mem>>) {add = true}
      %dma_wait3A_133 = arith.constant 0 : i32
      %dma_wait3A_134 = arith.constant 0 : i32
      %dma_wait3A_135 = tpu.memref_slice %arg20[%dma_wait3A_133, %dma_wait3A_134] : memref<10240x128xf32, #tpu.memory_space<vmem_shared>> -> memref<10240x128xf32, #tpu.memory_space<vmem_shared>>
      tpu.wait_indirect_dma semaphore(%run_scoped3A : memref<!tpu.dma_semaphore, #tpu.memory_space<semaphore_mem>>) src(%arg10 : memref<80x128xf32, #tpu.memory_space<vmem>>) dst(%dma_wait3A_135 : memref<10240x128xf32, #tpu.memory_space<vmem_shared>>)
      tpu.yield
    }) : () -> ()
    %barrier3A_125 = arith.constant 0 : index
    tpu.barrier barrier_id(%barrier3A_125)
    %mul3A_126 = arith.constant 640 : i32
    %mul3A_127 = arith.muli %arg1, %mul3A_126 : i32
    %mul3A_128 = arith.constant 640 : i32
    %mul3A_129 = arith.muli %arg1, %mul3A_128 : i32
    "tpu.region"() ({
      %run_scoped3A = tpu.sem_alloc : memref<!tpu.dma_semaphore, #tpu.memory_space<semaphore_mem>>
      %dma_start3A_130 = arith.constant 0 : i32
      %dma_start3A_131 = tpu.memref_slice %arg5[%arg0, %mul3A_129, %dma_start3A_130] : memref<2x10240x128xf32, #tpu.memory_space<hbm>> -> memref<1x640x128xf32, #tpu.memory_space<hbm>>
      %dma_start3A_132 = tpu.memref_squeeze %dma_start3A_131 : memref<1x640x128xf32, #tpu.memory_space<hbm>> -> memref<640x128xf32, #tpu.memory_space<hbm>>
      %dma_start3A_133 = arith.constant 0 : i32
      %dma_start3A_134 = tpu.memref_slice %arg20[%mul3A_127, %dma_start3A_133] : memref<10240x128xf32, #tpu.memory_space<vmem_shared>> -> memref<640x128xf32, #tpu.memory_space<vmem_shared>>
      tpu.enqueue_dma source(%dma_start3A_134 : memref<640x128xf32, #tpu.memory_space<vmem_shared>>) target(%dma_start3A_132 : memref<640x128xf32, #tpu.memory_space<hbm>>) target_semaphore(%run_scoped3A : memref<!tpu.dma_semaphore, #tpu.memory_space<semaphore_mem>>)
      %dma_wait3A_135 = arith.constant 0 : i32
      %dma_wait3A_136 = tpu.memref_slice %arg5[%arg0, %mul3A_129, %dma_wait3A_135] : memref<2x10240x128xf32, #tpu.memory_space<hbm>> -> memref<1x640x128xf32, #tpu.memory_space<hbm>>
      %dma_wait3A_137 = tpu.memref_squeeze %dma_wait3A_136 : memref<1x640x128xf32, #tpu.memory_space<hbm>> -> memref<640x128xf32, #tpu.memory_space<hbm>>
      %dma_wait3A_138 = arith.constant 0 : i32
      %dma_wait3A_139 = tpu.memref_slice %arg20[%mul3A_127, %dma_wait3A_138] : memref<10240x128xf32, #tpu.memory_space<vmem_shared>> -> memref<640x128xf32, #tpu.memory_space<vmem_shared>>
      tpu.wait_dma2 semaphore(%run_scoped3A : memref<!tpu.dma_semaphore, #tpu.memory_space<semaphore_mem>>) src(%dma_wait3A_139 : memref<640x128xf32, #tpu.memory_space<vmem_shared>>) dst(%dma_wait3A_137 : memref<640x128xf32, #tpu.memory_space<hbm>>)
      tpu.yield
    }) : () -> ()
    return
  }
}

module attributes {stable_mosaic.version = 14 : i64} {
  func.func @_tc2_body(%arg0: i32, %arg1: memref<2x2000x128xf32, #tpu.memory_space<vmem>>, %arg2: memref<2000x128xf32, #tpu.memory_space<vmem>>, %arg3: memref<2000x1xf32, #tpu.memory_space<vmem>>, %arg4: memref<1x128xf32, #tpu.memory_space<vmem>>, %arg5: memref<128x128xf32, #tpu.memory_space<vmem>>, %arg6: memref<2000x128xf32, #tpu.memory_space<vmem>>) attributes {dimension_semantics = [#tpu.dimension_semantics<arbitrary>], iteration_bounds = array<i64: 5>, scalar_prefetch = 0 : i64, scratch_operands = 0 : i64, tpu.core_type = #tpu.core_type<tc>, window_params = [{transform_indices = @transform_0, window_bounds = array<i64: 2, 2000, 128>}, {transform_indices = @transform_1, window_bounds = array<i64: 2000, 128>}, {transform_indices = @transform_2, window_bounds = array<i64: 2000, 1>}, {pipeline_mode = #tpu.pipeline_mode<synchronous>, transform_indices = @transform_3, window_bounds = array<i64: 1, 128>}, {pipeline_mode = #tpu.pipeline_mode<synchronous>, transform_indices = @transform_4, window_bounds = array<i64: 128, 128>}, {transform_indices = @transform_5, window_bounds = array<i64: 2000, 128>}]} {
    %get3A = arith.constant 0 : index
    %get3A_0 = arith.constant 0 : index
    %get3A_1 = vector.load %arg3[%get3A, %get3A_0] : memref<2000x1xf32, #tpu.memory_space<vmem>>, vector<2000x1xf32>
    %get3A_2 = arith.constant 0 : index
    %get3A_3 = arith.constant 0 : index
    %get3A_4 = arith.constant 0 : index
    %get3A_5 = vector.load %arg1[%get3A_2, %get3A_3, %get3A_4] : memref<2x2000x128xf32, #tpu.memory_space<vmem>>, vector<1x2000x128xf32>
    %get3A_6 = vector.shape_cast %get3A_5 : vector<1x2000x128xf32> to vector<2000x128xf32>
    %get3A_7 = arith.constant 1 : index
    %get3A_8 = arith.constant 0 : index
    %get3A_9 = arith.constant 0 : index
    %get3A_10 = vector.load %arg1[%get3A_7, %get3A_8, %get3A_9] : memref<2x2000x128xf32, #tpu.memory_space<vmem>>, vector<1x2000x128xf32>
    %get3A_11 = vector.shape_cast %get3A_10 : vector<1x2000x128xf32> to vector<2000x128xf32>
    %add3A = arith.addf %get3A_6, %get3A_11 : vector<2000x128xf32>
    %get3A_12 = arith.constant 0 : index
    %get3A_13 = arith.constant 0 : index
    %get3A_14 = vector.load %arg2[%get3A_12, %get3A_13] : memref<2000x128xf32, #tpu.memory_space<vmem>>, vector<2000x128xf32>
    %add3A_15 = arith.addf %add3A, %get3A_14 : vector<2000x128xf32>
    %mul3A = vector.broadcast %get3A_1 : vector<2000x1xf32> to vector<2000x128xf32>
    %mul3A_16 = arith.mulf %mul3A, %add3A_15 : vector<2000x128xf32>
    %get3A_17 = arith.constant 0 : index
    %get3A_18 = arith.constant 0 : index
    %get3A_19 = vector.load %arg4[%get3A_17, %get3A_18] : memref<1x128xf32, #tpu.memory_space<vmem>>, vector<1x128xf32>
    %add3A_20 = vector.broadcast %get3A_19 : vector<1x128xf32> to vector<2000x128xf32>
    %add3A_21 = arith.addf %mul3A_16, %add3A_20 : vector<2000x128xf32>
    %max3A = arith.constant 0.000000e+00 : f32
    %max3A_22 = vector.broadcast %max3A : f32 to vector<2000x128xf32>
    %max3A_23 = arith.maximumf %add3A_21, %max3A_22 : vector<2000x128xf32>
    %get3A_24 = arith.constant 0 : index
    %get3A_25 = arith.constant 0 : index
    %get3A_26 = vector.load %arg5[%get3A_24, %get3A_25] : memref<128x128xf32, #tpu.memory_space<vmem>>, vector<128x128xf32>
    %dot_general3A = arith.constant dense<0.000000e+00> : vector<2000x128xf32>
    %dot_general3A_27 = tpu.matmul %max3A_23, %get3A_26, %dot_general3A {dimension_numbers = #tpu.dot_dimension_numbers<[1], [0], [0], [1], [0, 0, 1, 1], [], []>, transpose_lhs_hint = false} : vector<2000x128xf32>, vector<128x128xf32>, vector<2000x128xf32> -> vector<2000x128xf32>
    %mul3A_28 = vector.broadcast %get3A_1 : vector<2000x1xf32> to vector<2000x128xf32>
    %mul3A_29 = arith.mulf %dot_general3A_27, %mul3A_28 : vector<2000x128xf32>
    %swap3A = arith.constant 0 : index
    %swap3A_30 = arith.constant 0 : index
    %swap3A_31 = vector.load %arg6[%swap3A, %swap3A_30] : memref<2000x128xf32, #tpu.memory_space<vmem>>, vector<2000x128xf32>
    tpu.vector_store %arg6[%swap3A, %swap3A_30], %mul3A_29 {strides = array<i32>} : memref<2000x128xf32, #tpu.memory_space<vmem>>, vector<2000x128xf32>,
    return
  }
  func.func @transform_0(%arg0: i32) -> (i32, i32, i32) {
    %c0_i32 = arith.constant 0 : i32
    %c0_i32_0 = arith.constant 0 : i32
    %c0_i32_1 = arith.constant 0 : i32
    return %c0_i32, %arg0, %c0_i32_0 : i32, i32, i32
  }
  func.func @transform_1(%arg0: i32) -> (i32, i32) {
    %c0_i32 = arith.constant 0 : i32
    %c0_i32_0 = arith.constant 0 : i32
    return %arg0, %c0_i32 : i32, i32
  }
  func.func @transform_2(%arg0: i32) -> (i32, i32) {
    %c0_i32 = arith.constant 0 : i32
    %c0_i32_0 = arith.constant 0 : i32
    return %arg0, %c0_i32 : i32, i32
  }
  func.func @transform_3(%arg0: i32) -> (i32, i32) {
    %c0_i32 = arith.constant 0 : i32
    %c0_i32_0 = arith.constant 0 : i32
    %c0_i32_1 = arith.constant 0 : i32
    return %c0_i32, %c0_i32_0 : i32, i32
  }
  func.func @transform_4(%arg0: i32) -> (i32, i32) {
    %c0_i32 = arith.constant 0 : i32
    %c0_i32_0 = arith.constant 0 : i32
    %c0_i32_1 = arith.constant 0 : i32
    return %c0_i32, %c0_i32_0 : i32, i32
  }
  func.func @transform_5(%arg0: i32) -> (i32, i32) {
    %c0_i32 = arith.constant 0 : i32
    %c0_i32_0 = arith.constant 0 : i32
    return %arg0, %c0_i32 : i32, i32
  }
}

module attributes {stable_mosaic.version = 14 : i64} {
  func.func @_tc1_body(%arg0: i32, %arg1: memref<2000x128xf32, #tpu.memory_space<vmem>>, %arg2: memref<128x128xf32, #tpu.memory_space<vmem>>, %arg3: memref<2x2000x1xf32, #tpu.memory_space<vmem>>, %arg4: memref<2000x128xf32, #tpu.memory_space<vmem>>, %arg5: memref<2000x1xf32, #tpu.memory_space<vmem>>) attributes {dimension_semantics = [#tpu.dimension_semantics<arbitrary>], iteration_bounds = array<i64: 5>, scalar_prefetch = 0 : i64, scratch_operands = 0 : i64, tpu.core_type = #tpu.core_type<tc>, window_params = [{transform_indices = @transform_0, window_bounds = array<i64: 2000, 128>}, {pipeline_mode = #tpu.pipeline_mode<synchronous>, transform_indices = @transform_1, window_bounds = array<i64: 128, 128>}, {transform_indices = @transform_2, window_bounds = array<i64: 2, 2000, 1>}, {transform_indices = @transform_3, window_bounds = array<i64: 2000, 128>}, {transform_indices = @transform_4, window_bounds = array<i64: 2000, 1>}]} {
    %get3A = arith.constant 0 : index
    %get3A_0 = arith.constant 0 : index
    %get3A_1 = arith.constant 0 : index
    %get3A_2 = vector.load %arg3[%get3A, %get3A_0, %get3A_1] : memref<2x2000x1xf32, #tpu.memory_space<vmem>>, vector<1x2000x1xf32>
    %get3A_3 = vector.shape_cast %get3A_2 : vector<1x2000x1xf32> to vector<2000x1xf32>
    %get3A_4 = arith.constant 1 : index
    %get3A_5 = arith.constant 0 : index
    %get3A_6 = arith.constant 0 : index
    %get3A_7 = vector.load %arg3[%get3A_4, %get3A_5, %get3A_6] : memref<2x2000x1xf32, #tpu.memory_space<vmem>>, vector<1x2000x1xf32>
    %get3A_8 = vector.shape_cast %get3A_7 : vector<1x2000x1xf32> to vector<2000x1xf32>
    %add3A = arith.addf %get3A_3, %get3A_8 : vector<2000x1xf32>
    %add3A_9 = arith.constant 1.000000e+00 : f32
    %add3A_10 = vector.broadcast %add3A_9 : f32 to vector<2000x1xf32>
    %add3A_11 = arith.addf %add3A, %add3A_10 : vector<2000x1xf32>
    %rsqrt3A = math.rsqrt %add3A_11 : vector<2000x1xf32>
    %swap3A = arith.constant 0 : index
    %swap3A_12 = arith.constant 0 : index
    %swap3A_13 = vector.load %arg5[%swap3A, %swap3A_12] : memref<2000x1xf32, #tpu.memory_space<vmem>>, vector<2000x1xf32>
    tpu.vector_store %arg5[%swap3A, %swap3A_12], %rsqrt3A {strides = array<i32>} : memref<2000x1xf32, #tpu.memory_space<vmem>>, vector<2000x1xf32>,
    %get3A_14 = arith.constant 0 : index
    %get3A_15 = arith.constant 0 : index
    %get3A_16 = vector.load %arg1[%get3A_14, %get3A_15] : memref<2000x128xf32, #tpu.memory_space<vmem>>, vector<2000x128xf32>
    %get3A_17 = arith.constant 0 : index
    %get3A_18 = arith.constant 0 : index
    %get3A_19 = vector.load %arg2[%get3A_17, %get3A_18] : memref<128x128xf32, #tpu.memory_space<vmem>>, vector<128x128xf32>
    %dot_general3A = arith.constant dense<0.000000e+00> : vector<2000x128xf32>
    %dot_general3A_20 = tpu.matmul %get3A_16, %get3A_19, %dot_general3A {dimension_numbers = #tpu.dot_dimension_numbers<[1], [0], [0], [1], [0, 0, 1, 1], [], []>, transpose_lhs_hint = false} : vector<2000x128xf32>, vector<128x128xf32>, vector<2000x128xf32> -> vector<2000x128xf32>
    %mul3A = vector.broadcast %rsqrt3A : vector<2000x1xf32> to vector<2000x128xf32>
    %mul3A_21 = arith.mulf %dot_general3A_20, %mul3A : vector<2000x128xf32>
    %swap3A_22 = arith.constant 0 : index
    %swap3A_23 = arith.constant 0 : index
    %swap3A_24 = vector.load %arg4[%swap3A_22, %swap3A_23] : memref<2000x128xf32, #tpu.memory_space<vmem>>, vector<2000x128xf32>
    tpu.vector_store %arg4[%swap3A_22, %swap3A_23], %mul3A_21 {strides = array<i32>} : memref<2000x128xf32, #tpu.memory_space<vmem>>, vector<2000x128xf32>,
    return
  }
  func.func @transform_0(%arg0: i32) -> (i32, i32) {
    %c0_i32 = arith.constant 0 : i32
    %c0_i32_0 = arith.constant 0 : i32
    return %arg0, %c0_i32 : i32, i32
  }
  func.func @transform_1(%arg0: i32) -> (i32, i32) {
    %c0_i32 = arith.constant 0 : i32
    %c0_i32_0 = arith.constant 0 : i32
    %c0_i32_1 = arith.constant 0 : i32
    return %c0_i32, %c0_i32_0 : i32, i32
  }
  func.func @transform_2(%arg0: i32) -> (i32, i32, i32) {
    %c0_i32 = arith.constant 0 : i32
    %c0_i32_0 = arith.constant 0 : i32
    %c0_i32_1 = arith.constant 0 : i32
    return %c0_i32, %arg0, %c0_i32_0 : i32, i32, i32
  }
  func.func @transform_3(%arg0: i32) -> (i32, i32) {
    %c0_i32 = arith.constant 0 : i32
    %c0_i32_0 = arith.constant 0 : i32
    return %arg0, %c0_i32 : i32, i32
  }
  func.func @transform_4(%arg0: i32) -> (i32, i32) {
    %c0_i32 = arith.constant 0 : i32
    %c0_i32_0 = arith.constant 0 : i32
    return %arg0, %c0_i32 : i32, i32
  }
}

module attributes {stable_mosaic.version = 14 : i64} {
  func.func @_tc3_body(%arg0: i32, %arg1: memref<2x2000x128xf32, #tpu.memory_space<vmem>>, %arg2: memref<2000x128xf32, #tpu.memory_space<vmem>>, %arg3: memref<2000x1xf32, #tpu.memory_space<vmem>>, %arg4: memref<1x128xf32, #tpu.memory_space<vmem>>, %arg5: memref<2000x1xi32, #tpu.memory_space<vmem>>, %arg6: memref<128x128xf32, #tpu.memory_space<vmem>>, %arg7: memref<128x128xf32, #tpu.memory_space<vmem>>, %arg8: memref<1x128xf32, #tpu.memory_space<vmem>>, %arg9: memref<1x128xf32, #tpu.memory_space<vmem>>, %arg10: memref<128x128xf32, #tpu.memory_space<vmem>>, %arg11: memref<128x128xf32, #tpu.memory_space<vmem>>, %arg12: memref<1x128xf32, #tpu.memory_space<vmem>>, %arg13: memref<1x128xf32, #tpu.memory_space<vmem>>, %arg14: memref<128x10xf32, #tpu.memory_space<vmem>>, %arg15: memref<1x10xf32, #tpu.memory_space<vmem>>, %arg16: memref<256x10xf32, #tpu.memory_space<vmem>>, %arg17: memref<256x128xf32, #tpu.memory_space<vmem>>, %arg18: memref<256x1xf32, #tpu.memory_space<vmem>>) attributes {dimension_semantics = [#tpu.dimension_semantics<arbitrary>], iteration_bounds = array<i64: 5>, scalar_prefetch = 0 : i64, scratch_operands = 2 : i64, tpu.core_type = #tpu.core_type<tc>, window_params = [{transform_indices = @transform_0, window_bounds = array<i64: 2, 2000, 128>}, {transform_indices = @transform_1, window_bounds = array<i64: 2000, 128>}, {transform_indices = @transform_2, window_bounds = array<i64: 2000, 1>}, {pipeline_mode = #tpu.pipeline_mode<synchronous>, transform_indices = @transform_3, window_bounds = array<i64: 1, 128>}, {transform_indices = @transform_4, window_bounds = array<i64: 2000, 1>}, {pipeline_mode = #tpu.pipeline_mode<synchronous>, transform_indices = @transform_5, window_bounds = array<i64: 128, 128>}, {pipeline_mode = #tpu.pipeline_mode<synchronous>, transform_indices = @transform_6, window_bounds = array<i64: 128, 128>}, {pipeline_mode = #tpu.pipeline_mode<synchronous>, transform_indices = @transform_7, window_bounds = array<i64: 1, 128>}, {pipeline_mode = #tpu.pipeline_mode<synchronous>, transform_indices = @transform_8, window_bounds = array<i64: 1, 128>}, {pipeline_mode = #tpu.pipeline_mode<synchronous>, transform_indices = @transform_9, window_bounds = array<i64: 128, 128>}, {pipeline_mode = #tpu.pipeline_mode<synchronous>, transform_indices = @transform_10, window_bounds = array<i64: 128, 128>}, {pipeline_mode = #tpu.pipeline_mode<synchronous>, transform_indices = @transform_11, window_bounds = array<i64: 1, 128>}, {pipeline_mode = #tpu.pipeline_mode<synchronous>, transform_indices = @transform_12, window_bounds = array<i64: 1, 128>}, {pipeline_mode = #tpu.pipeline_mode<synchronous>, transform_indices = @transform_13, window_bounds = array<i64: 128, 10>}, {pipeline_mode = #tpu.pipeline_mode<synchronous>, transform_indices = @transform_14, window_bounds = array<i64: 1, 10>}, {pipeline_mode = #tpu.pipeline_mode<synchronous>, transform_indices = @transform_15, window_bounds = array<i64: 256, 10>}]} {
    %eq3A = arith.constant 0 : i32
    %eq3A_0 = arith.cmpi eq, %arg0, %eq3A : i32
    %convert_element_type3A = arith.extui %eq3A_0 : i1 to i32
    %cond3A = arith.constant 0 : i32
    %cond3A_1 = arith.cmpi ne, %convert_element_type3A, %cond3A : i32
    scf.if %cond3A_1 {
      %broadcast_in_dim3A_55 = arith.constant 0.000000e+00 : f32
      %broadcast_in_dim3A_56 = vector.broadcast %broadcast_in_dim3A_55 : f32 to vector<256x128xf32>
      %swap3A_57 = arith.constant 0 : index
      %swap3A_58 = arith.constant 0 : index
      %swap3A_59 = vector.load %arg17[%swap3A_57, %swap3A_58] : memref<256x128xf32, #tpu.memory_space<vmem>>, vector<256x128xf32>
      tpu.vector_store %arg17[%swap3A_57, %swap3A_58], %broadcast_in_dim3A_56 {strides = array<i32>} : memref<256x128xf32, #tpu.memory_space<vmem>>, vector<256x128xf32>,
      %broadcast_in_dim3A_60 = arith.constant 0.000000e+00 : f32
      %broadcast_in_dim3A_61 = vector.broadcast %broadcast_in_dim3A_60 : f32 to vector<256x1xf32>
      %swap3A_62 = arith.constant 0 : index
      %swap3A_63 = arith.constant 0 : index
      %swap3A_64 = vector.load %arg18[%swap3A_62, %swap3A_63] : memref<256x1xf32, #tpu.memory_space<vmem>>, vector<256x1xf32>
      tpu.vector_store %arg18[%swap3A_62, %swap3A_63], %broadcast_in_dim3A_61 {strides = array<i32>} : memref<256x1xf32, #tpu.memory_space<vmem>>, vector<256x1xf32>,
    } else {
    }
    %get3A = arith.constant 0 : index
    %get3A_2 = arith.constant 0 : index
    %get3A_3 = vector.load %arg3[%get3A, %get3A_2] : memref<2000x1xf32, #tpu.memory_space<vmem>>, vector<2000x1xf32>
    %get3A_4 = arith.constant 0 : index
    %get3A_5 = arith.constant 0 : index
    %get3A_6 = arith.constant 0 : index
    %get3A_7 = vector.load %arg1[%get3A_4, %get3A_5, %get3A_6] : memref<2x2000x128xf32, #tpu.memory_space<vmem>>, vector<1x2000x128xf32>
    %get3A_8 = vector.shape_cast %get3A_7 : vector<1x2000x128xf32> to vector<2000x128xf32>
    %get3A_9 = arith.constant 1 : index
    %get3A_10 = arith.constant 0 : index
    %get3A_11 = arith.constant 0 : index
    %get3A_12 = vector.load %arg1[%get3A_9, %get3A_10, %get3A_11] : memref<2x2000x128xf32, #tpu.memory_space<vmem>>, vector<1x2000x128xf32>
    %get3A_13 = vector.shape_cast %get3A_12 : vector<1x2000x128xf32> to vector<2000x128xf32>
    %add3A = arith.addf %get3A_8, %get3A_13 : vector<2000x128xf32>
    %get3A_14 = arith.constant 0 : index
    %get3A_15 = arith.constant 0 : index
    %get3A_16 = vector.load %arg2[%get3A_14, %get3A_15] : memref<2000x128xf32, #tpu.memory_space<vmem>>, vector<2000x128xf32>
    %add3A_17 = arith.addf %add3A, %get3A_16 : vector<2000x128xf32>
    %mul3A = vector.broadcast %get3A_3 : vector<2000x1xf32> to vector<2000x128xf32>
    %mul3A_18 = arith.mulf %mul3A, %add3A_17 : vector<2000x128xf32>
    %get3A_19 = arith.constant 0 : index
    %get3A_20 = arith.constant 0 : index
    %get3A_21 = vector.load %arg4[%get3A_19, %get3A_20] : memref<1x128xf32, #tpu.memory_space<vmem>>, vector<1x128xf32>
    %add3A_22 = vector.broadcast %get3A_21 : vector<1x128xf32> to vector<2000x128xf32>
    %add3A_23 = arith.addf %mul3A_18, %add3A_22 : vector<2000x128xf32>
    %max3A = arith.constant 0.000000e+00 : f32
    %max3A_24 = vector.broadcast %max3A : f32 to vector<2000x128xf32>
    %max3A_25 = arith.maximumf %add3A_23, %max3A_24 : vector<2000x128xf32>
    %iota3A = tpu.iota {dimensions = array<i32: 1>} : vector<2000x256xi32>
    %get3A_26 = arith.constant 0 : index
    %get3A_27 = arith.constant 0 : index
    %get3A_28 = vector.load %arg5[%get3A_26, %get3A_27] : memref<2000x1xi32, #tpu.memory_space<vmem>>, vector<2000x1xi32>
    %eq3A_29 = vector.broadcast %get3A_28 : vector<2000x1xi32> to vector<2000x256xi32>
    %eq3A_30 = arith.cmpi eq, %eq3A_29, %iota3A : vector<2000x256xi32>
    %convert_element_type3A_31 = arith.extui %eq3A_30 : vector<2000x256xi1> to vector<2000x256xi32>
    %convert_element_type3A_32 = arith.sitofp %convert_element_type3A_31 : vector<2000x256xi32> to vector<2000x256xf32>
    %get3A_33 = arith.constant 0 : index
    %get3A_34 = arith.constant 0 : index
    %get3A_35 = vector.load %arg17[%get3A_33, %get3A_34] : memref<256x128xf32, #tpu.memory_space<vmem>>, vector<256x128xf32>
    %dot_general3A = arith.constant dense<0.000000e+00> : vector<256x128xf32>
    %dot_general3A_36 = tpu.matmul %convert_element_type3A_32, %max3A_25, %dot_general3A {dimension_numbers = #tpu.dot_dimension_numbers<[0], [0], [1], [1], [0, 1, 1, 1], [], []>, transpose_lhs_hint = false} : vector<2000x256xf32>, vector<2000x128xf32>, vector<256x128xf32> -> vector<256x128xf32>
    %add3A_37 = arith.addf %get3A_35, %dot_general3A_36 : vector<256x128xf32>
    %swap3A = arith.constant 0 : index
    %swap3A_38 = arith.constant 0 : index
    %swap3A_39 = vector.load %arg17[%swap3A, %swap3A_38] : memref<256x128xf32, #tpu.memory_space<vmem>>, vector<256x128xf32>
    tpu.vector_store %arg17[%swap3A, %swap3A_38], %add3A_37 {strides = array<i32>} : memref<256x128xf32, #tpu.memory_space<vmem>>, vector<256x128xf32>,
    %get3A_40 = arith.constant 0 : index
    %get3A_41 = arith.constant 0 : index
    %get3A_42 = vector.load %arg18[%get3A_40, %get3A_41] : memref<256x1xf32, #tpu.memory_space<vmem>>, vector<256x1xf32>
    %broadcast_in_dim3A = arith.constant 1.000000e+00 : f32
    %broadcast_in_dim3A_43 = vector.broadcast %broadcast_in_dim3A : f32 to vector<2000x1xf32>
    %dot_general3A_44 = arith.constant dense<0.000000e+00> : vector<256x1xf32>
    %dot_general3A_45 = tpu.matmul %convert_element_type3A_32, %broadcast_in_dim3A_43, %dot_general3A_44 {dimension_numbers = #tpu.dot_dimension_numbers<[0], [0], [1], [1], [0, 1, 1, 1], [], []>, transpose_lhs_hint = false} : vector<2000x256xf32>, vector<2000x1xf32>, vector<256x1xf32> -> vector<256x1xf32>
    %add3A_46 = arith.addf %get3A_42, %dot_general3A_45 : vector<256x1xf32>
    %swap3A_47 = arith.constant 0 : index
    %swap3A_48 = arith.constant 0 : index
    %swap3A_49 = vector.load %arg18[%swap3A_47, %swap3A_48] : memref<256x1xf32, #tpu.memory_space<vmem>>, vector<256x1xf32>
    tpu.vector_store %arg18[%swap3A_47, %swap3A_48], %add3A_46 {strides = array<i32>} : memref<256x1xf32, #tpu.memory_space<vmem>>, vector<256x1xf32>,
    %eq3A_50 = arith.constant 4 : i32
    %eq3A_51 = arith.cmpi eq, %arg0, %eq3A_50 : i32
    %convert_element_type3A_52 = arith.extui %eq3A_51 : i1 to i32
    %cond3A_53 = arith.constant 0 : i32
    %cond3A_54 = arith.cmpi ne, %convert_element_type3A_52, %cond3A_53 : i32
    scf.if %cond3A_54 {
      %get3A_55 = arith.constant 0 : index
      %get3A_56 = arith.constant 0 : index
      %get3A_57 = vector.load %arg17[%get3A_55, %get3A_56] : memref<256x128xf32, #tpu.memory_space<vmem>>, vector<256x128xf32>
      %get3A_58 = arith.constant 0 : index
      %get3A_59 = arith.constant 0 : index
      %get3A_60 = vector.load %arg18[%get3A_58, %get3A_59] : memref<256x1xf32, #tpu.memory_space<vmem>>, vector<256x1xf32>
      %max3A_61 = arith.constant 1.000000e+00 : f32
      %max3A_62 = vector.broadcast %max3A_61 : f32 to vector<256x1xf32>
      %max3A_63 = arith.maximumf %get3A_60, %max3A_62 : vector<256x1xf32>
      %div3A = vector.broadcast %max3A_63 : vector<256x1xf32> to vector<256x128xf32>
      %div3A_64 = arith.divf %get3A_57, %div3A : vector<256x128xf32>
      %get3A_65 = arith.constant 0 : index
      %get3A_66 = arith.constant 0 : index
      %get3A_67 = vector.load %arg6[%get3A_65, %get3A_66] : memref<128x128xf32, #tpu.memory_space<vmem>>, vector<128x128xf32>
      %dot_general3A_68 = arith.constant dense<0.000000e+00> : vector<256x128xf32>
      %dot_general3A_69 = tpu.matmul %div3A_64, %get3A_67, %dot_general3A_68 {dimension_numbers = #tpu.dot_dimension_numbers<[1], [0], [0], [1], [0, 0, 1, 1], [], []>, transpose_lhs_hint = false} : vector<256x128xf32>, vector<128x128xf32>, vector<256x128xf32> -> vector<256x128xf32>
      %get3A_70 = arith.constant 0 : index
      %get3A_71 = arith.constant 0 : index
      %get3A_72 = vector.load %arg8[%get3A_70, %get3A_71] : memref<1x128xf32, #tpu.memory_space<vmem>>, vector<1x128xf32>
      %add3A_73 = vector.broadcast %get3A_72 : vector<1x128xf32> to vector<256x128xf32>
      %add3A_74 = arith.addf %dot_general3A_69, %add3A_73 : vector<256x128xf32>
      %max3A_75 = arith.constant 0.000000e+00 : f32
      %max3A_76 = vector.broadcast %max3A_75 : f32 to vector<256x128xf32>
      %max3A_77 = arith.maximumf %add3A_74, %max3A_76 : vector<256x128xf32>
      %get3A_78 = arith.constant 0 : index
      %get3A_79 = arith.constant 0 : index
      %get3A_80 = vector.load %arg7[%get3A_78, %get3A_79] : memref<128x128xf32, #tpu.memory_space<vmem>>, vector<128x128xf32>
      %dot_general3A_81 = arith.constant dense<0.000000e+00> : vector<256x128xf32>
      %dot_general3A_82 = tpu.matmul %max3A_77, %get3A_80, %dot_general3A_81 {dimension_numbers = #tpu.dot_dimension_numbers<[1], [0], [0], [1], [0, 0, 1, 1], [], []>, transpose_lhs_hint = false} : vector<256x128xf32>, vector<128x128xf32>, vector<256x128xf32> -> vector<256x128xf32>
      %get3A_83 = arith.constant 0 : index
      %get3A_84 = arith.constant 0 : index
      %get3A_85 = vector.load %arg9[%get3A_83, %get3A_84] : memref<1x128xf32, #tpu.memory_space<vmem>>, vector<1x128xf32>
      %add3A_86 = vector.broadcast %get3A_85 : vector<1x128xf32> to vector<256x128xf32>
      %add3A_87 = arith.addf %dot_general3A_82, %add3A_86 : vector<256x128xf32>
      %max3A_88 = arith.constant 0.000000e+00 : f32
      %max3A_89 = vector.broadcast %max3A_88 : f32 to vector<256x128xf32>
      %max3A_90 = arith.maximumf %add3A_87, %max3A_89 : vector<256x128xf32>
      %add3A_91 = arith.addf %max3A_90, %div3A_64 : vector<256x128xf32>
      %max3A_92 = arith.constant 0.000000e+00 : f32
      %max3A_93 = vector.broadcast %max3A_92 : f32 to vector<256x128xf32>
      %max3A_94 = arith.maximumf %add3A_91, %max3A_93 : vector<256x128xf32>
      %get3A_95 = arith.constant 0 : index
      %get3A_96 = arith.constant 0 : index
      %get3A_97 = vector.load %arg10[%get3A_95, %get3A_96] : memref<128x128xf32, #tpu.memory_space<vmem>>, vector<128x128xf32>
      %dot_general3A_98 = arith.constant dense<0.000000e+00> : vector<256x128xf32>
      %dot_general3A_99 = tpu.matmul %max3A_94, %get3A_97, %dot_general3A_98 {dimension_numbers = #tpu.dot_dimension_numbers<[1], [0], [0], [1], [0, 0, 1, 1], [], []>, transpose_lhs_hint = false} : vector<256x128xf32>, vector<128x128xf32>, vector<256x128xf32> -> vector<256x128xf32>
      %get3A_100 = arith.constant 0 : index
      %get3A_101 = arith.constant 0 : index
      %get3A_102 = vector.load %arg12[%get3A_100, %get3A_101] : memref<1x128xf32, #tpu.memory_space<vmem>>, vector<1x128xf32>
      %add3A_103 = vector.broadcast %get3A_102 : vector<1x128xf32> to vector<256x128xf32>
      %add3A_104 = arith.addf %dot_general3A_99, %add3A_103 : vector<256x128xf32>
      %max3A_105 = arith.constant 0.000000e+00 : f32
      %max3A_106 = vector.broadcast %max3A_105 : f32 to vector<256x128xf32>
      %max3A_107 = arith.maximumf %add3A_104, %max3A_106 : vector<256x128xf32>
      %get3A_108 = arith.constant 0 : index
      %get3A_109 = arith.constant 0 : index
      %get3A_110 = vector.load %arg11[%get3A_108, %get3A_109] : memref<128x128xf32, #tpu.memory_space<vmem>>, vector<128x128xf32>
      %dot_general3A_111 = arith.constant dense<0.000000e+00> : vector<256x128xf32>
      %dot_general3A_112 = tpu.matmul %max3A_107, %get3A_110, %dot_general3A_111 {dimension_numbers = #tpu.dot_dimension_numbers<[1], [0], [0], [1], [0, 0, 1, 1], [], []>, transpose_lhs_hint = false} : vector<256x128xf32>, vector<128x128xf32>, vector<256x128xf32> -> vector<256x128xf32>
      %get3A_113 = arith.constant 0 : index
      %get3A_114 = arith.constant 0 : index
      %get3A_115 = vector.load %arg13[%get3A_113, %get3A_114] : memref<1x128xf32, #tpu.memory_space<vmem>>, vector<1x128xf32>
      %add3A_116 = vector.broadcast %get3A_115 : vector<1x128xf32> to vector<256x128xf32>
      %add3A_117 = arith.addf %dot_general3A_112, %add3A_116 : vector<256x128xf32>
      %max3A_118 = arith.constant 0.000000e+00 : f32
      %max3A_119 = vector.broadcast %max3A_118 : f32 to vector<256x128xf32>
      %max3A_120 = arith.maximumf %add3A_117, %max3A_119 : vector<256x128xf32>
      %add3A_121 = arith.addf %max3A_120, %max3A_94 : vector<256x128xf32>
      %max3A_122 = arith.constant 0.000000e+00 : f32
      %max3A_123 = vector.broadcast %max3A_122 : f32 to vector<256x128xf32>
      %max3A_124 = arith.maximumf %add3A_121, %max3A_123 : vector<256x128xf32>
      %get3A_125 = arith.constant 0 : index
      %get3A_126 = arith.constant 0 : index
      %get3A_127 = vector.load %arg14[%get3A_125, %get3A_126] : memref<128x10xf32, #tpu.memory_space<vmem>>, vector<128x10xf32>
      %dot_general3A_128 = arith.constant dense<0.000000e+00> : vector<256x10xf32>
      %dot_general3A_129 = tpu.matmul %max3A_124, %get3A_127, %dot_general3A_128 {dimension_numbers = #tpu.dot_dimension_numbers<[1], [0], [0], [1], [0, 0, 1, 1], [], []>, transpose_lhs_hint = false} : vector<256x128xf32>, vector<128x10xf32>, vector<256x10xf32> -> vector<256x10xf32>
      %get3A_130 = arith.constant 0 : index
      %get3A_131 = arith.constant 0 : index
      %get3A_132 = vector.load %arg15[%get3A_130, %get3A_131] : memref<1x10xf32, #tpu.memory_space<vmem>>, vector<1x10xf32>
      %add3A_133 = vector.broadcast %get3A_132 : vector<1x10xf32> to vector<256x10xf32>
      %add3A_134 = arith.addf %dot_general3A_129, %add3A_133 : vector<256x10xf32>
      %swap3A_135 = arith.constant 0 : index
      %swap3A_136 = arith.constant 0 : index
      %swap3A_137 = vector.load %arg16[%swap3A_135, %swap3A_136] : memref<256x10xf32, #tpu.memory_space<vmem>>, vector<256x10xf32>
      tpu.vector_store %arg16[%swap3A_135, %swap3A_136], %add3A_134 {strides = array<i32>} : memref<256x10xf32, #tpu.memory_space<vmem>>, vector<256x10xf32>,
    } else {
    }
    return
  }
  func.func @transform_0(%arg0: i32) -> (i32, i32, i32) {
    %c0_i32 = arith.constant 0 : i32
    %c0_i32_0 = arith.constant 0 : i32
    %c0_i32_1 = arith.constant 0 : i32
    return %c0_i32, %arg0, %c0_i32_0 : i32, i32, i32
  }
  func.func @transform_1(%arg0: i32) -> (i32, i32) {
    %c0_i32 = arith.constant 0 : i32
    %c0_i32_0 = arith.constant 0 : i32
    return %arg0, %c0_i32 : i32, i32
  }
  func.func @transform_2(%arg0: i32) -> (i32, i32) {
    %c0_i32 = arith.constant 0 : i32
    %c0_i32_0 = arith.constant 0 : i32
    return %arg0, %c0_i32 : i32, i32
  }
  func.func @transform_3(%arg0: i32) -> (i32, i32) {
    %c0_i32 = arith.constant 0 : i32
    %c0_i32_0 = arith.constant 0 : i32
    %c0_i32_1 = arith.constant 0 : i32
    return %c0_i32, %c0_i32_0 : i32, i32
  }
  func.func @transform_4(%arg0: i32) -> (i32, i32) {
    %c0_i32 = arith.constant 0 : i32
    %c0_i32_0 = arith.constant 0 : i32
    return %arg0, %c0_i32 : i32, i32
  }
  func.func @transform_5(%arg0: i32) -> (i32, i32) {
    %c0_i32 = arith.constant 0 : i32
    %c0_i32_0 = arith.constant 0 : i32
    %c0_i32_1 = arith.constant 0 : i32
    return %c0_i32, %c0_i32_0 : i32, i32
  }
  func.func @transform_6(%arg0: i32) -> (i32, i32) {
    %c0_i32 = arith.constant 0 : i32
    %c0_i32_0 = arith.constant 0 : i32
    %c0_i32_1 = arith.constant 0 : i32
    return %c0_i32, %c0_i32_0 : i32, i32
  }
  func.func @transform_7(%arg0: i32) -> (i32, i32) {
    %c0_i32 = arith.constant 0 : i32
    %c0_i32_0 = arith.constant 0 : i32
    %c0_i32_1 = arith.constant 0 : i32
    return %c0_i32, %c0_i32_0 : i32, i32
  }
  func.func @transform_8(%arg0: i32) -> (i32, i32) {
    %c0_i32 = arith.constant 0 : i32
    %c0_i32_0 = arith.constant 0 : i32
    %c0_i32_1 = arith.constant 0 : i32
    return %c0_i32, %c0_i32_0 : i32, i32
  }
  func.func @transform_9(%arg0: i32) -> (i32, i32) {
    %c0_i32 = arith.constant 0 : i32
    %c0_i32_0 = arith.constant 0 : i32
    %c0_i32_1 = arith.constant 0 : i32
    return %c0_i32, %c0_i32_0 : i32, i32
  }
  func.func @transform_10(%arg0: i32) -> (i32, i32) {
    %c0_i32 = arith.constant 0 : i32
    %c0_i32_0 = arith.constant 0 : i32
    %c0_i32_1 = arith.constant 0 : i32
    return %c0_i32, %c0_i32_0 : i32, i32
  }
  func.func @transform_11(%arg0: i32) -> (i32, i32) {
    %c0_i32 = arith.constant 0 : i32
    %c0_i32_0 = arith.constant 0 : i32
    %c0_i32_1 = arith.constant 0 : i32
    return %c0_i32, %c0_i32_0 : i32, i32
  }
  func.func @transform_12(%arg0: i32) -> (i32, i32) {
    %c0_i32 = arith.constant 0 : i32
    %c0_i32_0 = arith.constant 0 : i32
    %c0_i32_1 = arith.constant 0 : i32
    return %c0_i32, %c0_i32_0 : i32, i32
  }
  func.func @transform_13(%arg0: i32) -> (i32, i32) {
    %c0_i32 = arith.constant 0 : i32
    %c0_i32_0 = arith.constant 0 : i32
    %c0_i32_1 = arith.constant 0 : i32
    return %c0_i32, %c0_i32_0 : i32, i32
  }
  func.func @transform_14(%arg0: i32) -> (i32, i32) {
    %c0_i32 = arith.constant 0 : i32
    %c0_i32_0 = arith.constant 0 : i32
    %c0_i32_1 = arith.constant 0 : i32
    return %c0_i32, %c0_i32_0 : i32, i32
  }
  func.func @transform_15(%arg0: i32) -> (i32, i32) {
    %c0_i32 = arith.constant 0 : i32
    %c0_i32_0 = arith.constant 0 : i32
    %c0_i32_1 = arith.constant 0 : i32
    return %c0_i32, %c0_i32_0 : i32, i32
  }
}

</mosaic_0001>

<sc_bundles>
// kernel: kernel.11.cloned.1.call-start
scs
__scs_entry_jumppad:
0x0: {  	(pc) =	sbr.rel $0x88, $3  }
0x1: {  	(tag) =	ssettag $0x0;
	lr =	simm.s32 $0x1  }
0x2: {  	[smem:$0x3F90] =	sst lr;
	_ =	strace $0xD0000000  }
0x3: {  	_ = 	snop  }
0x4: {  	_ = 	snop  }
0x5: {  	_ = 	snop  }
0x6: {  	_ = 	snop  }
0x7: {  	_ = 	snop  }
__scs_overlays_trampoline_lowered:
0x8: {  	[smem:$0x3F9F] =	sst s0  }
0x9: {  	[smem:$0x3FA0] =	sst s1  }
0xa: {  	[smem:$0x3FA1] =	sst s2  }
0xb: {  	[smem:$0x3FA2] =	sst s3  }
0xc: {  	[smem:$0x3FA3] =	sst s4  }
0xd: {  	[smem:$0x3FA4] =	sst s5  }
0xe: {  	[smem:$0x3FA5] =	sst s6  }
0xf: {  	[smem:$0x3FA6] =	sst s7  }
0x10: {  	[smem:$0x3FA7] =	sst s8  }
0x11: {  	[smem:$0x3FA8] =	sst s9;
	s0 =	simm.s32 @!p0 $0x0  }
0x12: {  	s1 =	sld [smem:$0x3F8E];
	s0 =	simm.s32 @p0 $0x1  }
0x13: {  	[smem:$0x3FA9] =	sst s0;
	s0 =	simm.s32 @!p1 $0x0  }
0x14: {  	s2 =	sld [smem:$0x3F8D];
	s0 =	simm.s32 @p1 $0x1  }
0x15: {  	[smem:$0x3FAA] =	sst s0;
	s0 =	simm.s32 @!p2 $0x0  }
0x16: {  	s3 =	sld [smem:$0x3FDB];
	s0 =	simm.s32 @p2 $0x1  }
0x17: {  	s4 =	simm.s32 $0x1BF5;
	[smem:$0x3FAC] =	sst s0  }
0x18: {  	s0 =	sld [smem:$0x3F8F];
	_ =	swait.ge [sflag:s4], $0x0  }
0x19: {  	s7 =	sld [smem:$0x3F90]  }
0x1a: {  	s8 =	sadd.s32 $0xFFFFE003, lr  }
0x1b: {  	s9 =	sadd.s32 $0xFFFFFEF7, lr;
	s5 =	simm.s32 $0xFFFFFFFF;
	p2 =	slt.u32 s8, $0xFFFFF086  }
0x1c: {  	p1 =	slt.u32 s9, $0xF7A;
	s5 =	simm.s32 @!p2 $0x0  }
0x1d: {  	s5 =	simm.s32 @p1 $0x1;
	p0 =	seq.s32 s7, s2  }
0x1e: {  	s7 =	smul.u32 @!p0 $0xF7A, s2;
	p2 =	seq.s32 @!p0 s5, $0x0  }
0x1f: {  	s9 =	smul.u32 $0xF7A, s1;
	s8 =	simm.s32 @!p0 $0x1BF5;
	p2 =	por !p2, p0  }
0x20: {  	[sflag:s8] =	ssyncset.s32 @!p0 $0xFFFFF086;
	s6 =	sadd.s32 @!p0 s3, s7;
	s7 =	simm.s32 @!p0 $0x108  }
0x21: {  	s3 =	sadd.s32 s3, s9;
	s6 =	sadd.s32 @!p0 $0x88, s6;
	s7 =	simm.s32 @p2 $0x1082  }
0x22: {  	[simem:s7], [sflag:s8] =	dma.local @!p0 [hbm:s6], $0xF7A  }
0x23: {  	s9 =	sor.u32 $0xD0000000, s2;
	s6 =	simm.s32 $0x108;
	_ =	swait.ge @!p0 [sflag:s8], $0x0  }
0x24: {  	s3 =	sadd.s32 $0x88, s3;
	s6 =	simm.s32 @!p1 $0x1082;
	[sflag:s4] =	ssyncset.s32 $0xFFFFF086  }
0x25: {  	[simem:s6], [sflag:s4] =	dma.local [hbm:s3], $0xF7A  }
0x26: {  	[smem:$0x3F90] =	sst s1;
	(tag) =	ssettag s2;
	_ =	strace s9  }
0x27: {  	s1 =	sld [smem:$0x3FA0]  }
0x28: {  	s2 =	sld [smem:$0x3FA1]  }
0x29: {  	s4 =	sld [smem:$0x3FA3]  }
0x2a: {  	p0 =	seq.s32 s5, $0x0;
	s5 =	sld [smem:$0x3FA4]  }
0x2b: {  	s6 =	sld [smem:$0x3FA5]  }
0x2c: {  	s7 =	sld [smem:$0x3FA6]  }
0x2d: {  	s3 =	simm.s32 $0x108;
	s8 =	sld [smem:$0x3FA7]  }
0x2e: {  	s3 =	simm.s32 @!p0 $0x1082;
	s9 =	sld [smem:$0x3FA8]  }
0x2f: {  	lr =	sadd.s32 s0, s3;
	s0 =	sld [smem:$0x3F9F]  }
0x30: {  	s3 =	sld [smem:$0x3FA2]  }
0x31: {  	[smem:$0x3FAB] =	sst s10  }
0x32: {  	s10 =	sld [smem:$0x3FA9];
	_ =	sdelay $0x3  }
0x33: {  	p0 =	seq.s32 s10, $0x1;
	s10 =	sld [smem:$0x3FAB];
	_ =	sdelay $0x3  }
0x34: {  	[smem:$0x3FAB] =	sst s10  }
0x35: {  	s10 =	sld [smem:$0x3FAA];
	_ =	sdelay $0x3  }
0x36: {  	p1 =	seq.s32 s10, $0x1;
	s10 =	sld [smem:$0x3FAB];
	_ =	sdelay $0x3  }
0x37: {  	[smem:$0x3FAB] =	sst s10  }
0x38: {  	s10 =	sld [smem:$0x3FAC]  }
0x39: {  	_ = 	snop;
	(pc) =	sbr.ind lr, $3  }
0x3a: {  	_ = 	snop  }
0x3b: {  	_ = 	snop  }
0x3c: {  	p2 =	seq.s32 s10, $0x1;
	s10 =	sld [smem:$0x3FAB]  }
0x3d: {  	_ =	shalt  }
0x3e: {  	_ =	shalt  }
0x3f: {  	_ =	shalt  }
0x40: {  	_ =	shalt  }
0x41: {  	_ =	shalt  }
0x42: {  	_ =	shalt  }
0x43: {  	_ =	shalt  }
0x44: {  	_ =	shalt  }
0x45: {  	_ =	shalt  }
0x46: {  	_ =	shalt  }
0x47: {  	_ =	shalt  }
0x48: {  	_ =	shalt  }
0x49: {  	_ =	shalt  }
0x4a: {  	_ =	shalt  }
0x4b: {  	_ =	shalt  }
0x4c: {  	_ =	shalt  }
0x4d: {  	_ =	shalt  }
0x4e: {  	_ =	shalt  }
0x4f: {  	_ =	shalt  }
0x50: {  	_ =	shalt  }
0x51: {  	_ =	shalt  }
0x52: {  	_ =	shalt  }
0x53: {  	_ =	shalt  }
0x54: {  	_ =	shalt  }
0x55: {  	_ =	shalt  }
0x56: {  	_ =	shalt  }
0x57: {  	_ =	shalt  }
0x58: {  	_ =	shalt  }
0x59: {  	_ =	shalt  }
0x5a: {  	_ =	shalt  }
0x5b: {  	_ =	shalt  }
0x5c: {  	_ =	shalt  }
0x5d: {  	_ =	shalt  }
0x5e: {  	_ =	shalt  }
0x5f: {  	_ =	shalt  }
0x60: {  	_ =	shalt  }
0x61: {  	_ =	shalt  }
0x62: {  	_ =	shalt  }
0x63: {  	_ =	shalt  }
0x64: {  	_ =	shalt  }
0x65: {  	_ =	shalt  }
0x66: {  	_ =	shalt  }
0x67: {  	_ =	shalt  }
0x68: {  	_ =	shalt  }
0x69: {  	_ =	shalt  }
0x6a: {  	_ =	shalt  }
0x6b: {  	_ =	shalt  }
0x6c: {  	_ =	shalt  }
0x6d: {  	_ =	shalt  }
0x6e: {  	_ =	shalt  }
0x6f: {  	_ =	shalt  }
0x70: {  	_ =	shalt  }
0x71: {  	_ =	shalt  }
0x72: {  	_ =	shalt  }
0x73: {  	_ =	shalt  }
0x74: {  	_ =	shalt  }
0x75: {  	_ =	shalt  }
0x76: {  	_ =	shalt  }
0x77: {  	_ =	shalt  }
0x78: {  	_ =	shalt  }
0x79: {  	_ =	shalt  }
0x7a: {  	_ =	shalt  }
0x7b: {  	_ =	shalt  }
0x7c: {  	_ =	shalt  }
0x7d: {  	_ =	shalt  }
0x7e: {  	_ =	shalt  }
0x7f: {  	_ =	shalt  }
0x80: {  	_ =	shalt  }
0x81: {  	_ =	shalt  }
0x82: {  	_ =	shalt  }
0x83: {  	_ =	shalt  }
0x84: {  	_ =	shalt  }
0x85: {  	_ =	shalt  }
0x86: {  	_ =	shalt  }
0x87: {  	_ =	shalt  }
.Lfunc_end0:
.L_simem_size_0:
called_computation.1_lowered:
.L_overlay_start_0:
0x88: {  	s2 =	sld [smem:$0x3FD9]  }
0x89: {  	s3 =	sld [smem:$0x3FFE];
	_ =	sdelay $0x1  }
0x8a: {  	s1 =	srdreg.scid  }
0x8b: {  	s0 =	sand.u32 $0x1, s1  }
0x8c: {  	s16 =	sshll.u32 s0, $0xA;
	s2 =	sadd.s32 s3, s2  }
0x8d: {  	s2 =	sadd.s32 s2, s16  }
0x8e: {  	[smem:$0x3FB7] =	sst s2  }
0x8f: {  	_ = 	snop  }
0x90: {  	(tm) =	ssettm $0x1  }
0x91: {  	s17 =	sld [smem:$0x3FFB];
	_ =	sdelay $0x3  }
0x92: {  	_ =	strace s17  }
0x93: {  	s2 =	sld [smem:$0x3FFC];
	_ =	sdelay $0x3  }
0x94: {  	_ =	strace s2  }
0x95: {  	s2 =	sld [smem:$0x3FFD];
	_ =	sdelay $0x3  }
0x96: {  	_ =	strace s2  }
0x97: {  	_ =	strace $0x8FFFFFFF  }
0x98: {  	s18 =	sld [smem:$0x3FDB];
	_ =	sdelay $0x1  }
0x99: {  	s19 =	simm.s32 $_scs_section_size  }
0x9a: {  	s4 =	simm.s32 $_size__tile_overlayer_lowered;
	s5 =	simm.s32 $_tile_overlayer_lowered  }
0x9b: {  	s22 =	simm.s32 $0x1BFF;
	s21 =	sshll.u32 s5, $0x1;
	s2 =	sadd.s32 s19, s18  }
0x9c: {  	s6 =	simm.s32 $0x0;
	s20 =	sshll.u32 s4, $0x1;
	s4 =	sadd.s32 s21, s2  }
0x9d: {  	[timem:s6], [sflag:s22] =	dma.local [hbm:s4], s20  }
0x9e: {  	_ =	swait.ge [sflag:s22], s20  }
0x9f: {  	s3 =	ssub.s32 $0x0, s20;
	[sflag:s22] =	ssyncset.done $0x0  }
0xa0: {  	[sflag:s22] =	ssyncadd.s32 s3;
	_ =	sdelay $0x1  }
0xa1: {  	s23 =	simm.s32 $0x1B8B  }
0xa2: {  	_ =	swait.ge [sflag:s23], $0x1  }
0xa3: {  	[sflag:s23] =	ssyncset.done $0x0  }
0xa4: {  	s25 =	simm.s32 $0x1B8E;
	s24 =	sld [smem:$0x3FFE];
	[sflag:s23] =	ssyncadd.s32 $0xFFFFFFFF  }
0xa5: {  	s26 =	simm.s32 $execute0_lowered;
	[smem:$0x3FD2] =	sst s25  }
0xa6: {  	s4 =	sshll.u32 s26, $0x1;
	_ =	strace $0x80000049;
	[dreg:$0x1] =	wrdreg $0xFFFFFFFF  }
0xa7: {  	s28 =	simm.s32 $_size_execute0_lowered;
	s2 =	sadd.s32 s2, s4;
	[dreg:$0x0] =	wrdreg $0x0  }
0xa8: {  	s4 =	sshll.u32 s28, $0x1;
	[dreg:$0x2] =	wrdreg s2  }
0xa9: {  	[dreg:$0x3] =	wrdreg s4  }
0xaa: {  	[dreg:$0x4] =	wrdreg $0xC0  }
0xab: {  	_ =	task [dreg:s6], $0x5FFFF  }
0xac: {  	[dreg:$0x1] =	wrdreg $0xFFFFFFFF  }
0xad: {  	[dreg:$0x0] =	wrdreg $0x60  }
0xae: {  	[dreg:$0x2] =	wrdreg s24  }
0xaf: {  	[dreg:$0x3] =	wrdreg $0x52000  }
0xb0: {  	[dreg:$0x4] =	wrdreg $0x9  }
0xb1: {  	_ =	task.clear_ibuf [dreg:s6], $0x5FFFF;
	_ =	strace $0x90000049  }
0xb2: {  	s29 =	simm.s32 $0x9;
	_ =	strace $0x8000004B  }
0xb3: {  	_ =	swait.ge [sflag:s29], $0x1  }
0xb4: {  	[sflag:s29] =	ssyncadd.s32 $0xFFFFFFFF  }
0xb5: {  	_ =	strace $0x9000004B  }
0xb6: {  	_ =	sfence  }
0xb7: {  	s30 =	sld [smem:$0x0];
	_ =	sdelay $0x2  }
0xb8: {  	s31 =	sshll.u32 s1, $0xD;
	s1 =	sshrl.u32 s1, $0x2  }
0xb9: {  	s3 =	sand.u32 $0x4000, s31;
	s1 =	sadd.s32 s1, s30  }
0xba: {  	s0 =	sor.u32 s3, s0;
	s1 =	sshll.u32 s1, $0x11  }
0xbb: {  	s0 =	sor.u32 s1, s0  }
0xbc: {  	s0 =	sadd.s32 $0x8F2B, s0  }
0xbd: {  	[sflag:s0] =	ssyncadd.remote.s32 $0x1  }
0xbe: {  	_ =	sfence.sel $0xFFFF  }
0xbf: {  	[dreg:$0x0] =	wrdreg $0xFFFFFFFF;
	(pc) =	sbr.abs _section_cstart, $3  }
0xc0: {  	[dreg:$0x1] =	wrdreg $0xFFFFFFFF  }
0xc1: {  	_ =	task.clear_ibuf [dreg:s6], $0x2FFFF;
	_ =	strace $0x9FFFFFFF  }
0xc2: {  	(tm) =	ssettm $0x7FFFFFFF  }
0xc3: {  	_ =	shalt  }
tec
execute0_lowered:
.L_overlay_start_1:
0x0: {  	(tag) =	ssettag $0x1  }
0x1: {  	s0 =	rddreg [dreg:$0x0]  }
0x2: {  	s1 =	rddreg [dreg:$0x1]  }
0x3: {  	s3 =	simm.s32 $0x0;
	s2 =	srdreg.scid;
	s11 =	stileid.u32  }
0x4: {  	s30 =	simm.s32 $0x200;
	s31 =	simm.s32 $0x7;
	s6 =	smul.u32 $0x14000, s11  }
0x5: {  	[smem:$0x7FF] =	sst s3;
	s2 =	sand.u32 $0x1, s2;
	s16 =	smul.u32 $0x50000, s11  }
0x6: {  	s8 =	sadd.s32 $0x3400, s0;
	s9 =	sadd.s32 $0xD200, s0;
	s19 =	smul.u32 $0x2710, s11  }
0x7: {  	s5 =	smul.u32 $0x140000, s2;
	s4 =	sshll.u32 s2, $0x4;
	_ =	strace $0x8000004A  }
0x8: {  	s22 =	ssub.s32 $0x2, s2;
	s2 =	smul.u32 $0x27100, s2;
	s7 =	sor.u32 s11, s4  }
0x9: {  	s4 =	sadd.s32 $0x17000, s0;
	s10 =	sshrl.u32 s22, $0x1;
	s11 =	simm.s32 $0x2  }
0xa: {  	s7 =	smul.u32 $0x2710, s7;
	s5 =	sadd.s32 s6, s5;
	s23 =	ssub.s32 s22, s10  }
0xb: {  	s22 =	sadd.s32 s19, s2;
	s10 =	simm.s32 $0x2A00;
	s5 =	sshrl.u32 s5, $0x3  }
0xc: {  	s20 =	smax.u32 s23, $0x1;
	s7 =	sshrl.u32 s7, $0x3;
	s0 =	sadd.s32 s5, s0  }
0xd: {  	[dreg:$0xe] =	wrdreg s20;
	s5 =	simm.s32 $0x4;
	s12 =	sadd.s32 s8, s7  }
0xe: {  	s13 =	sadd.s32 s9, s7;
	s24 =	sadd.s32 $0xA, s7;
	[dreg:$0x3] =	wrdreg s12  }
0xf: {  	s25 =	sadd.s32 $0x14, s7;
	s0 =	sadd.s32 $0x3E200, s0;
	[dreg:$0x4] =	wrdreg s13  }
0x10: {  	s7 =	sadd.s32 $0x4D8, s7;
	s14 =	sadd.s32 s8, s24;
	[dreg:$0xd] =	wrdreg s0  }
0x11: {  	s6 =	sadd.s32 s9, s24;
	s26 =	sadd.s32 s8, s25;
	[dreg:$0x5] =	wrdreg s14  }
0x12: {  	s15 =	sadd.s32 $0x1E, s12;
	s17 =	sadd.s32 $0x4CE, s13;
	[dreg:$0x6] =	wrdreg s6  }
0x13: {  	s18 =	sadd.s32 s8, s7;
	s7 =	sadd.s32 s9, s7;
	[dreg:$0x7] =	wrdreg s26  }
0x14: {  	s24 =	sadd.s32 $0x190, s22;
	s0 =	sadd.s32 $0xF0, s22;
	[dreg:$0x9] =	wrdreg s15  }
0x15: {  	s12 =	simm.s32 $0x3;
	s13 =	simm.s32 $0x6;
	[dreg:$0xa] =	wrdreg s17  }
0x16: {  	s14 =	sadd.s32 s9, s25;
	[dreg:$0xb] =	wrdreg s18;
	s6 =	sshrl.u32 s16, $0x2  }
0x17: {  	[dreg:$0xc] =	wrdreg s7;
	s2 =	sshrl.u32 s24, $0x3;
	s25 =	sadd.s32 $0x140, s22  }
0x18: {  	s0 =	sshrl.u32 s0, $0x3;
	s7 =	simm.s32 $0x180;
	[dreg:$0x8] =	wrdreg s14  }
0x19: {  	s16 =	sadd.s32 s6, s1;
	s26 =	sshrl.u32 s25, $0x3;
	s24 =	sadd.s32 s0, s9  }
0x1a: {  	s0 =	simm.s32 $0x100;
	s6 =	simm.s32 $0x5;
	s14 =	simm.s32 $0x0  }
0x1b: {  	s21 =	sadd.s32 $0x2800, s16;
	s23 =	sadd.s32 $0x5000, s16;
	s20 =	sadd.s32 $0x7800, s16  }
0x1c: {  	s22 =	sadd.s32 s26, s8;
	s25 =	sadd.s32 $0xA000, s16;
	[dreg:$0xf] =	wrdreg s21  }
0x1d: {  	s28 =	sadd.s32 $0xF000, s16;
	s29 =	sadd.s32 $0x11800, s16;
	[dreg:$0x10] =	wrdreg s23  }
0x1e: {  	s21 =	sadd.s32 s2, s8;
	s23 =	sadd.s32 s26, s9;
	s26 =	sadd.s32 $0xC800, s16  }
0x1f: {  	v0 =	vimm.f32 $0.0e+00;
	s2 =	simm.s32 $0x80;
	s8 =	simm.s32 $0x50;
	s9 =	simm.s32 $0x1  }
.LBB2_1:
0x20: {  	s15 =	sand.u32 $0xFE00, s3  }
0x21: {  	s17 =	sand.u32 $0x70, s3;
	s18 =	sshrl.u32 s15, $0x2  }
0x22: {  	s15 =	simm.s32 $0x40;
	s18 =	sor.u32 s17, s18;
	s17 =	simm.s32 $0x0  }
.LBB2_2:
0x23: {  	p0 =	sne.s32 s15, $0x9FC0  }
0x24: {  	[tilespmem:s18+$0x200] =	vst v0;
	s17 =	sadd.s32 $0x10, s17;
	s18 =	smov.u32 s15;
	s15 =	sadd.s32 $0x40, s15  }
.Ltmp0:
0x25: {  	(pc) =	sbr.rel @p0 .LBB2_2-.Ltmp0, $4  }
0x26: {  	_ = 	snop  }
0x27: {  	s18 =	sand.u32 $0xFE00, s18  }
0x28: {  	s19 =	sand.u32 $0x70, s17;
	s18 =	sshrl.u32 s18, $0x2  }
0x29: {  	s18 =	sor.u32 s19, s18  }
0x2a: {  	[tilespmem:s18+$0x200] =	vst v0  }
0x2b: {  	[spmem:s16] =	stream.linear.scatter [tilespmem:s30], [sflag:$0x7], $0x2800, $0x38;
	[tilespmem:$0x19200] =	vst v63  }
0x2c: {  	_ =	swait.ge [sflag:s31], $0x2800  }
0x2d: {  	[sflag:s31] =	ssyncset.done $0x0  }
0x2e: {  	s15 =	rddreg [dreg:$0xf];
	[sflag:s31] =	ssyncadd.s32 $0xFFFFD800  }
0x2f: {  	[spmem:s15] =	stream.linear.scatter [tilespmem:s30], [sflag:$0x7], $0x2800, $0x38;
	[tilespmem:$0x19200] =	vst v63  }
0x30: {  	_ =	swait.ge [sflag:s31], $0x2800  }
0x31: {  	[sflag:s31] =	ssyncset.done $0x0  }
0x32: {  	s17 =	rddreg [dreg:$0x10];
	[sflag:s31] =	ssyncadd.s32 $0xFFFFD800  }
0x33: {  	[spmem:s17] =	stream.linear.scatter [tilespmem:s30], [sflag:$0x7], $0x2800, $0x38;
	[tilespmem:$0x19200] =	vst v63  }
0x34: {  	_ =	swait.ge [sflag:s31], $0x2800  }
0x35: {  	[sflag:s31] =	ssyncset.done $0x0  }
0x36: {  	[sflag:s31] =	ssyncadd.s32 $0xFFFFD800  }
0x37: {  	[spmem:s20] =	stream.linear.scatter [tilespmem:s30], [sflag:$0x7], $0x2800, $0x38;
	[tilespmem:$0x19200] =	vst v63  }
0x38: {  	_ =	swait.ge [sflag:s31], $0x2800  }
0x39: {  	[sflag:s31] =	ssyncset.done $0x0  }
0x3a: {  	[sflag:s31] =	ssyncadd.s32 $0xFFFFD800  }
0x3b: {  	[spmem:s25] =	stream.linear.scatter [tilespmem:s30], [sflag:$0x7], $0x2800, $0x38;
	[tilespmem:$0x19200] =	vst v63  }
0x3c: {  	_ =	swait.ge [sflag:s31], $0x2800  }
0x3d: {  	[sflag:s31] =	ssyncset.done $0x0  }
0x3e: {  	[sflag:s31] =	ssyncadd.s32 $0xFFFFD800  }
0x3f: {  	[spmem:s26] =	stream.linear.scatter [tilespmem:s30], [sflag:$0x7], $0x2800, $0x38;
	[tilespmem:$0x19200] =	vst v63  }
0x40: {  	_ =	swait.ge [sflag:s31], $0x2800  }
0x41: {  	[sflag:s31] =	ssyncset.done $0x0  }
0x42: {  	[sflag:s31] =	ssyncadd.s32 $0xFFFFD800  }
0x43: {  	[spmem:s28] =	stream.linear.scatter [tilespmem:s30], [sflag:$0x7], $0x2800, $0x38;
	[tilespmem:$0x19200] =	vst v63  }
0x44: {  	_ =	swait.ge [sflag:s31], $0x2800  }
0x45: {  	[sflag:s31] =	ssyncset.done $0x0  }
0x46: {  	[sflag:s31] =	ssyncadd.s32 $0xFFFFD800  }
0x47: {  	[spmem:s29] =	stream.linear.scatter [tilespmem:s30], [sflag:$0x7], $0x2800, $0x38;
	[tilespmem:$0x19200] =	vst v63  }
0x48: {  	_ =	swait.ge [sflag:s31], $0x2800  }
0x49: {  	[sflag:s31] =	ssyncset.done $0x0  }
0x4a: {  	[sflag:s31] =	ssyncadd.s32 $0xFFFFD800  }
0x4b: {  	[bflag:$0x0] =	sbarrier.arrive $0xFFFF  }
0x4c: {  	s15 =	simm.s32 $0x0;
	s17 =	rddreg [dreg:$0x3]  }
0x4d: {  	[tilespmem:s15], [sflag:$0x7] =	stream.linear.gather [hbm4b:s17+s15], $0x50, $0x38;
	[tilespmem:$0x19200] =	vst v63  }
0x4e: {  	_ =	swait.ge [sflag:s31], $0x50  }
0x4f: {  	[sflag:s31] =	ssyncset.done $0x0  }
0x50: {  	s18 =	rddreg [dreg:$0x4];
	[sflag:s31] =	ssyncadd.s32 $0xFFFFFFB0  }
0x51: {  	[tilespmem:s0], [sflag:$0x7] =	stream.linear.gather [hbm4b:s18+s15], $0x50, $0x38;
	[tilespmem:$0x19200] =	vst v63  }
0x52: {  	_ =	swait.ge [sflag:s31], $0x50  }
0x53: {  	[sflag:s31] =	ssyncset.done $0x0  }
0x54: {  	s19 =	rddreg [dreg:$0x5];
	[sflag:s31] =	ssyncadd.s32 $0xFFFFFFB0  }
0x55: {  	[tilespmem:s2], [sflag:$0x7] =	stream.linear.gather [hbm4b:s19+s15], $0x50, $0x38;
	[tilespmem:$0x19200] =	vst v63  }
0x56: {  	_ =	swait.ge [sflag:s31], $0x50  }
0x57: {  	[sflag:s31] =	ssyncset.done $0x0  }
0x58: {  	s18 =	rddreg [dreg:$0x6];
	[sflag:s31] =	ssyncadd.s32 $0xFFFFFFB0  }
0x59: {  	[tilespmem:s7], [sflag:$0x7] =	stream.linear.gather [hbm4b:s18+s15], $0x50, $0x38;
	[tilespmem:$0x19200] =	vst v63  }
0x5a: {  	_ =	swait.ge [sflag:s31], $0x50  }
0x5b: {  	[sflag:s31] =	ssyncset.done $0x0  }
0x5c: {  	[sflag:s31] =	ssyncadd.s32 $0xFFFFFFB0  }
0x5d: {  	[tilespmem:s30], [sflag:$0x1] =	stream.indirect.gather [hbm4b:s4+s8], $0x80, s15, s8, $0xb8;
	[tilespmem:$0x19200] =	vst v63  }
0x5e: {  	_ =	swait.ge [sflag:s9], $0x2800  }
0x5f: {  	[sflag:s9] =	ssyncset.done $0x0  }
0x60: {  	[sflag:s9] =	ssyncadd.s32 $0xFFFFD800  }
0x61: {  	[tilespmem:s10], [sflag:$0x2] =	stream.indirect.gather [hbm4b:s4+s8], $0x80, s2, s8, $0xb8;
	[tilespmem:$0x19200] =	vst v63  }
0x62: {  	_ = 	snop  }
0x63: {  	[spmem:s1] =	stream.indirect.scatter.add.f32 [tilespmem:s30], [sflag:$0x7], $0x80, s0, s8, $0xb8;
	[tilespmem:$0x19200] =	vst v63  }
0x64: {  	_ =	swait.ge [sflag:s31], $0x2800  }
0x65: {  	[sflag:s31] =	ssyncset.done $0x0  }
0x66: {  	s19 =	rddreg [dreg:$0x7];
	[sflag:s31] =	ssyncadd.s32 $0xFFFFD800  }
0x67: {  	[tilespmem:s15], [sflag:$0x3] =	stream.linear.gather [hbm4b:s19+s15], $0x50, $0x38;
	[tilespmem:$0x19200] =	vst v63  }
0x68: {  	_ =	swait.ge [sflag:s11], $0x2800  }
0x69: {  	[sflag:s11] =	ssyncset.done $0x0  }
0x6a: {  	[sflag:s11] =	ssyncadd.s32 $0xFFFFD800  }
0x6b: {  	_ =	swait.ge [sflag:s12], $0x50  }
0x6c: {  	[sflag:s12] =	ssyncset.done $0x0  }
0x6d: {  	s18 =	rddreg [dreg:$0x8];
	[sflag:s12] =	ssyncadd.s32 $0xFFFFFFB0  }
0x6e: {  	[tilespmem:s0], [sflag:$0x5] =	stream.linear.gather [hbm4b:s18+s15], $0x50, $0x38;
	[tilespmem:$0x19200] =	vst v63  }
0x6f: {  	_ = 	snop  }
0x70: {  	[tilespmem:s30], [sflag:$0x1] =	stream.indirect.gather [hbm4b:s4+s8], $0x80, s15, s8, $0xb8;
	[tilespmem:$0x19200] =	vst v63  }
0x71: {  	_ = 	snop  }
0x72: {  	[spmem:s1] =	stream.indirect.scatter.add.f32 [tilespmem:s10], [sflag:$0x7], $0x80, s7, s8, $0xb8;
	[tilespmem:$0x19200] =	vst v63  }
0x73: {  	_ =	swait.ge [sflag:s31], $0x2800  }
0x74: {  	[sflag:s31] =	ssyncset.done $0x0  }
0x75: {  	s19 =	rddreg [dreg:$0x9];
	[sflag:s31] =	ssyncadd.s32 $0xFFFFD800  }
0x76: {  	[tilespmem:s2], [sflag:$0x4] =	stream.linear.gather [hbm4b:s19+s15], $0x50, $0x38;
	[tilespmem:$0x19200] =	vst v63  }
0x77: {  	_ =	swait.ge [sflag:s9], $0x2800  }
0x78: {  	[sflag:s9] =	ssyncset.done $0x0  }
0x79: {  	[sflag:s9] =	ssyncadd.s32 $0xFFFFD800  }
0x7a: {  	_ =	swait.ge [sflag:s5], $0x50  }
0x7b: {  	[sflag:s5] =	ssyncset.done $0x0  }
0x7c: {  	s17 =	sadd.s32 $0x0, s24;
	[sflag:s5] =	ssyncadd.s32 $0xFFFFFFB0  }
0x7d: {  	[tilespmem:s7], [sflag:$0x6] =	stream.linear.gather [hbm4b:s17+s3], $0x50, $0x38;
	[tilespmem:$0x19200] =	vst v63  }
0x7e: {  	_ = 	snop  }
0x7f: {  	[tilespmem:s10], [sflag:$0x2] =	stream.indirect.gather [hbm4b:s4+s8], $0x80, s2, s8, $0xb8;
	[tilespmem:$0x19200] =	vst v63  }
0x80: {  	_ =	swait.ge [sflag:s6], $0x50  }
0x81: {  	[sflag:s6] =	ssyncset.done $0x0  }
0x82: {  	[sflag:s6] =	ssyncadd.s32 $0xFFFFFFB0  }
0x83: {  	[spmem:s1] =	stream.indirect.scatter.add.f32 [tilespmem:s30], [sflag:$0x7], $0x80, s0, s8, $0xb8;
	[tilespmem:$0x19200] =	vst v63  }
0x84: {  	_ =	swait.ge [sflag:s31], $0x2800  }
0x85: {  	[sflag:s31] =	ssyncset.done $0x0  }
0x86: {  	s18 =	sadd.s32 $0x0, s22;
	[sflag:s31] =	ssyncadd.s32 $0xFFFFD800  }
0x87: {  	[tilespmem:s3], [sflag:$0x3] =	stream.linear.gather [hbm4b:s18+s3], $0x50, $0x38;
	[tilespmem:$0x19200] =	vst v63  }
0x88: {  	_ =	swait.ge [sflag:s11], $0x2800  }
0x89: {  	[sflag:s11] =	ssyncset.done $0x0  }
0x8a: {  	[sflag:s11] =	ssyncadd.s32 $0xFFFFD800  }
0x8b: {  	_ =	swait.ge [sflag:s12], $0x50  }
0x8c: {  	[sflag:s12] =	ssyncset.done $0x0  }
0x8d: {  	s19 =	sadd.s32 $0x0, s23;
	[sflag:s12] =	ssyncadd.s32 $0xFFFFFFB0  }
0x8e: {  	[tilespmem:s0], [sflag:$0x5] =	stream.linear.gather [hbm4b:s19+s3], $0x50, $0x38;
	[tilespmem:$0x19200] =	vst v63  }
0x8f: {  	_ = 	snop  }
0x90: {  	[tilespmem:s30], [sflag:$0x1] =	stream.indirect.gather [hbm4b:s4+s8], $0x80, s3, s8, $0xb8;
	[tilespmem:$0x19200] =	vst v63  }
0x91: {  	_ =	swait.ge [sflag:s13], $0x50  }
0x92: {  	[sflag:s13] =	ssyncset.done $0x0  }
0x93: {  	[sflag:s13] =	ssyncadd.s32 $0xFFFFFFB0  }
0x94: {  	[spmem:s1] =	stream.indirect.scatter.add.f32 [tilespmem:s10], [sflag:$0x7], $0x80, s7, s8, $0xb8;
	[tilespmem:$0x19200] =	vst v63  }
0x95: {  	_ =	swait.ge [sflag:s31], $0x2800  }
0x96: {  	[sflag:s31] =	ssyncset.done $0x0  }
0x97: {  	s15 =	simm.s32 $0x14;
	s17 =	sadd.s32 $0x0, s21;
	[sflag:s31] =	ssyncadd.s32 $0xFFFFD800  }
.LBB2_4:
0x98: {  	[tilespmem:s2], [sflag:$0x4] =	stream.linear.gather [hbm4b:s17+s3], $0x50, $0x38;
	[tilespmem:$0x19200] =	vst v63  }
0x99: {  	s17 =	smov.u32 s15  }
0x9a: {  	p0 =	sne.s32 s15, $0x49C;
	s15 =	sadd.s32 $0x14, s15;
	_ =	swait.ge [sflag:s9], $0x2800  }
0x9b: {  	[sflag:s9] =	ssyncset.done $0x0  }
0x9c: {  	[sflag:s9] =	ssyncadd.s32 $0xFFFFD800  }
0x9d: {  	_ =	swait.ge [sflag:s5], $0x50  }
0x9e: {  	[sflag:s5] =	ssyncset.done $0x0  }
0x9f: {  	s18 =	sadd.s32 s17, s24;
	[sflag:s5] =	ssyncadd.s32 $0xFFFFFFB0  }
0xa0: {  	[tilespmem:s7], [sflag:$0x6] =	stream.linear.gather [hbm4b:s18+s3], $0x50, $0x38;
	[tilespmem:$0x19200] =	vst v63  }
0xa1: {  	_ = 	snop  }
0xa2: {  	[tilespmem:s10], [sflag:$0x2] =	stream.indirect.gather [hbm4b:s4+s8], $0x80, s2, s8, $0xb8;
	[tilespmem:$0x19200] =	vst v63  }
0xa3: {  	_ =	swait.ge [sflag:s6], $0x50  }
0xa4: {  	[sflag:s6] =	ssyncset.done $0x0  }
0xa5: {  	[sflag:s6] =	ssyncadd.s32 $0xFFFFFFB0  }
0xa6: {  	[spmem:s1] =	stream.indirect.scatter.add.f32 [tilespmem:s30], [sflag:$0x7], $0x80, s0, s8, $0xb8;
	[tilespmem:$0x19200] =	vst v63  }
0xa7: {  	_ =	swait.ge [sflag:s31], $0x2800  }
0xa8: {  	[sflag:s31] =	ssyncset.done $0x0  }
0xa9: {  	s18 =	sadd.s32 s17, s22;
	[sflag:s31] =	ssyncadd.s32 $0xFFFFD800  }
0xaa: {  	[tilespmem:s3], [sflag:$0x3] =	stream.linear.gather [hbm4b:s18+s3], $0x50, $0x38;
	[tilespmem:$0x19200] =	vst v63  }
0xab: {  	_ =	swait.ge [sflag:s11], $0x2800  }
0xac: {  	[sflag:s11] =	ssyncset.done $0x0  }
0xad: {  	[sflag:s11] =	ssyncadd.s32 $0xFFFFD800  }
0xae: {  	_ =	swait.ge [sflag:s12], $0x50  }
0xaf: {  	[sflag:s12] =	ssyncset.done $0x0  }
0xb0: {  	s18 =	sadd.s32 s17, s23;
	[sflag:s12] =	ssyncadd.s32 $0xFFFFFFB0  }
0xb1: {  	[tilespmem:s0], [sflag:$0x5] =	stream.linear.gather [hbm4b:s18+s3], $0x50, $0x38;
	[tilespmem:$0x19200] =	vst v63  }
0xb2: {  	_ = 	snop  }
0xb3: {  	[tilespmem:s30], [sflag:$0x1] =	stream.indirect.gather [hbm4b:s4+s8], $0x80, s3, s8, $0xb8;
	[tilespmem:$0x19200] =	vst v63  }
0xb4: {  	_ =	swait.ge [sflag:s13], $0x50  }
0xb5: {  	[sflag:s13] =	ssyncset.done $0x0  }
.Ltmp1:
0xb6: {  	[sflag:s13] =	ssyncadd.s32 $0xFFFFFFB0;
	(pc) =	sbr.rel @p0 .LBB2_4-.Ltmp1, $4  }
0xb7: {  	[spmem:s1] =	stream.indirect.scatter.add.f32 [tilespmem:s10], [sflag:$0x7], $0x80, s7, s8, $0xb8;
	[tilespmem:$0x19200] =	vst v63  }
0xb8: {  	_ =	swait.ge [sflag:s31], $0x2800  }
0xb9: {  	[sflag:s31] =	ssyncset.done $0x0  }
0xba: {  	s17 =	sadd.s32 s17, s21;
	[sflag:s31] =	ssyncadd.s32 $0xFFFFD800  }
0xbb: {  	[tilespmem:s2], [sflag:$0x4] =	stream.linear.gather [hbm4b:s17+s3], $0x50, $0x38;
	[tilespmem:$0x19200] =	vst v63  }
0xbc: {  	_ =	swait.ge [sflag:s9], $0x2800  }
0xbd: {  	[sflag:s9] =	ssyncset.done $0x0  }
0xbe: {  	[sflag:s9] =	ssyncadd.s32 $0xFFFFD800  }
0xbf: {  	_ =	swait.ge [sflag:s5], $0x50  }
0xc0: {  	[sflag:s5] =	ssyncset.done $0x0  }
0xc1: {  	s15 =	rddreg [dreg:$0xa];
	[sflag:s5] =	ssyncadd.s32 $0xFFFFFFB0  }
0xc2: {  	[tilespmem:s7], [sflag:$0x6] =	stream.linear.gather [hbm4b:s15+s3], $0x50, $0x38;
	[tilespmem:$0x19200] =	vst v63  }
0xc3: {  	_ = 	snop  }
0xc4: {  	[tilespmem:s10], [sflag:$0x2] =	stream.indirect.gather [hbm4b:s4+s8], $0x80, s2, s8, $0xb8;
	[tilespmem:$0x19200] =	vst v63  }
0xc5: {  	_ =	swait.ge [sflag:s6], $0x50  }
0xc6: {  	[sflag:s6] =	ssyncset.done $0x0  }
0xc7: {  	[sflag:s6] =	ssyncadd.s32 $0xFFFFFFB0  }
0xc8: {  	[spmem:s1] =	stream.indirect.scatter.add.f32 [tilespmem:s30], [sflag:$0x7], $0x80, s0, s8, $0xb8;
	[tilespmem:$0x19200] =	vst v63  }
0xc9: {  	_ =	swait.ge [sflag:s31], $0x2800  }
0xca: {  	[sflag:s31] =	ssyncset.done $0x0  }
0xcb: {  	s19 =	rddreg [dreg:$0xb];
	[sflag:s31] =	ssyncadd.s32 $0xFFFFD800  }
0xcc: {  	[tilespmem:s3], [sflag:$0x3] =	stream.linear.gather [hbm4b:s19+s3], $0x50, $0x38;
	[tilespmem:$0x19200] =	vst v63  }
0xcd: {  	_ =	swait.ge [sflag:s11], $0x2800  }
0xce: {  	[sflag:s11] =	ssyncset.done $0x0  }
0xcf: {  	[sflag:s11] =	ssyncadd.s32 $0xFFFFD800  }
0xd0: {  	_ =	swait.ge [sflag:s12], $0x50  }
0xd1: {  	[sflag:s12] =	ssyncset.done $0x0  }
0xd2: {  	s17 =	rddreg [dreg:$0xc];
	[sflag:s12] =	ssyncadd.s32 $0xFFFFFFB0  }
0xd3: {  	[tilespmem:s0], [sflag:$0x5] =	stream.linear.gather [hbm4b:s17+s3], $0x50, $0x38;
	[tilespmem:$0x19200] =	vst v63  }
0xd4: {  	_ = 	snop  }
0xd5: {  	[tilespmem:s30], [sflag:$0x1] =	stream.indirect.gather [hbm4b:s4+s8], $0x80, s3, s8, $0xb8;
	[tilespmem:$0x19200] =	vst v63  }
0xd6: {  	_ =	swait.ge [sflag:s13], $0x50  }
0xd7: {  	[sflag:s13] =	ssyncset.done $0x0  }
0xd8: {  	[sflag:s13] =	ssyncadd.s32 $0xFFFFFFB0  }
0xd9: {  	[spmem:s1] =	stream.indirect.scatter.add.f32 [tilespmem:s10], [sflag:$0x7], $0x80, s7, s8, $0xb8;
	[tilespmem:$0x19200] =	vst v63  }
0xda: {  	_ =	swait.ge [sflag:s31], $0x2800  }
0xdb: {  	[sflag:s31] =	ssyncset.done $0x0  }
0xdc: {  	[sflag:s31] =	ssyncadd.s32 $0xFFFFD800  }
0xdd: {  	_ =	swait.ge [sflag:s9], $0x2800  }
0xde: {  	[sflag:s9] =	ssyncset.done $0x0  }
0xdf: {  	[sflag:s9] =	ssyncadd.s32 $0xFFFFD800  }
0xe0: {  	_ =	swait.ge [sflag:s6], $0x50  }
0xe1: {  	[sflag:s6] =	ssyncset.done $0x0  }
0xe2: {  	[sflag:s6] =	ssyncadd.s32 $0xFFFFFFB0  }
0xe3: {  	[spmem:s1] =	stream.indirect.scatter.add.f32 [tilespmem:s30], [sflag:$0x7], $0x80, s0, s8, $0xb8;
	[tilespmem:$0x19200] =	vst v63  }
0xe4: {  	_ =	swait.ge [sflag:s31], $0x2800  }
0xe5: {  	[sflag:s31] =	ssyncset.done $0x0  }
0xe6: {  	s18 =	stileid.u32;
	[sflag:s31] =	ssyncadd.s32 $0xFFFFD800  }
0xe7: {  	s15 =	sshll.u32 s18, $0x6;
	[bflag:$0x0] =	sbarrier.arrive $0xFFFF  }
0xe8: {  	s15 =	sor.u32 $0x1C07, s15;
	s19 =	sshrl.u32 s16, $0x3;
	s18 =	rddreg [dreg:$0xd]  }
0xe9: {  	[hbm:s18], [sflag:s15] =	dma.local [spmem:s19], $0x2800  }
0xea: {  	_ =	swait.ge [sflag:s31], $0x2800  }
0xeb: {  	s14 =	sadd.s32 $0x1, s14;
	s19 =	rddreg [dreg:$0xe]  }
0xec: {  	p0 =	sne.s32 s14, s19  }
.Ltmp2:
0xed: {  	_ = 	snop;
	(pc) =	sbr.rel @p0 .LBB2_1-.Ltmp2, $3  }
0xee: {  	_ =	sdelay $0x1  }
0xef: {  	[sflag:s31] =	ssyncset.done $0x0  }
0xf0: {  	[sflag:s31] =	ssyncadd.s32 $0xFFFFD800  }
0xf1: {  	_ =	sfence.sel $0x180000  }
0xf2: {  	[bflag:$0x0] =	sbarrier.arrive $0xFFFF  }
0xf3: {  	_ =	strace $0x9000004A  }
0xf4: {  	s0 =	stileid.u32;
	[bflag:$0x2] =	sbarrier.arrive $0xFFFF  }
0xf5: {  	p0 =	sne.s32 s0, $0x0;
	s0 =	rddreg [dreg:$0x2]  }
0xf6: {  	s0 =	sadd.s32 @!p0 $0x100000, s0  }
0xf7: {  	[sflag:s0] =	ssyncadd.tile.s32 @!p0 $0x1;
	_ =	shalt  }
.Lfunc_end2:
_tile_overlayer_lowered:
.L_overlay_start_2:
0xf8: {  	(tag) =	ssettag $0x2  }
0xf9: {  	s0 =	rddreg [dreg:$0x0];
	s2 =	stileid.u32  }
0xfa: {  	s1 =	rddreg [dreg:$0x1];
	p0 =	sne.s32 s2, $0x0  }
0xfb: {  	s3 =	rddreg [dreg:$0x2];
	[bflag:$0x3] =	sbarrier.arrive $0xFFFF;
	s2 =	simm.s32 @!p0 $0x1C07  }
0xfc: {  	[timem:s3], [sflag:s2] =	dma.local @!p0 [hbm:s0], s1  }
0xfd: {  	s0 =	simm.s32 @!p0 $0x7  }
0xfe: {  	_ =	swait.ge @!p0 [sflag:s0], s1  }
0xff: {  	s1 =	ssub.s32 @!p0 $0x0, s1;
	[sflag:s0] =	ssyncset.done @!p0 $0x0  }
0x100: {  	[sflag:s0] =	ssyncadd.s32 @!p0 s1  }
0x101: {  	[bflag:$0x3] =	sbarrier.arrive $0xFFFF  }
0x102: {  	_ =	shalt  }

// kernel: kernel.14.cloned.1.call-start
scs
__scs_entry_jumppad:
0x0: {  	(pc) =	sbr.rel $0x88, $3  }
0x1: {  	(tag) =	ssettag $0x0;
	lr =	simm.s32 $0x1  }
0x2: {  	[smem:$0x3F90] =	sst lr;
	_ =	strace $0xD0000000  }
0x3: {  	_ = 	snop  }
0x4: {  	_ = 	snop  }
0x5: {  	_ = 	snop  }
0x6: {  	_ = 	snop  }
0x7: {  	_ = 	snop  }
__scs_overlays_trampoline_lowered:
0x8: {  	[smem:$0x3F9F] =	sst s0  }
0x9: {  	[smem:$0x3FA0] =	sst s1  }
0xa: {  	[smem:$0x3FA1] =	sst s2  }
0xb: {  	[smem:$0x3FA2] =	sst s3  }
0xc: {  	[smem:$0x3FA3] =	sst s4  }
0xd: {  	[smem:$0x3FA4] =	sst s5  }
0xe: {  	[smem:$0x3FA5] =	sst s6  }
0xf: {  	[smem:$0x3FA6] =	sst s7  }
0x10: {  	[smem:$0x3FA7] =	sst s8  }
0x11: {  	[smem:$0x3FA8] =	sst s9;
	s0 =	simm.s32 @!p0 $0x0  }
0x12: {  	s1 =	sld [smem:$0x3F8E];
	s0 =	simm.s32 @p0 $0x1  }
0x13: {  	[smem:$0x3FA9] =	sst s0;
	s0 =	simm.s32 @!p1 $0x0  }
0x14: {  	s2 =	sld [smem:$0x3F8D];
	s0 =	simm.s32 @p1 $0x1  }
0x15: {  	[smem:$0x3FAA] =	sst s0;
	s0 =	simm.s32 @!p2 $0x0  }
0x16: {  	s3 =	sld [smem:$0x3FDB];
	s0 =	simm.s32 @p2 $0x1  }
0x17: {  	s4 =	simm.s32 $0x1BF5;
	[smem:$0x3FAC] =	sst s0  }
0x18: {  	s0 =	sld [smem:$0x3F8F];
	_ =	swait.ge [sflag:s4], $0x0  }
0x19: {  	s7 =	sld [smem:$0x3F90]  }
0x1a: {  	s8 =	sadd.s32 $0xFFFFE003, lr  }
0x1b: {  	s9 =	sadd.s32 $0xFFFFFEF7, lr;
	s5 =	simm.s32 $0xFFFFFFFF;
	p2 =	slt.u32 s8, $0xFFFFF086  }
0x1c: {  	p1 =	slt.u32 s9, $0xF7A;
	s5 =	simm.s32 @!p2 $0x0  }
0x1d: {  	s5 =	simm.s32 @p1 $0x1;
	p0 =	seq.s32 s7, s2  }
0x1e: {  	s7 =	smul.u32 @!p0 $0xF7A, s2;
	p2 =	seq.s32 @!p0 s5, $0x0  }
0x1f: {  	s9 =	smul.u32 $0xF7A, s1;
	s8 =	simm.s32 @!p0 $0x1BF5;
	p2 =	por !p2, p0  }
0x20: {  	[sflag:s8] =	ssyncset.s32 @!p0 $0xFFFFF086;
	s6 =	sadd.s32 @!p0 s3, s7;
	s7 =	simm.s32 @!p0 $0x108  }
0x21: {  	s3 =	sadd.s32 s3, s9;
	s6 =	sadd.s32 @!p0 $0x88, s6;
	s7 =	simm.s32 @p2 $0x1082  }
0x22: {  	[simem:s7], [sflag:s8] =	dma.local @!p0 [hbm:s6], $0xF7A  }
0x23: {  	s9 =	sor.u32 $0xD0000000, s2;
	s6 =	simm.s32 $0x108;
	_ =	swait.ge @!p0 [sflag:s8], $0x0  }
0x24: {  	s3 =	sadd.s32 $0x88, s3;
	s6 =	simm.s32 @!p1 $0x1082;
	[sflag:s4] =	ssyncset.s32 $0xFFFFF086  }
0x25: {  	[simem:s6], [sflag:s4] =	dma.local [hbm:s3], $0xF7A  }
0x26: {  	[smem:$0x3F90] =	sst s1;
	(tag) =	ssettag s2;
	_ =	strace s9  }
0x27: {  	s1 =	sld [smem:$0x3FA0]  }
0x28: {  	s2 =	sld [smem:$0x3FA1]  }
0x29: {  	s4 =	sld [smem:$0x3FA3]  }
0x2a: {  	p0 =	seq.s32 s5, $0x0;
	s5 =	sld [smem:$0x3FA4]  }
0x2b: {  	s6 =	sld [smem:$0x3FA5]  }
0x2c: {  	s7 =	sld [smem:$0x3FA6]  }
0x2d: {  	s3 =	simm.s32 $0x108;
	s8 =	sld [smem:$0x3FA7]  }
0x2e: {  	s3 =	simm.s32 @!p0 $0x1082;
	s9 =	sld [smem:$0x3FA8]  }
0x2f: {  	lr =	sadd.s32 s0, s3;
	s0 =	sld [smem:$0x3F9F]  }
0x30: {  	s3 =	sld [smem:$0x3FA2]  }
0x31: {  	[smem:$0x3FAB] =	sst s10  }
0x32: {  	s10 =	sld [smem:$0x3FA9];
	_ =	sdelay $0x3  }
0x33: {  	p0 =	seq.s32 s10, $0x1;
	s10 =	sld [smem:$0x3FAB];
	_ =	sdelay $0x3  }
0x34: {  	[smem:$0x3FAB] =	sst s10  }
0x35: {  	s10 =	sld [smem:$0x3FAA];
	_ =	sdelay $0x3  }
0x36: {  	p1 =	seq.s32 s10, $0x1;
	s10 =	sld [smem:$0x3FAB];
	_ =	sdelay $0x3  }
0x37: {  	[smem:$0x3FAB] =	sst s10  }
0x38: {  	s10 =	sld [smem:$0x3FAC]  }
0x39: {  	_ = 	snop;
	(pc) =	sbr.ind lr, $3  }
0x3a: {  	_ = 	snop  }
0x3b: {  	_ = 	snop  }
0x3c: {  	p2 =	seq.s32 s10, $0x1;
	s10 =	sld [smem:$0x3FAB]  }
0x3d: {  	_ =	shalt  }
0x3e: {  	_ =	shalt  }
0x3f: {  	_ =	shalt  }
0x40: {  	_ =	shalt  }
0x41: {  	_ =	shalt  }
0x42: {  	_ =	shalt  }
0x43: {  	_ =	shalt  }
0x44: {  	_ =	shalt  }
0x45: {  	_ =	shalt  }
0x46: {  	_ =	shalt  }
0x47: {  	_ =	shalt  }
0x48: {  	_ =	shalt  }
0x49: {  	_ =	shalt  }
0x4a: {  	_ =	shalt  }
0x4b: {  	_ =	shalt  }
0x4c: {  	_ =	shalt  }
0x4d: {  	_ =	shalt  }
0x4e: {  	_ =	shalt  }
0x4f: {  	_ =	shalt  }
0x50: {  	_ =	shalt  }
0x51: {  	_ =	shalt  }
0x52: {  	_ =	shalt  }
0x53: {  	_ =	shalt  }
0x54: {  	_ =	shalt  }
0x55: {  	_ =	shalt  }
0x56: {  	_ =	shalt  }
0x57: {  	_ =	shalt  }
0x58: {  	_ =	shalt  }
0x59: {  	_ =	shalt  }
0x5a: {  	_ =	shalt  }
0x5b: {  	_ =	shalt  }
0x5c: {  	_ =	shalt  }
0x5d: {  	_ =	shalt  }
0x5e: {  	_ =	shalt  }
0x5f: {  	_ =	shalt  }
0x60: {  	_ =	shalt  }
0x61: {  	_ =	shalt  }
0x62: {  	_ =	shalt  }
0x63: {  	_ =	shalt  }
0x64: {  	_ =	shalt  }
0x65: {  	_ =	shalt  }
0x66: {  	_ =	shalt  }
0x67: {  	_ =	shalt  }
0x68: {  	_ =	shalt  }
0x69: {  	_ =	shalt  }
0x6a: {  	_ =	shalt  }
0x6b: {  	_ =	shalt  }
0x6c: {  	_ =	shalt  }
0x6d: {  	_ =	shalt  }
0x6e: {  	_ =	shalt  }
0x6f: {  	_ =	shalt  }
0x70: {  	_ =	shalt  }
0x71: {  	_ =	shalt  }
0x72: {  	_ =	shalt  }
0x73: {  	_ =	shalt  }
0x74: {  	_ =	shalt  }
0x75: {  	_ =	shalt  }
0x76: {  	_ =	shalt  }
0x77: {  	_ =	shalt  }
0x78: {  	_ =	shalt  }
0x79: {  	_ =	shalt  }
0x7a: {  	_ =	shalt  }
0x7b: {  	_ =	shalt  }
0x7c: {  	_ =	shalt  }
0x7d: {  	_ =	shalt  }
0x7e: {  	_ =	shalt  }
0x7f: {  	_ =	shalt  }
0x80: {  	_ =	shalt  }
0x81: {  	_ =	shalt  }
0x82: {  	_ =	shalt  }
0x83: {  	_ =	shalt  }
0x84: {  	_ =	shalt  }
0x85: {  	_ =	shalt  }
0x86: {  	_ =	shalt  }
0x87: {  	_ =	shalt  }
.Lfunc_end0:
.L_simem_size_0:
called_computation.2_lowered:
.L_overlay_start_0:
0x88: {  	s2 =	sld [smem:$0x3FD9]  }
0x89: {  	s3 =	sld [smem:$0x3FFE];
	_ =	sdelay $0x1  }
0x8a: {  	s1 =	srdreg.scid  }
0x8b: {  	s0 =	sand.u32 $0x1, s1  }
0x8c: {  	s16 =	sshll.u32 s0, $0xA;
	s2 =	sadd.s32 s3, s2  }
0x8d: {  	s2 =	sadd.s32 s2, s16  }
0x8e: {  	[smem:$0x3FB7] =	sst s2  }
0x8f: {  	_ = 	snop  }
0x90: {  	(tm) =	ssettm $0x1  }
0x91: {  	s17 =	sld [smem:$0x3FFB];
	_ =	sdelay $0x3  }
0x92: {  	_ =	strace s17  }
0x93: {  	s2 =	sld [smem:$0x3FFC];
	_ =	sdelay $0x3  }
0x94: {  	_ =	strace s2  }
0x95: {  	s2 =	sld [smem:$0x3FFD];
	_ =	sdelay $0x3  }
0x96: {  	_ =	strace s2  }
0x97: {  	_ =	strace $0x8FFFFFFF  }
0x98: {  	s18 =	sld [smem:$0x3FDB];
	_ =	sdelay $0x1  }
0x99: {  	s19 =	simm.s32 $_scs_section_size  }
0x9a: {  	s4 =	simm.s32 $_size__tile_overlayer_lowered;
	s5 =	simm.s32 $_tile_overlayer_lowered  }
0x9b: {  	s22 =	simm.s32 $0x1BFF;
	s21 =	sshll.u32 s5, $0x1;
	s2 =	sadd.s32 s19, s18  }
0x9c: {  	s6 =	simm.s32 $0x0;
	s20 =	sshll.u32 s4, $0x1;
	s4 =	sadd.s32 s21, s2  }
0x9d: {  	[timem:s6], [sflag:s22] =	dma.local [hbm:s4], s20  }
0x9e: {  	_ =	swait.ge [sflag:s22], s20  }
0x9f: {  	s3 =	ssub.s32 $0x0, s20;
	[sflag:s22] =	ssyncset.done $0x0  }
0xa0: {  	[sflag:s22] =	ssyncadd.s32 s3;
	_ =	sdelay $0x1  }
0xa1: {  	s23 =	simm.s32 $0x1B8B  }
0xa2: {  	_ =	swait.ge [sflag:s23], $0x1  }
0xa3: {  	[sflag:s23] =	ssyncset.done $0x0  }
0xa4: {  	s25 =	simm.s32 $0x1B8E;
	s24 =	sld [smem:$0x3FFE];
	[sflag:s23] =	ssyncadd.s32 $0xFFFFFFFF  }
0xa5: {  	s26 =	simm.s32 $execute0_lowered;
	[smem:$0x3FD2] =	sst s25  }
0xa6: {  	s4 =	sshll.u32 s26, $0x1;
	_ =	strace $0x8000004C;
	[dreg:$0x1] =	wrdreg $0xFFFFFFFF  }
0xa7: {  	s28 =	simm.s32 $_size_execute0_lowered;
	s2 =	sadd.s32 s2, s4;
	[dreg:$0x0] =	wrdreg $0x0  }
0xa8: {  	s4 =	sshll.u32 s28, $0x1;
	[dreg:$0x2] =	wrdreg s2  }
0xa9: {  	[dreg:$0x3] =	wrdreg s4  }
0xaa: {  	[dreg:$0x4] =	wrdreg $0xC0  }
0xab: {  	_ =	task [dreg:s6], $0x5FFFF  }
0xac: {  	[dreg:$0x1] =	wrdreg $0xFFFFFFFF  }
0xad: {  	[dreg:$0x0] =	wrdreg $0x60  }
0xae: {  	[dreg:$0x2] =	wrdreg s24  }
0xaf: {  	[dreg:$0x3] =	wrdreg $0x52000  }
0xb0: {  	[dreg:$0x4] =	wrdreg $0x9  }
0xb1: {  	_ =	task.clear_ibuf [dreg:s6], $0x5FFFF;
	_ =	strace $0x9000004C  }
0xb2: {  	s29 =	simm.s32 $0x9;
	_ =	strace $0x8000004E  }
0xb3: {  	_ =	swait.ge [sflag:s29], $0x1  }
0xb4: {  	[sflag:s29] =	ssyncadd.s32 $0xFFFFFFFF  }
0xb5: {  	_ =	strace $0x9000004E  }
0xb6: {  	_ =	sfence  }
0xb7: {  	s30 =	sld [smem:$0x0];
	_ =	sdelay $0x2  }
0xb8: {  	s31 =	sshll.u32 s1, $0xD;
	s1 =	sshrl.u32 s1, $0x2  }
0xb9: {  	s3 =	sand.u32 $0x4000, s31;
	s1 =	sadd.s32 s1, s30  }
0xba: {  	s0 =	sor.u32 s3, s0;
	s1 =	sshll.u32 s1, $0x11  }
0xbb: {  	s0 =	sor.u32 s1, s0  }
0xbc: {  	s0 =	sadd.s32 $0x8F2B, s0  }
0xbd: {  	[sflag:s0] =	ssyncadd.remote.s32 $0x1  }
0xbe: {  	_ =	sfence.sel $0xFFFF  }
0xbf: {  	[dreg:$0x0] =	wrdreg $0xFFFFFFFF;
	(pc) =	sbr.abs _section_cstart, $3  }
0xc0: {  	[dreg:$0x1] =	wrdreg $0xFFFFFFFF  }
0xc1: {  	_ =	task.clear_ibuf [dreg:s6], $0x2FFFF;
	_ =	strace $0x9FFFFFFF  }
0xc2: {  	(tm) =	ssettm $0x7FFFFFFF  }
0xc3: {  	_ =	shalt  }
tec
execute0_lowered:
.L_overlay_start_1:
0x0: {  	(tag) =	ssettag $0x1  }
0x1: {  	s0 =	rddreg [dreg:$0x0]  }
0x2: {  	s1 =	rddreg [dreg:$0x1]  }
0x3: {  	s3 =	simm.s32 $0x0;
	s2 =	srdreg.scid;
	s11 =	stileid.u32  }
0x4: {  	s30 =	simm.s32 $0x200;
	s31 =	simm.s32 $0x7;
	s6 =	smul.u32 $0x14000, s11  }
0x5: {  	[smem:$0x7FF] =	sst s3;
	s2 =	sand.u32 $0x1, s2;
	s16 =	smul.u32 $0x50000, s11  }
0x6: {  	s8 =	sadd.s32 $0x3400, s0;
	s9 =	sadd.s32 $0xD200, s0;
	s19 =	smul.u32 $0x2710, s11  }
0x7: {  	s5 =	smul.u32 $0x140000, s2;
	s4 =	sshll.u32 s2, $0x4;
	_ =	strace $0x8000004D  }
0x8: {  	s22 =	ssub.s32 $0x2, s2;
	s2 =	smul.u32 $0x27100, s2;
	s7 =	sor.u32 s11, s4  }
0x9: {  	s4 =	sadd.s32 $0x17000, s0;
	s10 =	sshrl.u32 s22, $0x1;
	s11 =	simm.s32 $0x2  }
0xa: {  	s7 =	smul.u32 $0x2710, s7;
	s5 =	sadd.s32 s6, s5;
	s23 =	ssub.s32 s22, s10  }
0xb: {  	s22 =	sadd.s32 s19, s2;
	s10 =	simm.s32 $0x2A00;
	s5 =	sshrl.u32 s5, $0x3  }
0xc: {  	s20 =	smax.u32 s23, $0x1;
	s7 =	sshrl.u32 s7, $0x3;
	s0 =	sadd.s32 s5, s0  }
0xd: {  	[dreg:$0xe] =	wrdreg s20;
	s5 =	simm.s32 $0x4;
	s12 =	sadd.s32 s8, s7  }
0xe: {  	s13 =	sadd.s32 s9, s7;
	s24 =	sadd.s32 $0xA, s7;
	[dreg:$0x3] =	wrdreg s12  }
0xf: {  	s25 =	sadd.s32 $0x14, s7;
	s0 =	sadd.s32 $0x3E200, s0;
	[dreg:$0x4] =	wrdreg s13  }
0x10: {  	s7 =	sadd.s32 $0x4D8, s7;
	s14 =	sadd.s32 s8, s24;
	[dreg:$0xd] =	wrdreg s0  }
0x11: {  	s6 =	sadd.s32 s9, s24;
	s26 =	sadd.s32 s8, s25;
	[dreg:$0x5] =	wrdreg s14  }
0x12: {  	s15 =	sadd.s32 $0x1E, s12;
	s17 =	sadd.s32 $0x4CE, s13;
	[dreg:$0x6] =	wrdreg s6  }
0x13: {  	s18 =	sadd.s32 s8, s7;
	s7 =	sadd.s32 s9, s7;
	[dreg:$0x7] =	wrdreg s26  }
0x14: {  	s24 =	sadd.s32 $0x190, s22;
	s0 =	sadd.s32 $0xF0, s22;
	[dreg:$0x9] =	wrdreg s15  }
0x15: {  	s12 =	simm.s32 $0x3;
	s13 =	simm.s32 $0x6;
	[dreg:$0xa] =	wrdreg s17  }
0x16: {  	s14 =	sadd.s32 s9, s25;
	[dreg:$0xb] =	wrdreg s18;
	s6 =	sshrl.u32 s16, $0x2  }
0x17: {  	[dreg:$0xc] =	wrdreg s7;
	s2 =	sshrl.u32 s24, $0x3;
	s25 =	sadd.s32 $0x140, s22  }
0x18: {  	s0 =	sshrl.u32 s0, $0x3;
	s7 =	simm.s32 $0x180;
	[dreg:$0x8] =	wrdreg s14  }
0x19: {  	s16 =	sadd.s32 s6, s1;
	s26 =	sshrl.u32 s25, $0x3;
	s24 =	sadd.s32 s0, s9  }
0x1a: {  	s0 =	simm.s32 $0x100;
	s6 =	simm.s32 $0x5;
	s14 =	simm.s32 $0x0  }
0x1b: {  	s21 =	sadd.s32 $0x2800, s16;
	s23 =	sadd.s32 $0x5000, s16;
	s20 =	sadd.s32 $0x7800, s16  }
0x1c: {  	s22 =	sadd.s32 s26, s8;
	s25 =	sadd.s32 $0xA000, s16;
	[dreg:$0xf] =	wrdreg s21  }
0x1d: {  	s28 =	sadd.s32 $0xF000, s16;
	s29 =	sadd.s32 $0x11800, s16;
	[dreg:$0x10] =	wrdreg s23  }
0x1e: {  	s21 =	sadd.s32 s2, s8;
	s23 =	sadd.s32 s26, s9;
	s26 =	sadd.s32 $0xC800, s16  }
0x1f: {  	v0 =	vimm.f32 $0.0e+00;
	s2 =	simm.s32 $0x80;
	s8 =	simm.s32 $0x50;
	s9 =	simm.s32 $0x1  }
.LBB2_1:
0x20: {  	s15 =	sand.u32 $0xFE00, s3  }
0x21: {  	s17 =	sand.u32 $0x70, s3;
	s18 =	sshrl.u32 s15, $0x2  }
0x22: {  	s15 =	simm.s32 $0x40;
	s18 =	sor.u32 s17, s18;
	s17 =	simm.s32 $0x0  }
.LBB2_2:
0x23: {  	p0 =	sne.s32 s15, $0x9FC0  }
0x24: {  	[tilespmem:s18+$0x200] =	vst v0;
	s17 =	sadd.s32 $0x10, s17;
	s18 =	smov.u32 s15;
	s15 =	sadd.s32 $0x40, s15  }
.Ltmp0:
0x25: {  	(pc) =	sbr.rel @p0 .LBB2_2-.Ltmp0, $4  }
0x26: {  	_ = 	snop  }
0x27: {  	s18 =	sand.u32 $0xFE00, s18  }
0x28: {  	s19 =	sand.u32 $0x70, s17;
	s18 =	sshrl.u32 s18, $0x2  }
0x29: {  	s18 =	sor.u32 s19, s18  }
0x2a: {  	[tilespmem:s18+$0x200] =	vst v0  }
0x2b: {  	[spmem:s16] =	stream.linear.scatter [tilespmem:s30], [sflag:$0x7], $0x2800, $0x38;
	[tilespmem:$0x19200] =	vst v63  }
0x2c: {  	_ =	swait.ge [sflag:s31], $0x2800  }
0x2d: {  	[sflag:s31] =	ssyncset.done $0x0  }
0x2e: {  	s15 =	rddreg [dreg:$0xf];
	[sflag:s31] =	ssyncadd.s32 $0xFFFFD800  }
0x2f: {  	[spmem:s15] =	stream.linear.scatter [tilespmem:s30], [sflag:$0x7], $0x2800, $0x38;
	[tilespmem:$0x19200] =	vst v63  }
0x30: {  	_ =	swait.ge [sflag:s31], $0x2800  }
0x31: {  	[sflag:s31] =	ssyncset.done $0x0  }
0x32: {  	s17 =	rddreg [dreg:$0x10];
	[sflag:s31] =	ssyncadd.s32 $0xFFFFD800  }
0x33: {  	[spmem:s17] =	stream.linear.scatter [tilespmem:s30], [sflag:$0x7], $0x2800, $0x38;
	[tilespmem:$0x19200] =	vst v63  }
0x34: {  	_ =	swait.ge [sflag:s31], $0x2800  }
0x35: {  	[sflag:s31] =	ssyncset.done $0x0  }
0x36: {  	[sflag:s31] =	ssyncadd.s32 $0xFFFFD800  }
0x37: {  	[spmem:s20] =	stream.linear.scatter [tilespmem:s30], [sflag:$0x7], $0x2800, $0x38;
	[tilespmem:$0x19200] =	vst v63  }
0x38: {  	_ =	swait.ge [sflag:s31], $0x2800  }
0x39: {  	[sflag:s31] =	ssyncset.done $0x0  }
0x3a: {  	[sflag:s31] =	ssyncadd.s32 $0xFFFFD800  }
0x3b: {  	[spmem:s25] =	stream.linear.scatter [tilespmem:s30], [sflag:$0x7], $0x2800, $0x38;
	[tilespmem:$0x19200] =	vst v63  }
0x3c: {  	_ =	swait.ge [sflag:s31], $0x2800  }
0x3d: {  	[sflag:s31] =	ssyncset.done $0x0  }
0x3e: {  	[sflag:s31] =	ssyncadd.s32 $0xFFFFD800  }
0x3f: {  	[spmem:s26] =	stream.linear.scatter [tilespmem:s30], [sflag:$0x7], $0x2800, $0x38;
	[tilespmem:$0x19200] =	vst v63  }
0x40: {  	_ =	swait.ge [sflag:s31], $0x2800  }
0x41: {  	[sflag:s31] =	ssyncset.done $0x0  }
0x42: {  	[sflag:s31] =	ssyncadd.s32 $0xFFFFD800  }
0x43: {  	[spmem:s28] =	stream.linear.scatter [tilespmem:s30], [sflag:$0x7], $0x2800, $0x38;
	[tilespmem:$0x19200] =	vst v63  }
0x44: {  	_ =	swait.ge [sflag:s31], $0x2800  }
0x45: {  	[sflag:s31] =	ssyncset.done $0x0  }
0x46: {  	[sflag:s31] =	ssyncadd.s32 $0xFFFFD800  }
0x47: {  	[spmem:s29] =	stream.linear.scatter [tilespmem:s30], [sflag:$0x7], $0x2800, $0x38;
	[tilespmem:$0x19200] =	vst v63  }
0x48: {  	_ =	swait.ge [sflag:s31], $0x2800  }
0x49: {  	[sflag:s31] =	ssyncset.done $0x0  }
0x4a: {  	[sflag:s31] =	ssyncadd.s32 $0xFFFFD800  }
0x4b: {  	[bflag:$0x0] =	sbarrier.arrive $0xFFFF  }
0x4c: {  	s15 =	simm.s32 $0x0;
	s17 =	rddreg [dreg:$0x3]  }
0x4d: {  	[tilespmem:s15], [sflag:$0x7] =	stream.linear.gather [hbm4b:s17+s15], $0x50, $0x38;
	[tilespmem:$0x19200] =	vst v63  }
0x4e: {  	_ =	swait.ge [sflag:s31], $0x50  }
0x4f: {  	[sflag:s31] =	ssyncset.done $0x0  }
0x50: {  	s18 =	rddreg [dreg:$0x4];
	[sflag:s31] =	ssyncadd.s32 $0xFFFFFFB0  }
0x51: {  	[tilespmem:s0], [sflag:$0x7] =	stream.linear.gather [hbm4b:s18+s15], $0x50, $0x38;
	[tilespmem:$0x19200] =	vst v63  }
0x52: {  	_ =	swait.ge [sflag:s31], $0x50  }
0x53: {  	[sflag:s31] =	ssyncset.done $0x0  }
0x54: {  	s19 =	rddreg [dreg:$0x5];
	[sflag:s31] =	ssyncadd.s32 $0xFFFFFFB0  }
0x55: {  	[tilespmem:s2], [sflag:$0x7] =	stream.linear.gather [hbm4b:s19+s15], $0x50, $0x38;
	[tilespmem:$0x19200] =	vst v63  }
0x56: {  	_ =	swait.ge [sflag:s31], $0x50  }
0x57: {  	[sflag:s31] =	ssyncset.done $0x0  }
0x58: {  	s18 =	rddreg [dreg:$0x6];
	[sflag:s31] =	ssyncadd.s32 $0xFFFFFFB0  }
0x59: {  	[tilespmem:s7], [sflag:$0x7] =	stream.linear.gather [hbm4b:s18+s15], $0x50, $0x38;
	[tilespmem:$0x19200] =	vst v63  }
0x5a: {  	_ =	swait.ge [sflag:s31], $0x50  }
0x5b: {  	[sflag:s31] =	ssyncset.done $0x0  }
0x5c: {  	[sflag:s31] =	ssyncadd.s32 $0xFFFFFFB0  }
0x5d: {  	[tilespmem:s30], [sflag:$0x1] =	stream.indirect.gather [hbm4b:s4+s8], $0x80, s15, s8, $0xb8;
	[tilespmem:$0x19200] =	vst v63  }
0x5e: {  	_ =	swait.ge [sflag:s9], $0x2800  }
0x5f: {  	[sflag:s9] =	ssyncset.done $0x0  }
0x60: {  	[sflag:s9] =	ssyncadd.s32 $0xFFFFD800  }
0x61: {  	[tilespmem:s10], [sflag:$0x2] =	stream.indirect.gather [hbm4b:s4+s8], $0x80, s2, s8, $0xb8;
	[tilespmem:$0x19200] =	vst v63  }
0x62: {  	_ = 	snop  }
0x63: {  	[spmem:s1] =	stream.indirect.scatter.add.f32 [tilespmem:s30], [sflag:$0x7], $0x80, s0, s8, $0xb8;
	[tilespmem:$0x19200] =	vst v63  }
0x64: {  	_ =	swait.ge [sflag:s31], $0x2800  }
0x65: {  	[sflag:s31] =	ssyncset.done $0x0  }
0x66: {  	s19 =	rddreg [dreg:$0x7];
	[sflag:s31] =	ssyncadd.s32 $0xFFFFD800  }
0x67: {  	[tilespmem:s15], [sflag:$0x3] =	stream.linear.gather [hbm4b:s19+s15], $0x50, $0x38;
	[tilespmem:$0x19200] =	vst v63  }
0x68: {  	_ =	swait.ge [sflag:s11], $0x2800  }
0x69: {  	[sflag:s11] =	ssyncset.done $0x0  }
0x6a: {  	[sflag:s11] =	ssyncadd.s32 $0xFFFFD800  }
0x6b: {  	_ =	swait.ge [sflag:s12], $0x50  }
0x6c: {  	[sflag:s12] =	ssyncset.done $0x0  }
0x6d: {  	s18 =	rddreg [dreg:$0x8];
	[sflag:s12] =	ssyncadd.s32 $0xFFFFFFB0  }
0x6e: {  	[tilespmem:s0], [sflag:$0x5] =	stream.linear.gather [hbm4b:s18+s15], $0x50, $0x38;
	[tilespmem:$0x19200] =	vst v63  }
0x6f: {  	_ = 	snop  }
0x70: {  	[tilespmem:s30], [sflag:$0x1] =	stream.indirect.gather [hbm4b:s4+s8], $0x80, s15, s8, $0xb8;
	[tilespmem:$0x19200] =	vst v63  }
0x71: {  	_ = 	snop  }
0x72: {  	[spmem:s1] =	stream.indirect.scatter.add.f32 [tilespmem:s10], [sflag:$0x7], $0x80, s7, s8, $0xb8;
	[tilespmem:$0x19200] =	vst v63  }
0x73: {  	_ =	swait.ge [sflag:s31], $0x2800  }
0x74: {  	[sflag:s31] =	ssyncset.done $0x0  }
0x75: {  	s19 =	rddreg [dreg:$0x9];
	[sflag:s31] =	ssyncadd.s32 $0xFFFFD800  }
0x76: {  	[tilespmem:s2], [sflag:$0x4] =	stream.linear.gather [hbm4b:s19+s15], $0x50, $0x38;
	[tilespmem:$0x19200] =	vst v63  }
0x77: {  	_ =	swait.ge [sflag:s9], $0x2800  }
0x78: {  	[sflag:s9] =	ssyncset.done $0x0  }
0x79: {  	[sflag:s9] =	ssyncadd.s32 $0xFFFFD800  }
0x7a: {  	_ =	swait.ge [sflag:s5], $0x50  }
0x7b: {  	[sflag:s5] =	ssyncset.done $0x0  }
0x7c: {  	s17 =	sadd.s32 $0x0, s24;
	[sflag:s5] =	ssyncadd.s32 $0xFFFFFFB0  }
0x7d: {  	[tilespmem:s7], [sflag:$0x6] =	stream.linear.gather [hbm4b:s17+s3], $0x50, $0x38;
	[tilespmem:$0x19200] =	vst v63  }
0x7e: {  	_ = 	snop  }
0x7f: {  	[tilespmem:s10], [sflag:$0x2] =	stream.indirect.gather [hbm4b:s4+s8], $0x80, s2, s8, $0xb8;
	[tilespmem:$0x19200] =	vst v63  }
0x80: {  	_ =	swait.ge [sflag:s6], $0x50  }
0x81: {  	[sflag:s6] =	ssyncset.done $0x0  }
0x82: {  	[sflag:s6] =	ssyncadd.s32 $0xFFFFFFB0  }
0x83: {  	[spmem:s1] =	stream.indirect.scatter.add.f32 [tilespmem:s30], [sflag:$0x7], $0x80, s0, s8, $0xb8;
	[tilespmem:$0x19200] =	vst v63  }
0x84: {  	_ =	swait.ge [sflag:s31], $0x2800  }
0x85: {  	[sflag:s31] =	ssyncset.done $0x0  }
0x86: {  	s18 =	sadd.s32 $0x0, s22;
	[sflag:s31] =	ssyncadd.s32 $0xFFFFD800  }
0x87: {  	[tilespmem:s3], [sflag:$0x3] =	stream.linear.gather [hbm4b:s18+s3], $0x50, $0x38;
	[tilespmem:$0x19200] =	vst v63  }
0x88: {  	_ =	swait.ge [sflag:s11], $0x2800  }
0x89: {  	[sflag:s11] =	ssyncset.done $0x0  }
0x8a: {  	[sflag:s11] =	ssyncadd.s32 $0xFFFFD800  }
0x8b: {  	_ =	swait.ge [sflag:s12], $0x50  }
0x8c: {  	[sflag:s12] =	ssyncset.done $0x0  }
0x8d: {  	s19 =	sadd.s32 $0x0, s23;
	[sflag:s12] =	ssyncadd.s32 $0xFFFFFFB0  }
0x8e: {  	[tilespmem:s0], [sflag:$0x5] =	stream.linear.gather [hbm4b:s19+s3], $0x50, $0x38;
	[tilespmem:$0x19200] =	vst v63  }
0x8f: {  	_ = 	snop  }
0x90: {  	[tilespmem:s30], [sflag:$0x1] =	stream.indirect.gather [hbm4b:s4+s8], $0x80, s3, s8, $0xb8;
	[tilespmem:$0x19200] =	vst v63  }
0x91: {  	_ =	swait.ge [sflag:s13], $0x50  }
0x92: {  	[sflag:s13] =	ssyncset.done $0x0  }
0x93: {  	[sflag:s13] =	ssyncadd.s32 $0xFFFFFFB0  }
0x94: {  	[spmem:s1] =	stream.indirect.scatter.add.f32 [tilespmem:s10], [sflag:$0x7], $0x80, s7, s8, $0xb8;
	[tilespmem:$0x19200] =	vst v63  }
0x95: {  	_ =	swait.ge [sflag:s31], $0x2800  }
0x96: {  	[sflag:s31] =	ssyncset.done $0x0  }
0x97: {  	s15 =	simm.s32 $0x14;
	s17 =	sadd.s32 $0x0, s21;
	[sflag:s31] =	ssyncadd.s32 $0xFFFFD800  }
.LBB2_4:
0x98: {  	[tilespmem:s2], [sflag:$0x4] =	stream.linear.gather [hbm4b:s17+s3], $0x50, $0x38;
	[tilespmem:$0x19200] =	vst v63  }
0x99: {  	s17 =	smov.u32 s15  }
0x9a: {  	p0 =	sne.s32 s15, $0x49C;
	s15 =	sadd.s32 $0x14, s15;
	_ =	swait.ge [sflag:s9], $0x2800  }
0x9b: {  	[sflag:s9] =	ssyncset.done $0x0  }
0x9c: {  	[sflag:s9] =	ssyncadd.s32 $0xFFFFD800  }
0x9d: {  	_ =	swait.ge [sflag:s5], $0x50  }
0x9e: {  	[sflag:s5] =	ssyncset.done $0x0  }
0x9f: {  	s18 =	sadd.s32 s17, s24;
	[sflag:s5] =	ssyncadd.s32 $0xFFFFFFB0  }
0xa0: {  	[tilespmem:s7], [sflag:$0x6] =	stream.linear.gather [hbm4b:s18+s3], $0x50, $0x38;
	[tilespmem:$0x19200] =	vst v63  }
0xa1: {  	_ = 	snop  }
0xa2: {  	[tilespmem:s10], [sflag:$0x2] =	stream.indirect.gather [hbm4b:s4+s8], $0x80, s2, s8, $0xb8;
	[tilespmem:$0x19200] =	vst v63  }
0xa3: {  	_ =	swait.ge [sflag:s6], $0x50  }
0xa4: {  	[sflag:s6] =	ssyncset.done $0x0  }
0xa5: {  	[sflag:s6] =	ssyncadd.s32 $0xFFFFFFB0  }
0xa6: {  	[spmem:s1] =	stream.indirect.scatter.add.f32 [tilespmem:s30], [sflag:$0x7], $0x80, s0, s8, $0xb8;
	[tilespmem:$0x19200] =	vst v63  }
0xa7: {  	_ =	swait.ge [sflag:s31], $0x2800  }
0xa8: {  	[sflag:s31] =	ssyncset.done $0x0  }
0xa9: {  	s18 =	sadd.s32 s17, s22;
	[sflag:s31] =	ssyncadd.s32 $0xFFFFD800  }
0xaa: {  	[tilespmem:s3], [sflag:$0x3] =	stream.linear.gather [hbm4b:s18+s3], $0x50, $0x38;
	[tilespmem:$0x19200] =	vst v63  }
0xab: {  	_ =	swait.ge [sflag:s11], $0x2800  }
0xac: {  	[sflag:s11] =	ssyncset.done $0x0  }
0xad: {  	[sflag:s11] =	ssyncadd.s32 $0xFFFFD800  }
0xae: {  	_ =	swait.ge [sflag:s12], $0x50  }
0xaf: {  	[sflag:s12] =	ssyncset.done $0x0  }
0xb0: {  	s18 =	sadd.s32 s17, s23;
	[sflag:s12] =	ssyncadd.s32 $0xFFFFFFB0  }
0xb1: {  	[tilespmem:s0], [sflag:$0x5] =	stream.linear.gather [hbm4b:s18+s3], $0x50, $0x38;
	[tilespmem:$0x19200] =	vst v63  }
0xb2: {  	_ = 	snop  }
0xb3: {  	[tilespmem:s30], [sflag:$0x1] =	stream.indirect.gather [hbm4b:s4+s8], $0x80, s3, s8, $0xb8;
	[tilespmem:$0x19200] =	vst v63  }
0xb4: {  	_ =	swait.ge [sflag:s13], $0x50  }
0xb5: {  	[sflag:s13] =	ssyncset.done $0x0  }
.Ltmp1:
0xb6: {  	[sflag:s13] =	ssyncadd.s32 $0xFFFFFFB0;
	(pc) =	sbr.rel @p0 .LBB2_4-.Ltmp1, $4  }
0xb7: {  	[spmem:s1] =	stream.indirect.scatter.add.f32 [tilespmem:s10], [sflag:$0x7], $0x80, s7, s8, $0xb8;
	[tilespmem:$0x19200] =	vst v63  }
0xb8: {  	_ =	swait.ge [sflag:s31], $0x2800  }
0xb9: {  	[sflag:s31] =	ssyncset.done $0x0  }
0xba: {  	s17 =	sadd.s32 s17, s21;
	[sflag:s31] =	ssyncadd.s32 $0xFFFFD800  }
0xbb: {  	[tilespmem:s2], [sflag:$0x4] =	stream.linear.gather [hbm4b:s17+s3], $0x50, $0x38;
	[tilespmem:$0x19200] =	vst v63  }
0xbc: {  	_ =	swait.ge [sflag:s9], $0x2800  }
0xbd: {  	[sflag:s9] =	ssyncset.done $0x0  }
0xbe: {  	[sflag:s9] =	ssyncadd.s32 $0xFFFFD800  }
0xbf: {  	_ =	swait.ge [sflag:s5], $0x50  }
0xc0: {  	[sflag:s5] =	ssyncset.done $0x0  }
0xc1: {  	s15 =	rddreg [dreg:$0xa];
	[sflag:s5] =	ssyncadd.s32 $0xFFFFFFB0  }
0xc2: {  	[tilespmem:s7], [sflag:$0x6] =	stream.linear.gather [hbm4b:s15+s3], $0x50, $0x38;
	[tilespmem:$0x19200] =	vst v63  }
0xc3: {  	_ = 	snop  }
0xc4: {  	[tilespmem:s10], [sflag:$0x2] =	stream.indirect.gather [hbm4b:s4+s8], $0x80, s2, s8, $0xb8;
	[tilespmem:$0x19200] =	vst v63  }
0xc5: {  	_ =	swait.ge [sflag:s6], $0x50  }
0xc6: {  	[sflag:s6] =	ssyncset.done $0x0  }
0xc7: {  	[sflag:s6] =	ssyncadd.s32 $0xFFFFFFB0  }
0xc8: {  	[spmem:s1] =	stream.indirect.scatter.add.f32 [tilespmem:s30], [sflag:$0x7], $0x80, s0, s8, $0xb8;
	[tilespmem:$0x19200] =	vst v63  }
0xc9: {  	_ =	swait.ge [sflag:s31], $0x2800  }
0xca: {  	[sflag:s31] =	ssyncset.done $0x0  }
0xcb: {  	s19 =	rddreg [dreg:$0xb];
	[sflag:s31] =	ssyncadd.s32 $0xFFFFD800  }
0xcc: {  	[tilespmem:s3], [sflag:$0x3] =	stream.linear.gather [hbm4b:s19+s3], $0x50, $0x38;
	[tilespmem:$0x19200] =	vst v63  }
0xcd: {  	_ =	swait.ge [sflag:s11], $0x2800  }
0xce: {  	[sflag:s11] =	ssyncset.done $0x0  }
0xcf: {  	[sflag:s11] =	ssyncadd.s32 $0xFFFFD800  }
0xd0: {  	_ =	swait.ge [sflag:s12], $0x50  }
0xd1: {  	[sflag:s12] =	ssyncset.done $0x0  }
0xd2: {  	s17 =	rddreg [dreg:$0xc];
	[sflag:s12] =	ssyncadd.s32 $0xFFFFFFB0  }
0xd3: {  	[tilespmem:s0], [sflag:$0x5] =	stream.linear.gather [hbm4b:s17+s3], $0x50, $0x38;
	[tilespmem:$0x19200] =	vst v63  }
0xd4: {  	_ = 	snop  }
0xd5: {  	[tilespmem:s30], [sflag:$0x1] =	stream.indirect.gather [hbm4b:s4+s8], $0x80, s3, s8, $0xb8;
	[tilespmem:$0x19200] =	vst v63  }
0xd6: {  	_ =	swait.ge [sflag:s13], $0x50  }
0xd7: {  	[sflag:s13] =	ssyncset.done $0x0  }
0xd8: {  	[sflag:s13] =	ssyncadd.s32 $0xFFFFFFB0  }
0xd9: {  	[spmem:s1] =	stream.indirect.scatter.add.f32 [tilespmem:s10], [sflag:$0x7], $0x80, s7, s8, $0xb8;
	[tilespmem:$0x19200] =	vst v63  }
0xda: {  	_ =	swait.ge [sflag:s31], $0x2800  }
0xdb: {  	[sflag:s31] =	ssyncset.done $0x0  }
0xdc: {  	[sflag:s31] =	ssyncadd.s32 $0xFFFFD800  }
0xdd: {  	_ =	swait.ge [sflag:s9], $0x2800  }
0xde: {  	[sflag:s9] =	ssyncset.done $0x0  }
0xdf: {  	[sflag:s9] =	ssyncadd.s32 $0xFFFFD800  }
0xe0: {  	_ =	swait.ge [sflag:s6], $0x50  }
0xe1: {  	[sflag:s6] =	ssyncset.done $0x0  }
0xe2: {  	[sflag:s6] =	ssyncadd.s32 $0xFFFFFFB0  }
0xe3: {  	[spmem:s1] =	stream.indirect.scatter.add.f32 [tilespmem:s30], [sflag:$0x7], $0x80, s0, s8, $0xb8;
	[tilespmem:$0x19200] =	vst v63  }
0xe4: {  	_ =	swait.ge [sflag:s31], $0x2800  }
0xe5: {  	[sflag:s31] =	ssyncset.done $0x0  }
0xe6: {  	s18 =	stileid.u32;
	[sflag:s31] =	ssyncadd.s32 $0xFFFFD800  }
0xe7: {  	s15 =	sshll.u32 s18, $0x6;
	[bflag:$0x0] =	sbarrier.arrive $0xFFFF  }
0xe8: {  	s15 =	sor.u32 $0x1C07, s15;
	s19 =	sshrl.u32 s16, $0x3;
	s18 =	rddreg [dreg:$0xd]  }
0xe9: {  	[hbm:s18], [sflag:s15] =	dma.local [spmem:s19], $0x2800  }
0xea: {  	_ =	swait.ge [sflag:s31], $0x2800  }
0xeb: {  	s14 =	sadd.s32 $0x1, s14;
	s19 =	rddreg [dreg:$0xe]  }
0xec: {  	p0 =	sne.s32 s14, s19  }
.Ltmp2:
0xed: {  	_ = 	snop;
	(pc) =	sbr.rel @p0 .LBB2_1-.Ltmp2, $3  }
0xee: {  	_ =	sdelay $0x1  }
0xef: {  	[sflag:s31] =	ssyncset.done $0x0  }
0xf0: {  	[sflag:s31] =	ssyncadd.s32 $0xFFFFD800  }
0xf1: {  	_ =	sfence.sel $0x180000  }
0xf2: {  	[bflag:$0x0] =	sbarrier.arrive $0xFFFF  }
0xf3: {  	_ =	strace $0x9000004D  }
0xf4: {  	s0 =	stileid.u32;
	[bflag:$0x2] =	sbarrier.arrive $0xFFFF  }
0xf5: {  	p0 =	sne.s32 s0, $0x0;
	s0 =	rddreg [dreg:$0x2]  }
0xf6: {  	s0 =	sadd.s32 @!p0 $0x100000, s0  }
0xf7: {  	[sflag:s0] =	ssyncadd.tile.s32 @!p0 $0x1;
	_ =	shalt  }
.Lfunc_end2:
_tile_overlayer_lowered:
.L_overlay_start_2:
0xf8: {  	(tag) =	ssettag $0x2  }
0xf9: {  	s0 =	rddreg [dreg:$0x0];
	s2 =	stileid.u32  }
0xfa: {  	s1 =	rddreg [dreg:$0x1];
	p0 =	sne.s32 s2, $0x0  }
0xfb: {  	s3 =	rddreg [dreg:$0x2];
	[bflag:$0x3] =	sbarrier.arrive $0xFFFF;
	s2 =	simm.s32 @!p0 $0x1C07  }
0xfc: {  	[timem:s3], [sflag:s2] =	dma.local @!p0 [hbm:s0], s1  }
0xfd: {  	s0 =	simm.s32 @!p0 $0x7  }
0xfe: {  	_ =	swait.ge @!p0 [sflag:s0], s1  }
0xff: {  	s1 =	ssub.s32 @!p0 $0x0, s1;
	[sflag:s0] =	ssyncset.done @!p0 $0x0  }
0x100: {  	[sflag:s0] =	ssyncadd.s32 @!p0 s1  }
0x101: {  	[bflag:$0x3] =	sbarrier.arrive $0xFFFF  }
0x102: {  	_ =	shalt  }

// kernel: kernel.8.cloned.1.call-start
scs
__scs_entry_jumppad:
0x0: {  	(pc) =	sbr.rel $0x88, $3  }
0x1: {  	(tag) =	ssettag $0x0;
	lr =	simm.s32 $0x1  }
0x2: {  	[smem:$0x3F90] =	sst lr;
	_ =	strace $0xD0000000  }
0x3: {  	_ = 	snop  }
0x4: {  	_ = 	snop  }
0x5: {  	_ = 	snop  }
0x6: {  	_ = 	snop  }
0x7: {  	_ = 	snop  }
__scs_overlays_trampoline_lowered:
0x8: {  	[smem:$0x3F9F] =	sst s0  }
0x9: {  	[smem:$0x3FA0] =	sst s1  }
0xa: {  	[smem:$0x3FA1] =	sst s2  }
0xb: {  	[smem:$0x3FA2] =	sst s3  }
0xc: {  	[smem:$0x3FA3] =	sst s4  }
0xd: {  	[smem:$0x3FA4] =	sst s5  }
0xe: {  	[smem:$0x3FA5] =	sst s6  }
0xf: {  	[smem:$0x3FA6] =	sst s7  }
0x10: {  	[smem:$0x3FA7] =	sst s8  }
0x11: {  	[smem:$0x3FA8] =	sst s9;
	s0 =	simm.s32 @!p0 $0x0  }
0x12: {  	s1 =	sld [smem:$0x3F8E];
	s0 =	simm.s32 @p0 $0x1  }
0x13: {  	[smem:$0x3FA9] =	sst s0;
	s0 =	simm.s32 @!p1 $0x0  }
0x14: {  	s2 =	sld [smem:$0x3F8D];
	s0 =	simm.s32 @p1 $0x1  }
0x15: {  	[smem:$0x3FAA] =	sst s0;
	s0 =	simm.s32 @!p2 $0x0  }
0x16: {  	s3 =	sld [smem:$0x3FDB];
	s0 =	simm.s32 @p2 $0x1  }
0x17: {  	s4 =	simm.s32 $0x1BF5;
	[smem:$0x3FAC] =	sst s0  }
0x18: {  	s0 =	sld [smem:$0x3F8F];
	_ =	swait.ge [sflag:s4], $0x0  }
0x19: {  	s7 =	sld [smem:$0x3F90]  }
0x1a: {  	s8 =	sadd.s32 $0xFFFFE003, lr  }
0x1b: {  	s9 =	sadd.s32 $0xFFFFFEF7, lr;
	s5 =	simm.s32 $0xFFFFFFFF;
	p2 =	slt.u32 s8, $0xFFFFF086  }
0x1c: {  	p1 =	slt.u32 s9, $0xF7A;
	s5 =	simm.s32 @!p2 $0x0  }
0x1d: {  	s5 =	simm.s32 @p1 $0x1;
	p0 =	seq.s32 s7, s2  }
0x1e: {  	s7 =	smul.u32 @!p0 $0xF7A, s2;
	p2 =	seq.s32 @!p0 s5, $0x0  }
0x1f: {  	s9 =	smul.u32 $0xF7A, s1;
	s8 =	simm.s32 @!p0 $0x1BF5;
	p2 =	por !p2, p0  }
0x20: {  	[sflag:s8] =	ssyncset.s32 @!p0 $0xFFFFF086;
	s6 =	sadd.s32 @!p0 s3, s7;
	s7 =	simm.s32 @!p0 $0x108  }
0x21: {  	s3 =	sadd.s32 s3, s9;
	s6 =	sadd.s32 @!p0 $0x88, s6;
	s7 =	simm.s32 @p2 $0x1082  }
0x22: {  	[simem:s7], [sflag:s8] =	dma.local @!p0 [hbm:s6], $0xF7A  }
0x23: {  	s9 =	sor.u32 $0xD0000000, s2;
	s6 =	simm.s32 $0x108;
	_ =	swait.ge @!p0 [sflag:s8], $0x0  }
0x24: {  	s3 =	sadd.s32 $0x88, s3;
	s6 =	simm.s32 @!p1 $0x1082;
	[sflag:s4] =	ssyncset.s32 $0xFFFFF086  }
0x25: {  	[simem:s6], [sflag:s4] =	dma.local [hbm:s3], $0xF7A  }
0x26: {  	[smem:$0x3F90] =	sst s1;
	(tag) =	ssettag s2;
	_ =	strace s9  }
0x27: {  	s1 =	sld [smem:$0x3FA0]  }
0x28: {  	s2 =	sld [smem:$0x3FA1]  }
0x29: {  	s4 =	sld [smem:$0x3FA3]  }
0x2a: {  	p0 =	seq.s32 s5, $0x0;
	s5 =	sld [smem:$0x3FA4]  }
0x2b: {  	s6 =	sld [smem:$0x3FA5]  }
0x2c: {  	s7 =	sld [smem:$0x3FA6]  }
0x2d: {  	s3 =	simm.s32 $0x108;
	s8 =	sld [smem:$0x3FA7]  }
0x2e: {  	s3 =	simm.s32 @!p0 $0x1082;
	s9 =	sld [smem:$0x3FA8]  }
0x2f: {  	lr =	sadd.s32 s0, s3;
	s0 =	sld [smem:$0x3F9F]  }
0x30: {  	s3 =	sld [smem:$0x3FA2]  }
0x31: {  	[smem:$0x3FAB] =	sst s10  }
0x32: {  	s10 =	sld [smem:$0x3FA9];
	_ =	sdelay $0x3  }
0x33: {  	p0 =	seq.s32 s10, $0x1;
	s10 =	sld [smem:$0x3FAB];
	_ =	sdelay $0x3  }
0x34: {  	[smem:$0x3FAB] =	sst s10  }
0x35: {  	s10 =	sld [smem:$0x3FAA];
	_ =	sdelay $0x3  }
0x36: {  	p1 =	seq.s32 s10, $0x1;
	s10 =	sld [smem:$0x3FAB];
	_ =	sdelay $0x3  }
0x37: {  	[smem:$0x3FAB] =	sst s10  }
0x38: {  	s10 =	sld [smem:$0x3FAC]  }
0x39: {  	_ = 	snop;
	(pc) =	sbr.ind lr, $3  }
0x3a: {  	_ = 	snop  }
0x3b: {  	_ = 	snop  }
0x3c: {  	p2 =	seq.s32 s10, $0x1;
	s10 =	sld [smem:$0x3FAB]  }
0x3d: {  	_ =	shalt  }
0x3e: {  	_ =	shalt  }
0x3f: {  	_ =	shalt  }
0x40: {  	_ =	shalt  }
0x41: {  	_ =	shalt  }
0x42: {  	_ =	shalt  }
0x43: {  	_ =	shalt  }
0x44: {  	_ =	shalt  }
0x45: {  	_ =	shalt  }
0x46: {  	_ =	shalt  }
0x47: {  	_ =	shalt  }
0x48: {  	_ =	shalt  }
0x49: {  	_ =	shalt  }
0x4a: {  	_ =	shalt  }
0x4b: {  	_ =	shalt  }
0x4c: {  	_ =	shalt  }
0x4d: {  	_ =	shalt  }
0x4e: {  	_ =	shalt  }
0x4f: {  	_ =	shalt  }
0x50: {  	_ =	shalt  }
0x51: {  	_ =	shalt  }
0x52: {  	_ =	shalt  }
0x53: {  	_ =	shalt  }
0x54: {  	_ =	shalt  }
0x55: {  	_ =	shalt  }
0x56: {  	_ =	shalt  }
0x57: {  	_ =	shalt  }
0x58: {  	_ =	shalt  }
0x59: {  	_ =	shalt  }
0x5a: {  	_ =	shalt  }
0x5b: {  	_ =	shalt  }
0x5c: {  	_ =	shalt  }
0x5d: {  	_ =	shalt  }
0x5e: {  	_ =	shalt  }
0x5f: {  	_ =	shalt  }
0x60: {  	_ =	shalt  }
0x61: {  	_ =	shalt  }
0x62: {  	_ =	shalt  }
0x63: {  	_ =	shalt  }
0x64: {  	_ =	shalt  }
0x65: {  	_ =	shalt  }
0x66: {  	_ =	shalt  }
0x67: {  	_ =	shalt  }
0x68: {  	_ =	shalt  }
0x69: {  	_ =	shalt  }
0x6a: {  	_ =	shalt  }
0x6b: {  	_ =	shalt  }
0x6c: {  	_ =	shalt  }
0x6d: {  	_ =	shalt  }
0x6e: {  	_ =	shalt  }
0x6f: {  	_ =	shalt  }
0x70: {  	_ =	shalt  }
0x71: {  	_ =	shalt  }
0x72: {  	_ =	shalt  }
0x73: {  	_ =	shalt  }
0x74: {  	_ =	shalt  }
0x75: {  	_ =	shalt  }
0x76: {  	_ =	shalt  }
0x77: {  	_ =	shalt  }
0x78: {  	_ =	shalt  }
0x79: {  	_ =	shalt  }
0x7a: {  	_ =	shalt  }
0x7b: {  	_ =	shalt  }
0x7c: {  	_ =	shalt  }
0x7d: {  	_ =	shalt  }
0x7e: {  	_ =	shalt  }
0x7f: {  	_ =	shalt  }
0x80: {  	_ =	shalt  }
0x81: {  	_ =	shalt  }
0x82: {  	_ =	shalt  }
0x83: {  	_ =	shalt  }
0x84: {  	_ =	shalt  }
0x85: {  	_ =	shalt  }
0x86: {  	_ =	shalt  }
0x87: {  	_ =	shalt  }
.Lfunc_end0:
.L_simem_size_0:
called_computation_lowered:
.L_overlay_start_0:
0x88: {  	s2 =	sld [smem:$0x3FD9]  }
0x89: {  	s3 =	sld [smem:$0x3FFE];
	_ =	sdelay $0x1  }
0x8a: {  	s1 =	srdreg.scid  }
0x8b: {  	s0 =	sand.u32 $0x1, s1  }
0x8c: {  	s16 =	sshll.u32 s0, $0xA;
	s2 =	sadd.s32 s3, s2  }
0x8d: {  	s2 =	sadd.s32 s2, s16  }
0x8e: {  	[smem:$0x3FB7] =	sst s2  }
0x8f: {  	_ = 	snop  }
0x90: {  	(tm) =	ssettm $0x1  }
0x91: {  	s17 =	sld [smem:$0x3FFB];
	_ =	sdelay $0x3  }
0x92: {  	_ =	strace s17  }
0x93: {  	s2 =	sld [smem:$0x3FFC];
	_ =	sdelay $0x3  }
0x94: {  	_ =	strace s2  }
0x95: {  	s2 =	sld [smem:$0x3FFD];
	_ =	sdelay $0x3  }
0x96: {  	_ =	strace s2  }
0x97: {  	_ =	strace $0x8FFFFFFF  }
0x98: {  	s18 =	sld [smem:$0x3FDB];
	_ =	sdelay $0x1  }
0x99: {  	s19 =	simm.s32 $_scs_section_size  }
0x9a: {  	s4 =	simm.s32 $_size__tile_overlayer_lowered;
	s5 =	simm.s32 $_tile_overlayer_lowered  }
0x9b: {  	s22 =	simm.s32 $0x1BFF;
	s21 =	sshll.u32 s5, $0x1;
	s2 =	sadd.s32 s19, s18  }
0x9c: {  	s6 =	simm.s32 $0x0;
	s20 =	sshll.u32 s4, $0x1;
	s4 =	sadd.s32 s21, s2  }
0x9d: {  	[timem:s6], [sflag:s22] =	dma.local [hbm:s4], s20  }
0x9e: {  	_ =	swait.ge [sflag:s22], s20  }
0x9f: {  	s3 =	ssub.s32 $0x0, s20;
	[sflag:s22] =	ssyncset.done $0x0  }
0xa0: {  	[sflag:s22] =	ssyncadd.s32 s3;
	_ =	sdelay $0x1  }
0xa1: {  	s23 =	simm.s32 $0x1B8B  }
0xa2: {  	_ =	swait.ge [sflag:s23], $0x1  }
0xa3: {  	[sflag:s23] =	ssyncset.done $0x0  }
0xa4: {  	s25 =	simm.s32 $0x1B8E;
	s24 =	sld [smem:$0x3FFE];
	[sflag:s23] =	ssyncadd.s32 $0xFFFFFFFF  }
0xa5: {  	s26 =	simm.s32 $execute0_lowered;
	[smem:$0x3FD2] =	sst s25  }
0xa6: {  	s4 =	sshll.u32 s26, $0x1;
	_ =	strace $0x80000046;
	[dreg:$0x1] =	wrdreg $0xFFFFFFFF  }
0xa7: {  	s28 =	simm.s32 $_size_execute0_lowered;
	s2 =	sadd.s32 s2, s4;
	[dreg:$0x0] =	wrdreg $0x0  }
0xa8: {  	s4 =	sshll.u32 s28, $0x1;
	[dreg:$0x2] =	wrdreg s2  }
0xa9: {  	[dreg:$0x3] =	wrdreg s4  }
0xaa: {  	[dreg:$0x4] =	wrdreg $0xC0  }
0xab: {  	_ =	task [dreg:s6], $0x5FFFF  }
0xac: {  	[dreg:$0x1] =	wrdreg $0xFFFFFFFF  }
0xad: {  	[dreg:$0x0] =	wrdreg $0x60  }
0xae: {  	[dreg:$0x2] =	wrdreg s24  }
0xaf: {  	[dreg:$0x3] =	wrdreg $0x4000  }
0xb0: {  	[dreg:$0x4] =	wrdreg $0x9  }
0xb1: {  	_ =	task.clear_ibuf [dreg:s6], $0x5FFFF;
	_ =	strace $0x90000046  }
0xb2: {  	s29 =	simm.s32 $0x9;
	_ =	strace $0x80000048  }
0xb3: {  	_ =	swait.ge [sflag:s29], $0x1  }
0xb4: {  	[sflag:s29] =	ssyncadd.s32 $0xFFFFFFFF  }
0xb5: {  	_ =	strace $0x90000048  }
0xb6: {  	_ =	sfence  }
0xb7: {  	s30 =	sld [smem:$0x0];
	_ =	sdelay $0x2  }
0xb8: {  	s31 =	sshll.u32 s1, $0xD;
	s1 =	sshrl.u32 s1, $0x2  }
0xb9: {  	s3 =	sand.u32 $0x4000, s31;
	s1 =	sadd.s32 s1, s30  }
0xba: {  	s0 =	sor.u32 s3, s0;
	s1 =	sshll.u32 s1, $0x11  }
0xbb: {  	s0 =	sor.u32 s1, s0  }
0xbc: {  	s0 =	sadd.s32 $0x8F2B, s0  }
0xbd: {  	[sflag:s0] =	ssyncadd.remote.s32 $0x1  }
0xbe: {  	_ =	sfence.sel $0xFFFF  }
0xbf: {  	[dreg:$0x0] =	wrdreg $0xFFFFFFFF;
	(pc) =	sbr.abs _section_cstart, $3  }
0xc0: {  	[dreg:$0x1] =	wrdreg $0xFFFFFFFF  }
0xc1: {  	_ =	task.clear_ibuf [dreg:s6], $0x2FFFF;
	_ =	strace $0x9FFFFFFF  }
0xc2: {  	(tm) =	ssettm $0x7FFFFFFF  }
0xc3: {  	_ =	shalt  }
tec
execute0_lowered:
.L_overlay_start_1:
0x0: {  	(tag) =	ssettag $0x1  }
0x1: {  	s4 =	rddreg [dreg:$0x0]  }
0x2: {  	s2 =	rddreg [dreg:$0x1]  }
0x3: {  	s0 =	rddreg [dreg:$0x2]  }
0x4: {  	s3 =	simm.s32 $0x0;
	s5 =	srdreg.scid;
	s1 =	stileid.u32  }
0x5: {  	s16 =	simm.s32 $0x80;
	s17 =	simm.s32 $0x50;
	s18 =	simm.s32 $0x100  }
0x6: {  	s19 =	simm.s32 $0x1;
	s20 =	simm.s32 $0x2;
	s23 =	simm.s32 $0x20  }
0x7: {  	s24 =	simm.s32 $0x10;
	[smem:$0x7FF] =	sst s3;
	s6 =	smul.u32 $0x500, s1  }
0x8: {  	s5 =	sand.u32 $0x1, s5;
	s13 =	sadd.s32 $0xD200, s4;
	s29 =	smul.u32 $0xA00, s1  }
0x9: {  	s14 =	smul.u32 $0x2710, s1;
	s21 =	sshll.u32 s1, $0x6;
	_ =	strace $0x80000047  }
0xa: {  	s7 =	sshll.u32 s5, $0x7;
	s8 =	sshll.u32 s5, $0x4;
	s26 =	ssub.s32 $0x2, s5  }
0xb: {  	s12 =	smul.u32 $0x27100, s5;
	s21 =	sor.u32 $0x1C03, s21;
	s6 =	sor.u32 s7, s6  }
0xc: {  	s25 =	sor.u32 s1, s8;
	s28 =	sshrl.u32 s26, $0x1;
	s31 =	sshrl.u32 s29, $0x2  }
0xd: {  	s6 =	sshrl.u32 s6, $0x3;
	s7 =	smul.u32 $0x2710, s25;
	s11 =	ssub.s32 s26, s28  }
0xe: {  	s5 =	sadd.s32 s31, s2;
	s12 =	sadd.s32 s14, s12;
	s25 =	simm.s32 $0x0  }
0xf: {  	s10 =	sadd.s32 s6, s4;
	s14 =	sadd.s32 $0x190, s12;
	s12 =	sadd.s32 $0x140, s12  }
0x10: {  	s11 =	smax.u32 s11, $0x1;
	s22 =	sshrl.u32 s5, $0x3;
	s30 =	sshrl.u32 s7, $0x3  }
0x11: {  	s10 =	sadd.s32 $0x17000, s10;
	s14 =	sshrl.u32 s14, $0x3;
	s15 =	sshrl.u32 s12, $0x3  }
0x12: {  	s4 =	sadd.s32 s13, s30;
	s12 =	sadd.s32 s14, s13;
	s13 =	sadd.s32 s15, s13  }
0x13: {  	s14 =	simm.s32 $0x180;
	s15 =	simm.s32 $0x3;
	s6 =	sadd.s32 $0xA, s4  }
0x14: {  	v0 =	vimm.f32 $1.000000000e+00;
	v1 =	vimm.f32 $0.0e+00;
	s7 =	sadd.s32 $0x14, s4;
	s8 =	sadd.s32 $0x1E, s4;
	s9 =	sadd.s32 $0x4D8, s4  }
.LBB2_1:
0x15: {  	[tilespmem:$0x100] =	vst v0  }
0x16: {  	[tilespmem:$0x110] =	vst v0  }
0x17: {  	[tilespmem:$0x120] =	vst v0  }
0x18: {  	[tilespmem:$0x130] =	vst v0  }
0x19: {  	[tilespmem:$0x140] =	vst v0  }
0x1a: {  	[tilespmem:$0x180] =	vst v1  }
0x1b: {  	[tilespmem:$0x190] =	vst v1  }
0x1c: {  	[tilespmem:$0x1A0] =	vst v1  }
0x1d: {  	[tilespmem:$0x1B0] =	vst v1  }
0x1e: {  	[tilespmem:$0x1C0] =	vst v1  }
0x1f: {  	[tilespmem:$0x1D0] =	vst v1  }
0x20: {  	[tilespmem:$0x1E0] =	vst v1  }
0x21: {  	[tilespmem:$0x1F0] =	vst v1  }
0x22: {  	[tilespmem:$0x200] =	vst v1  }
0x23: {  	[tilespmem:$0x210] =	vst v1  }
0x24: {  	[tilespmem:$0x220] =	vst v1  }
0x25: {  	[tilespmem:$0x230] =	vst v1  }
0x26: {  	[tilespmem:$0x240] =	vst v1  }
0x27: {  	[tilespmem:$0x250] =	vst v1  }
0x28: {  	[tilespmem:$0x260] =	vst v1  }
0x29: {  	[tilespmem:$0x270] =	vst v1  }
0x2a: {  	[tilespmem:$0x280] =	vst v1  }
0x2b: {  	[tilespmem:$0x290] =	vst v1  }
0x2c: {  	[tilespmem:$0x2A0] =	vst v1  }
0x2d: {  	[tilespmem:$0x2B0] =	vst v1  }
0x2e: {  	[tilespmem:$0x2C0] =	vst v1  }
0x2f: {  	[tilespmem:$0x2D0] =	vst v1  }
0x30: {  	[tilespmem:$0x2E0] =	vst v1  }
0x31: {  	[tilespmem:$0x2F0] =	vst v1  }
0x32: {  	[tilespmem:$0x300] =	vst v1  }
0x33: {  	[tilespmem:$0x310] =	vst v1  }
0x34: {  	[tilespmem:$0x320] =	vst v1  }
0x35: {  	[tilespmem:$0x330] =	vst v1  }
0x36: {  	[tilespmem:$0x340] =	vst v1  }
0x37: {  	[tilespmem:$0x350] =	vst v1  }
0x38: {  	[tilespmem:$0x360] =	vst v1  }
0x39: {  	[tilespmem:$0x370] =	vst v1  }
0x3a: {  	[tilespmem:$0x380] =	vst v1  }
0x3b: {  	[tilespmem:$0x390] =	vst v1  }
0x3c: {  	[tilespmem:$0x3A0] =	vst v1  }
0x3d: {  	[tilespmem:$0x3B0] =	vst v1  }
0x3e: {  	[tilespmem:$0x3C0] =	vst v1  }
0x3f: {  	[tilespmem:$0x3D0] =	vst v1  }
0x40: {  	[tilespmem:$0x3E0] =	vst v1  }
0x41: {  	[tilespmem:$0x3F0] =	vst v1  }
0x42: {  	[spmem:s5] =	stream.linear.scatter [tilespmem:s14], [sflag:$0x3], $0x280, $0x38;
	[tilespmem:$0x680] =	vst v63  }
0x43: {  	_ =	swait.ge [sflag:s15], $0x280  }
0x44: {  	[sflag:s15] =	ssyncset.done $0x0  }
0x45: {  	[sflag:s15] =	ssyncadd.s32 $0xFFFFFD80  }
0x46: {  	[bflag:$0x0] =	sbarrier.arrive $0xFFFF  }
0x47: {  	[tilespmem:s3], [sflag:$0x3] =	stream.linear.gather [hbm4b:s4+s3], $0x50, $0x38;
	[tilespmem:$0x680] =	vst v63  }
0x48: {  	_ =	swait.ge [sflag:s15], $0x50  }
0x49: {  	[sflag:s15] =	ssyncset.done $0x0  }
0x4a: {  	[sflag:s15] =	ssyncadd.s32 $0xFFFFFFB0  }
0x4b: {  	[tilespmem:s16], [sflag:$0x3] =	stream.linear.gather [hbm4b:s6+s3], $0x50, $0x38;
	[tilespmem:$0x680] =	vst v63  }
0x4c: {  	_ =	swait.ge [sflag:s15], $0x50  }
0x4d: {  	[sflag:s15] =	ssyncset.done $0x0  }
0x4e: {  	[sflag:s15] =	ssyncadd.s32 $0xFFFFFFB0  }
0x4f: {  	[spmem:s2] =	stream.indirect.scatter.add.f32 [tilespmem:s18], [sflag:$0x3], $0x1, s3, s17, $0xb8;
	[tilespmem:$0x680] =	vst v63  }
0x50: {  	_ =	swait.ge [sflag:s15], $0x50  }
0x51: {  	[sflag:s15] =	ssyncset.done $0x0  }
0x52: {  	[sflag:s15] =	ssyncadd.s32 $0xFFFFFFB0  }
0x53: {  	[tilespmem:s3], [sflag:$0x1] =	stream.linear.gather [hbm4b:s7+s3], $0x50, $0x38;
	[tilespmem:$0x680] =	vst v63  }
0x54: {  	_ = 	snop  }
0x55: {  	[spmem:s2] =	stream.indirect.scatter.add.f32 [tilespmem:s18], [sflag:$0x3], $0x1, s16, s17, $0xb8;
	[tilespmem:$0x680] =	vst v63  }
0x56: {  	_ =	swait.ge [sflag:s15], $0x50  }
0x57: {  	[sflag:s15] =	ssyncset.done $0x0  }
0x58: {  	[sflag:s15] =	ssyncadd.s32 $0xFFFFFFB0  }
0x59: {  	[tilespmem:s16], [sflag:$0x2] =	stream.linear.gather [hbm4b:s8+s3], $0x50, $0x38;
	[tilespmem:$0x680] =	vst v63  }
0x5a: {  	_ =	swait.ge [sflag:s19], $0x50  }
0x5b: {  	[sflag:s19] =	ssyncset.done $0x0  }
0x5c: {  	[sflag:s19] =	ssyncadd.s32 $0xFFFFFFB0  }
0x5d: {  	[spmem:s2] =	stream.indirect.scatter.add.f32 [tilespmem:s18], [sflag:$0x3], $0x1, s3, s17, $0xb8;
	[tilespmem:$0x680] =	vst v63  }
0x5e: {  	_ =	swait.ge [sflag:s15], $0x50  }
0x5f: {  	[sflag:s15] =	ssyncset.done $0x0  }
0x60: {  	s26 =	sadd.s32 $0x0, s13;
	[sflag:s15] =	ssyncadd.s32 $0xFFFFFFB0  }
0x61: {  	[tilespmem:s3], [sflag:$0x1] =	stream.linear.gather [hbm4b:s26+s3], $0x50, $0x38;
	[tilespmem:$0x680] =	vst v63  }
0x62: {  	_ =	swait.ge [sflag:s20], $0x50  }
0x63: {  	[sflag:s20] =	ssyncset.done $0x0  }
0x64: {  	[sflag:s20] =	ssyncadd.s32 $0xFFFFFFB0  }
0x65: {  	[spmem:s2] =	stream.indirect.scatter.add.f32 [tilespmem:s18], [sflag:$0x3], $0x1, s16, s17, $0xb8;
	[tilespmem:$0x680] =	vst v63  }
0x66: {  	_ =	swait.ge [sflag:s15], $0x50  }
0x67: {  	[sflag:s15] =	ssyncset.done $0x0  }
0x68: {  	s28 =	sadd.s32 $0x0, s12;
	s26 =	simm.s32 $0x14;
	[sflag:s15] =	ssyncadd.s32 $0xFFFFFFB0  }
.LBB2_2:
0x69: {  	[tilespmem:s16], [sflag:$0x2] =	stream.linear.gather [hbm4b:s28+s3], $0x50, $0x38;
	[tilespmem:$0x680] =	vst v63  }
0x6a: {  	s28 =	smov.u32 s26  }
0x6b: {  	p0 =	sne.s32 s26, $0x49C;
	s26 =	sadd.s32 $0x14, s26;
	_ =	swait.ge [sflag:s19], $0x50  }
0x6c: {  	[sflag:s19] =	ssyncset.done $0x0  }
0x6d: {  	[sflag:s19] =	ssyncadd.s32 $0xFFFFFFB0  }
0x6e: {  	[spmem:s2] =	stream.indirect.scatter.add.f32 [tilespmem:s18], [sflag:$0x3], $0x1, s3, s17, $0xb8;
	[tilespmem:$0x680] =	vst v63  }
0x6f: {  	_ =	swait.ge [sflag:s15], $0x50  }
0x70: {  	[sflag:s15] =	ssyncset.done $0x0  }
0x71: {  	s29 =	sadd.s32 s28, s13;
	[sflag:s15] =	ssyncadd.s32 $0xFFFFFFB0  }
0x72: {  	[tilespmem:s3], [sflag:$0x1] =	stream.linear.gather [hbm4b:s29+s3], $0x50, $0x38;
	[tilespmem:$0x680] =	vst v63  }
0x73: {  	_ =	swait.ge [sflag:s20], $0x50  }
0x74: {  	[sflag:s20] =	ssyncset.done $0x0  }
.Ltmp0:
0x75: {  	[sflag:s20] =	ssyncadd.s32 $0xFFFFFFB0;
	(pc) =	sbr.rel @p0 .LBB2_2-.Ltmp0, $4  }
0x76: {  	[spmem:s2] =	stream.indirect.scatter.add.f32 [tilespmem:s18], [sflag:$0x3], $0x1, s16, s17, $0xb8;
	[tilespmem:$0x680] =	vst v63  }
0x77: {  	_ =	swait.ge [sflag:s15], $0x50  }
0x78: {  	[sflag:s15] =	ssyncset.done $0x0  }
0x79: {  	s28 =	sadd.s32 s28, s12;
	[sflag:s15] =	ssyncadd.s32 $0xFFFFFFB0  }
0x7a: {  	[tilespmem:s16], [sflag:$0x2] =	stream.linear.gather [hbm4b:s28+s3], $0x50, $0x38;
	[tilespmem:$0x680] =	vst v63  }
0x7b: {  	_ =	swait.ge [sflag:s19], $0x50  }
0x7c: {  	[sflag:s19] =	ssyncset.done $0x0  }
0x7d: {  	[sflag:s19] =	ssyncadd.s32 $0xFFFFFFB0  }
0x7e: {  	[spmem:s2] =	stream.indirect.scatter.add.f32 [tilespmem:s18], [sflag:$0x3], $0x1, s3, s17, $0xb8;
	[tilespmem:$0x680] =	vst v63  }
0x7f: {  	_ =	swait.ge [sflag:s15], $0x50  }
0x80: {  	[sflag:s15] =	ssyncset.done $0x0  }
0x81: {  	[sflag:s15] =	ssyncadd.s32 $0xFFFFFFB0  }
0x82: {  	[tilespmem:s3], [sflag:$0x1] =	stream.linear.gather [hbm4b:s9+s3], $0x50, $0x38;
	[tilespmem:$0x680] =	vst v63  }
0x83: {  	_ =	swait.ge [sflag:s20], $0x50  }
0x84: {  	[sflag:s20] =	ssyncset.done $0x0  }
0x85: {  	[sflag:s20] =	ssyncadd.s32 $0xFFFFFFB0  }
0x86: {  	[spmem:s2] =	stream.indirect.scatter.add.f32 [tilespmem:s18], [sflag:$0x3], $0x1, s16, s17, $0xb8;
	[tilespmem:$0x680] =	vst v63  }
0x87: {  	_ =	swait.ge [sflag:s15], $0x50  }
0x88: {  	[sflag:s15] =	ssyncset.done $0x0  }
0x89: {  	[sflag:s15] =	ssyncadd.s32 $0xFFFFFFB0  }
0x8a: {  	_ =	swait.ge [sflag:s19], $0x50  }
0x8b: {  	[sflag:s19] =	ssyncset.done $0x0  }
0x8c: {  	[sflag:s19] =	ssyncadd.s32 $0xFFFFFFB0  }
0x8d: {  	[spmem:s2] =	stream.indirect.scatter.add.f32 [tilespmem:s18], [sflag:$0x3], $0x1, s3, s17, $0xb8;
	[tilespmem:$0x680] =	vst v63  }
0x8e: {  	_ =	swait.ge [sflag:s15], $0x50  }
0x8f: {  	s25 =	sadd.s32 $0x1, s25;
	[sflag:s15] =	ssyncset.done $0x0  }
0x90: {  	p0 =	sne.s32 s25, s11;
	[sflag:s15] =	ssyncadd.s32 $0xFFFFFFB0  }
.Ltmp1:
0x91: {  	[bflag:$0x0] =	sbarrier.arrive $0xFFFF;
	(pc) =	sbr.rel @p0 .LBB2_1-.Ltmp1, $4  }
0x92: {  	[hbm:s10@s23], [sflag:s21] =	dma.strided [spmem:s22@s24], $0x50, s19, $0x10   }
0x93: {  	_ =	swait.ge [sflag:s15], $0x50  }
0x94: {  	[sflag:s15] =	ssyncset.done $0x0  }
0x95: {  	[sflag:s15] =	ssyncadd.s32 $0xFFFFFFB0  }
0x96: {  	_ =	sfence.sel $0x180000  }
0x97: {  	[bflag:$0x0] =	sbarrier.arrive $0xFFFF  }
0x98: {  	p0 =	sne.s32 s1, $0x0;
	_ =	strace $0x90000047  }
0x99: {  	s0 =	sadd.s32 @!p0 $0x100000, s0;
	[bflag:$0x2] =	sbarrier.arrive $0xFFFF  }
0x9a: {  	[sflag:s0] =	ssyncadd.tile.s32 @!p0 $0x1;
	_ =	shalt  }
.Lfunc_end2:
_tile_overlayer_lowered:
.L_overlay_start_2:
0x9b: {  	(tag) =	ssettag $0x2  }
0x9c: {  	s0 =	rddreg [dreg:$0x0];
	s2 =	stileid.u32  }
0x9d: {  	s1 =	rddreg [dreg:$0x1];
	p0 =	sne.s32 s2, $0x0  }
0x9e: {  	s3 =	rddreg [dreg:$0x2];
	[bflag:$0x3] =	sbarrier.arrive $0xFFFF;
	s2 =	simm.s32 @!p0 $0x1C03  }
0x9f: {  	[timem:s3], [sflag:s2] =	dma.local @!p0 [hbm:s0], s1  }
0xa0: {  	s0 =	simm.s32 @!p0 $0x3  }
0xa1: {  	_ =	swait.ge @!p0 [sflag:s0], s1  }
0xa2: {  	s1 =	ssub.s32 @!p0 $0x0, s1;
	[sflag:s0] =	ssyncset.done @!p0 $0x0  }
0xa3: {  	[sflag:s0] =	ssyncadd.s32 @!p0 s1  }
0xa4: {  	[bflag:$0x3] =	sbarrier.arrive $0xFFFF  }
0xa5: {  	_ =	shalt  }

</sc_bundles>
